<compile_context>
chip_gen: v7x
topology: tpu7x:2x2x1
jax: 0.10.2.dev20260603
libtpu: 0.0.44.dev20260713+nightly
codegen_flags: <defaults>
</compile_context>

<pallas_src>
import functools

import jax
import jax.numpy as jnp
from jax import lax
from jax.experimental import pallas as pl
from jax.experimental.pallas import tpu as pltpu
from jax.experimental.pallas import tpu_sc as plsc

N_CORES = 2
N_SUB = 16
CHUNK = 128
IB = 32


def _sc_aggregate(table, srcm, dstm, init, half, dh, n_pass):
    cc = srcm.shape[1]
    cps = cc // N_SUB
    assert cps % 2 == 0
    acc_rows = half + N_SUB
    rows_a = ((half // N_SUB + 7) // 8) * 8
    rows_b = half - (N_SUB - 1) * rows_a
    assert rows_b > 0 and rows_b % 8 == 0 and cps % 8 == 0

    mesh = plsc.VectorSubcoreMesh(core_axis_name="c", subcore_axis_name="s")

    @functools.partial(
        pl.kernel,
        out_type=jax.ShapeDtypeStruct(init.shape, jnp.float32),
        mesh=mesh,
        scratch_types=[
            pltpu.VMEM((cps, CHUNK), jnp.int32),
            pltpu.VMEM((cps, CHUNK), jnp.int32),
            pltpu.VMEM((CHUNK, dh), jnp.float32),
            pltpu.VMEM((CHUNK, dh), jnp.float32),
            pltpu.VMEM_SHARED((acc_rows, dh), jnp.float32),
            pltpu.SemaphoreType.DMA,
            pltpu.SemaphoreType.DMA,
        ],
    )
    def k(table_hbm, src_hbm, dst_hbm, init_hbm, out_hbm,
          src_v, dst_v, rows0_v, rows1_v, acc, sem0, sem1):
        c = lax.axis_index("c")
        s = lax.axis_index("s")
        si = jnp.int32(0) * c if n_pass == 1 else c
        pltpu.sync_copy(src_hbm.at[si, pl.ds(s * cps, cps)], src_v)

        for r in range(n_pass):
            base = (c * n_pass + r) * half
            di = c if n_pass == 1 else jnp.int32(r) + 0 * c
            pltpu.sync_copy(dst_hbm.at[di, pl.ds(s * cps, cps)], dst_v)

            @pl.when(s < N_SUB - 1)
            def _():
                pltpu.sync_copy(init_hbm.at[pl.ds(base + s * rows_a, rows_a)],
                                acc.at[pl.ds(s * rows_a, rows_a)])

            @pl.when(s == N_SUB - 1)
            def _():
                tb = (N_SUB - 1) * rows_a
                pltpu.sync_copy(init_hbm.at[pl.ds(base + tb, rows_b)],
                                acc.at[pl.ds(tb, rows_b)])

            plsc.subcore_barrier()

            pltpu.async_copy(table_hbm.at[src_v.at[0]], rows0_v, sem0)

            def body(jj, carry):
                j = 2 * jj
                pltpu.async_copy(table_hbm.at[src_v.at[j + 1]], rows1_v, sem1)
                pltpu.make_async_copy(table_hbm.at[src_v.at[j]], rows0_v,
                                      sem0).wait()
                pltpu.sync_copy(rows0_v, acc.at[dst_v.at[j]], add=True)
                j2 = jnp.minimum(j + 2, cps - 1)
                pltpu.async_copy(table_hbm.at[src_v.at[j2]], rows0_v, sem0)
                pltpu.make_async_copy(table_hbm.at[src_v.at[j + 1]], rows1_v,
                                      sem1).wait()
                pltpu.sync_copy(rows1_v, acc.at[dst_v.at[j + 1]], add=True)
                return carry

            lax.fori_loop(0, cps // 2, body, 0)
            pltpu.make_async_copy(table_hbm.at[src_v.at[0]], rows0_v,
                                  sem0).wait()

            plsc.subcore_barrier()

            @pl.when(s < N_SUB - 1)
            def _():
                pltpu.sync_copy(acc.at[pl.ds(s * rows_a, rows_a)],
                                out_hbm.at[pl.ds(base + s * rows_a, rows_a)])

            @pl.when(s == N_SUB - 1)
            def _():
                tb = (N_SUB - 1) * rows_a
                pltpu.sync_copy(acc.at[pl.ds(tb, rows_b)],
                                out_hbm.at[pl.ds(base + tb, rows_b)])

    return k(table, srcm, dstm, init)


def _split_w(W, oh):
    return W.reshape(W.shape[0], 2, oh).transpose(1, 0, 2)


def _tc_sage(aggs, hs, Wl2, Wr2, b2, act, bn=1000):
    pa, n, wa = aggs.shape
    ph, _, wh = hs.shape
    oh = Wl2.shape[2]
    hi = lax.Precision.HIGHEST

    def body(agg_ref, h_ref, wl_ref, wr_ref, b_ref, o_ref):
        acc = b_ref[0]
        for p in range(pa):
            acc = acc + jnp.dot(agg_ref[p], wl_ref[0, p * wa:(p + 1) * wa, :],
                                preferred_element_type=jnp.float32,
                                precision=hi)
        for p in range(ph):
            acc = acc + jnp.dot(h_ref[p], wr_ref[0, p * wh:(p + 1) * wh, :],
                                preferred_element_type=jnp.float32,
                                precision=hi)
        o_ref[0] = jnp.tanh(acc) if act else acc

    return pl.pallas_call(
        body,
        grid=(n // bn, 2),
        in_specs=[
            pl.BlockSpec((pa, bn, wa), lambda i, j: (0, i, 0)),
            pl.BlockSpec((ph, bn, wh), lambda i, j: (0, i, 0)),
            pl.BlockSpec((1, pa * wa, oh), lambda i, j: (j, 0, 0)),
            pl.BlockSpec((1, ph * wh, oh), lambda i, j: (j, 0, 0)),
            pl.BlockSpec((1, 1, oh), lambda i, j: (j, 0, 0)),
        ],
        out_specs=pl.BlockSpec((1, bn, oh), lambda i, j: (j, i, 0)),
        out_shape=jax.ShapeDtypeStruct((2, n, oh), jnp.float32),
    )(aggs, hs, Wl2, Wr2, b2)


def _tc_proj(hs, Wl, Wr, b1, bn=1000):
    ph, n, wh = hs.shape
    dout = Wl.shape[1]
    hi = lax.Precision.HIGHEST

    def body(h_ref, wl_ref, wr_ref, b_ref, p_ref, q_ref):
        p = jnp.zeros((bn, dout), jnp.float32)
        q = b_ref[...]
        for k in range(ph):
            p = p + jnp.dot(h_ref[k], wl_ref[k * wh:(k + 1) * wh, :],
                            preferred_element_type=jnp.float32, precision=hi)
            q = q + jnp.dot(h_ref[k], wr_ref[k * wh:(k + 1) * wh, :],
                            preferred_element_type=jnp.float32, precision=hi)
        p_ref[...] = p
        q_ref[...] = q

    return pl.pallas_call(
        body,
        grid=(n // bn,),
        in_specs=[
            pl.BlockSpec((ph, bn, wh), lambda i: (0, i, 0)),
            pl.BlockSpec((ph * wh, dout), lambda i: (0, 0)),
            pl.BlockSpec((ph * wh, dout), lambda i: (0, 0)),
            pl.BlockSpec((1, dout), lambda i: (0, 0)),
        ],
        out_specs=[
            pl.BlockSpec((bn, dout), lambda i: (i, 0)),
            pl.BlockSpec((bn, dout), lambda i: (i, 0)),
        ],
        out_shape=[
            jax.ShapeDtypeStruct((n, dout), jnp.float32),
            jax.ShapeDtypeStruct((n, dout), jnp.float32),
        ],
    )(hs, Wl, Wr, b1)


def kernel(x, edge_index, Wl_in, Wr_in, b_in, Wl_med, Wr_med, b_med,
           Wl_out, Wr_out, b_out):
    n, d_in = x.shape
    e = edge_index.shape[1]
    d_hid = Wl_in.shape[1]
    d_out = Wl_out.shape[1]
    oh = d_hid // 2
    half = n // 2

    src = edge_index[0]
    dst = edge_index[1]
    per = N_SUB * CHUNK * 8
    e_pad = ((e + per - 1) // per) * per
    pad = e_pad - e
    nch = e_pad // CHUNK
    cps = nch // N_SUB
    src_p = jnp.concatenate([src, jnp.zeros((pad,), jnp.int32)])
    dst_p = jnp.concatenate([dst, jnp.full((pad,), n, jnp.int32)])

    sub_id = (jnp.arange(e_pad, dtype=jnp.int32) // CHUNK) // cps
    junk = half + sub_id

    def dst_for(r):
        lo = r * half
        in_r = (dst_p >= lo) & (dst_p < lo + half)
        return jnp.where(in_r, dst_p - lo, junk)

    d0 = dst_for(0).reshape(nch, CHUNK)
    d1 = dst_for(1).reshape(nch, CHUNK)
    srcm = jnp.stack([src_p, src_p + n]).reshape(2, nch, CHUNK)
    dstm = jnp.stack([d0, d1])

    agg = _sc_aggregate(x, srcm, dstm, jnp.zeros((n, d_in), jnp.float32),
                        half, d_in, 1)
    h = _tc_sage(agg[None], x[None], _split_w(Wl_in, oh), _split_w(Wr_in, oh),
                 b_in.reshape(2, 1, -1), act=True)

    Wl_med2 = _split_w(Wl_med, oh)
    Wr_med2 = _split_w(Wr_med, oh)
    b_med2 = b_med.reshape(2, 1, -1)
    z_hid = jnp.zeros((2 * n, oh), jnp.float32)
    for _ in range(2):
        agg = _sc_aggregate(h.reshape(2 * n, oh), srcm, dstm, z_hid,
                            half, oh, 2)
        h = _tc_sage(agg.reshape(2, n, oh), h, Wl_med2, Wr_med2, b_med2,
                     act=True)

    p, q = _tc_proj(h, Wl_out, Wr_out, b_out.reshape(1, -1))
    return _sc_aggregate(p, srcm, dstm, q, half, d_out, 1)

# --- scband reference (transcript-rebuilt; emitter-appended) ---
"""Pipeline reference for scband-gnnencoder-86406152061296 (READ-ONLY COPY).

The authoritative reference and input builder live on the scoring server;
editing this copy changes nothing except your own understanding.
"""

import jax, jax.numpy as jnp
import numpy as np

N = 10000
E = 320000
D_IN = 128
D_HID = 256
D_OUT = 128


def _glorot(key, shape):
    fan_in = shape[0]
    return jax.random.normal(key, shape, dtype=jnp.float32) * (1.0 / np.sqrt(fan_in))


def setup_inputs(seed: int = 0) -> dict:
    key = jax.random.key(seed)
    ks = jax.random.split(key, 12)
    x = jax.random.normal(ks[0], (N, D_IN), dtype=jnp.float32)
    edge_index = jax.random.randint(ks[1], (2, E), 0, N, dtype=jnp.int32)
    # SAGEConv(aggr='sum'): out = lin_l(sum_aggr(x_j)) + lin_r(x_root); bias lives on lin_l
    Wl_in = _glorot(ks[2], (D_IN, D_HID))
    Wr_in = _glorot(ks[3], (D_IN, D_HID))
    b_in = jnp.zeros((D_HID,), dtype=jnp.float32)
    Wl_med = _glorot(ks[4], (D_HID, D_HID))
    Wr_med = _glorot(ks[5], (D_HID, D_HID))
    b_med = jnp.zeros((D_HID,), dtype=jnp.float32)
    Wl_out = _glorot(ks[6], (D_HID, D_OUT))
    Wr_out = _glorot(ks[7], (D_HID, D_OUT))
    b_out = jnp.zeros((D_OUT,), dtype=jnp.float32)
    return {
        "x": x,
        "edge_index": edge_index,
        "Wl_in": Wl_in, "Wr_in": Wr_in, "b_in": b_in,
        "Wl_med": Wl_med, "Wr_med": Wr_med, "b_med": b_med,
        "Wl_out": Wl_out, "Wr_out": Wr_out, "b_out": b_out,
    }


def _sage_layer(x, src, dst, Wl, Wr, b):
    msgs = jnp.take(x, src, axis=0)                      # gather source node feats per edge
    aggr = jax.ops.segment_sum(msgs, dst, num_segments=N)  # scatter-add to dst nodes
    return aggr @ Wl + x @ Wr + b


def reference(x, edge_index, Wl_in, Wr_in, b_in, Wl_med, Wr_med, b_med, Wl_out, Wr_out, b_out):
    src = edge_index[0]
    dst = edge_index[1]
    # eval mode: Dropout is identity
    h = jnp.tanh(_sage_layer(x, src, dst, Wl_in, Wr_in, b_in))
    for _ in range(2):
        h = jnp.tanh(_sage_layer(h, src, dst, Wl_med, Wr_med, b_med))
    out = _sage_layer(h, src, dst, Wl_out, Wr_out, b_out)
    return out

if __name__ == "__main__":
    import jax
    _d = setup_inputs()
    print(jax.jit(kernel)(*tuple(_d.values())))

</pallas_src>

<mosaic_0001>
#map = affine_map<(d0, d1) -> (0, 0)>
#map1 = affine_map<(d0, d1) -> (0, 0, 0)>
module attributes {stable_mosaic.version = 14 : i64} {
  func.func @k(%arg0: i32, %arg1: i32, %arg2: memref<20000x128xf32, #tpu.memory_space<hbm>>, %arg3: memref<2x2560x128xi32, #tpu.memory_space<hbm>>, %arg4: memref<2x2560x128xi32, #tpu.memory_space<hbm>>, %arg5: memref<20000x128xf32, #tpu.memory_space<hbm>>, %arg6: memref<20000x128xf32, #tpu.memory_space<hbm>>, %arg7: memref<160x128xi32, #tpu.memory_space<vmem>>, %arg8: memref<160x128xi32, #tpu.memory_space<vmem>>, %arg9: memref<128x128xf32, #tpu.memory_space<vmem>>, %arg10: memref<128x128xf32, #tpu.memory_space<vmem>>, %arg11: memref<5016x128xf32, #tpu.memory_space<vmem_shared>>, %arg12: memref<!tpu.dma_semaphore, #tpu.memory_space<semaphore_mem>>, %arg13: memref<!tpu.dma_semaphore, #tpu.memory_space<semaphore_mem>>) attributes {dimension_semantics = [#tpu.dimension_semantics<core_parallel>, #tpu.dimension_semantics<subcore_parallel>], iteration_bounds = array<i64: 2, 16>, scalar_prefetch = 0 : i64, scratch_operands = 7 : i64, tpu.core_type = #tpu.core_type<sc_vector_subcore>, window_params = [{transform_indices = #map}, {transform_indices = #map1}, {transform_indices = #map1}, {transform_indices = #map}, {transform_indices = #map}]} {
    %mul3A = arith.constant 160 : i32
    %mul3A_0 = arith.muli %arg1, %mul3A : i32
    "tpu.region"() ({
      %run_scoped3A = tpu.sem_alloc : memref<!tpu.dma_semaphore, #tpu.memory_space<semaphore_mem>>
      %dma_start3A_100 = arith.constant 0 : i32
      %dma_start3A_101 = tpu.memref_slice %arg3[%arg0, %mul3A_0, %dma_start3A_100] : memref<2x2560x128xi32, #tpu.memory_space<hbm>> -> memref<1x160x128xi32, #tpu.memory_space<hbm>>
      %dma_start3A_102 = tpu.memref_squeeze %dma_start3A_101 : memref<1x160x128xi32, #tpu.memory_space<hbm>> -> memref<160x128xi32, #tpu.memory_space<hbm>>
      %dma_start3A_103 = arith.constant 0 : i32
      %dma_start3A_104 = tpu.memref_slice %arg3[%arg0, %mul3A_0, %dma_start3A_103] : memref<2x2560x128xi32, #tpu.memory_space<hbm>> -> memref<1x160x128xi32, #tpu.memory_space<hbm>>
      %dma_start3A_105 = tpu.memref_squeeze %dma_start3A_104 : memref<1x160x128xi32, #tpu.memory_space<hbm>> -> memref<160x128xi32, #tpu.memory_space<hbm>>
      tpu.enqueue_dma source(%dma_start3A_105 : memref<160x128xi32, #tpu.memory_space<hbm>>) target(%arg7 : memref<160x128xi32, #tpu.memory_space<vmem>>) target_semaphore(%run_scoped3A : memref<!tpu.dma_semaphore, #tpu.memory_space<semaphore_mem>>)
      %dma_wait3A_106 = arith.constant 0 : i32
      %dma_wait3A_107 = tpu.memref_slice %arg3[%arg0, %mul3A_0, %dma_wait3A_106] : memref<2x2560x128xi32, #tpu.memory_space<hbm>> -> memref<1x160x128xi32, #tpu.memory_space<hbm>>
      %dma_wait3A_108 = tpu.memref_squeeze %dma_wait3A_107 : memref<1x160x128xi32, #tpu.memory_space<hbm>> -> memref<160x128xi32, #tpu.memory_space<hbm>>
      %dma_wait3A_109 = arith.constant 0 : i32
      %dma_wait3A_110 = tpu.memref_slice %arg3[%arg0, %mul3A_0, %dma_wait3A_109] : memref<2x2560x128xi32, #tpu.memory_space<hbm>> -> memref<1x160x128xi32, #tpu.memory_space<hbm>>
      %dma_wait3A_111 = tpu.memref_squeeze %dma_wait3A_110 : memref<1x160x128xi32, #tpu.memory_space<hbm>> -> memref<160x128xi32, #tpu.memory_space<hbm>>
      tpu.wait_dma2 semaphore(%run_scoped3A : memref<!tpu.dma_semaphore, #tpu.memory_space<semaphore_mem>>) src(%dma_wait3A_111 : memref<160x128xi32, #tpu.memory_space<hbm>>) dst(%arg7 : memref<160x128xi32, #tpu.memory_space<vmem>>)
      tpu.yield
    }) : () -> ()
    %mul3A_1 = arith.constant 2 : i32
    %mul3A_2 = arith.muli %arg0, %mul3A_1 : i32
    %add3A = arith.constant 0 : i32
    %add3A_3 = arith.addi %mul3A_2, %add3A : i32
    %mul3A_4 = arith.constant 5000 : i32
    %mul3A_5 = arith.muli %add3A_3, %mul3A_4 : i32
    %mul3A_6 = arith.constant 0 : i32
    %mul3A_7 = arith.muli %mul3A_6, %arg0 : i32
    %add3A_8 = arith.constant 0 : i32
    %add3A_9 = arith.addi %add3A_8, %mul3A_7 : i32
    %mul3A_10 = arith.constant 160 : i32
    %mul3A_11 = arith.muli %arg1, %mul3A_10 : i32
    "tpu.region"() ({
      %run_scoped3A = tpu.sem_alloc : memref<!tpu.dma_semaphore, #tpu.memory_space<semaphore_mem>>
      %dma_start3A_100 = arith.constant 0 : i32
      %dma_start3A_101 = tpu.memref_slice %arg4[%add3A_9, %mul3A_11, %dma_start3A_100] : memref<2x2560x128xi32, #tpu.memory_space<hbm>> -> memref<1x160x128xi32, #tpu.memory_space<hbm>>
      %dma_start3A_102 = tpu.memref_squeeze %dma_start3A_101 : memref<1x160x128xi32, #tpu.memory_space<hbm>> -> memref<160x128xi32, #tpu.memory_space<hbm>>
      %dma_start3A_103 = arith.constant 0 : i32
      %dma_start3A_104 = tpu.memref_slice %arg4[%add3A_9, %mul3A_11, %dma_start3A_103] : memref<2x2560x128xi32, #tpu.memory_space<hbm>> -> memref<1x160x128xi32, #tpu.memory_space<hbm>>
      %dma_start3A_105 = tpu.memref_squeeze %dma_start3A_104 : memref<1x160x128xi32, #tpu.memory_space<hbm>> -> memref<160x128xi32, #tpu.memory_space<hbm>>
      tpu.enqueue_dma source(%dma_start3A_105 : memref<160x128xi32, #tpu.memory_space<hbm>>) target(%arg8 : memref<160x128xi32, #tpu.memory_space<vmem>>) target_semaphore(%run_scoped3A : memref<!tpu.dma_semaphore, #tpu.memory_space<semaphore_mem>>)
      %dma_wait3A_106 = arith.constant 0 : i32
      %dma_wait3A_107 = tpu.memref_slice %arg4[%add3A_9, %mul3A_11, %dma_wait3A_106] : memref<2x2560x128xi32, #tpu.memory_space<hbm>> -> memref<1x160x128xi32, #tpu.memory_space<hbm>>
      %dma_wait3A_108 = tpu.memref_squeeze %dma_wait3A_107 : memref<1x160x128xi32, #tpu.memory_space<hbm>> -> memref<160x128xi32, #tpu.memory_space<hbm>>
      %dma_wait3A_109 = arith.constant 0 : i32
      %dma_wait3A_110 = tpu.memref_slice %arg4[%add3A_9, %mul3A_11, %dma_wait3A_109] : memref<2x2560x128xi32, #tpu.memory_space<hbm>> -> memref<1x160x128xi32, #tpu.memory_space<hbm>>
      %dma_wait3A_111 = tpu.memref_squeeze %dma_wait3A_110 : memref<1x160x128xi32, #tpu.memory_space<hbm>> -> memref<160x128xi32, #tpu.memory_space<hbm>>
      tpu.wait_dma2 semaphore(%run_scoped3A : memref<!tpu.dma_semaphore, #tpu.memory_space<semaphore_mem>>) src(%dma_wait3A_111 : memref<160x128xi32, #tpu.memory_space<hbm>>) dst(%arg8 : memref<160x128xi32, #tpu.memory_space<vmem>>)
      tpu.yield
    }) : () -> ()
    %lt3A = arith.constant 15 : i32
    %lt3A_12 = arith.cmpi slt, %arg1, %lt3A : i32
    %convert_element_type3A = arith.extui %lt3A_12 : i1 to i32
    %cond3A = arith.constant 0 : i32
    %cond3A_13 = arith.cmpi ne, %convert_element_type3A, %cond3A : i32
    scf.if %cond3A_13 {
      %mul3A_100 = arith.constant 312 : i32
      %mul3A_101 = arith.muli %arg1, %mul3A_100 : i32
      %add3A_102 = arith.addi %mul3A_5, %mul3A_101 : i32
      %mul3A_103 = arith.constant 312 : i32
      %mul3A_104 = arith.muli %arg1, %mul3A_103 : i32
      "tpu.region"() ({
        %run_scoped3A = tpu.sem_alloc : memref<!tpu.dma_semaphore, #tpu.memory_space<semaphore_mem>>
        %dma_start3A_105 = arith.constant 0 : i32
        %dma_start3A_106 = tpu.memref_slice %arg11[%mul3A_104, %dma_start3A_105] : memref<5016x128xf32, #tpu.memory_space<vmem_shared>> -> memref<312x128xf32, #tpu.memory_space<vmem_shared>>
        %dma_start3A_107 = arith.constant 0 : i32
        %dma_start3A_108 = tpu.memref_slice %arg5[%add3A_102, %dma_start3A_107] : memref<20000x128xf32, #tpu.memory_space<hbm>> -> memref<312x128xf32, #tpu.memory_space<hbm>>
        tpu.enqueue_dma source(%dma_start3A_108 : memref<312x128xf32, #tpu.memory_space<hbm>>) target(%dma_start3A_106 : memref<312x128xf32, #tpu.memory_space<vmem_shared>>) target_semaphore(%run_scoped3A : memref<!tpu.dma_semaphore, #tpu.memory_space<semaphore_mem>>)
        %dma_wait3A_109 = arith.constant 0 : i32
        %dma_wait3A_110 = tpu.memref_slice %arg11[%mul3A_104, %dma_wait3A_109] : memref<5016x128xf32, #tpu.memory_space<vmem_shared>> -> memref<312x128xf32, #tpu.memory_space<vmem_shared>>
        %dma_wait3A_111 = arith.constant 0 : i32
        %dma_wait3A_112 = tpu.memref_slice %arg5[%add3A_102, %dma_wait3A_111] : memref<20000x128xf32, #tpu.memory_space<hbm>> -> memref<312x128xf32, #tpu.memory_space<hbm>>
        tpu.wait_dma2 semaphore(%run_scoped3A : memref<!tpu.dma_semaphore, #tpu.memory_space<semaphore_mem>>) src(%dma_wait3A_112 : memref<312x128xf32, #tpu.memory_space<hbm>>) dst(%dma_wait3A_110 : memref<312x128xf32, #tpu.memory_space<vmem_shared>>)
        tpu.yield
      }) : () -> ()
    } else {
    }
    %eq3A = arith.constant 15 : i32
    %eq3A_14 = arith.cmpi eq, %arg1, %eq3A : i32
    %convert_element_type3A_15 = arith.extui %eq3A_14 : i1 to i32
    %cond3A_16 = arith.constant 0 : i32
    %cond3A_17 = arith.cmpi ne, %convert_element_type3A_15, %cond3A_16 : i32
    scf.if %cond3A_17 {
      %add3A_100 = arith.constant 4680 : i32
      %add3A_101 = arith.addi %mul3A_5, %add3A_100 : i32
      "tpu.region"() ({
        %run_scoped3A = tpu.sem_alloc : memref<!tpu.dma_semaphore, #tpu.memory_space<semaphore_mem>>
        %dma_start3A_102 = arith.constant 4680 : i32
        %dma_start3A_103 = arith.constant 0 : i32
        %dma_start3A_104 = tpu.memref_slice %arg11[%dma_start3A_102, %dma_start3A_103] : memref<5016x128xf32, #tpu.memory_space<vmem_shared>> -> memref<320x128xf32, #tpu.memory_space<vmem_shared>>
        %dma_start3A_105 = arith.constant 0 : i32
        %dma_start3A_106 = tpu.memref_slice %arg5[%add3A_101, %dma_start3A_105] : memref<20000x128xf32, #tpu.memory_space<hbm>> -> memref<320x128xf32, #tpu.memory_space<hbm>>
        tpu.enqueue_dma source(%dma_start3A_106 : memref<320x128xf32, #tpu.memory_space<hbm>>) target(%dma_start3A_104 : memref<320x128xf32, #tpu.memory_space<vmem_shared>>) target_semaphore(%run_scoped3A : memref<!tpu.dma_semaphore, #tpu.memory_space<semaphore_mem>>)
        %dma_wait3A_107 = arith.constant 4680 : i32
        %dma_wait3A_108 = arith.constant 0 : i32
        %dma_wait3A_109 = tpu.memref_slice %arg11[%dma_wait3A_107, %dma_wait3A_108] : memref<5016x128xf32, #tpu.memory_space<vmem_shared>> -> memref<320x128xf32, #tpu.memory_space<vmem_shared>>
        %dma_wait3A_110 = arith.constant 0 : i32
        %dma_wait3A_111 = tpu.memref_slice %arg5[%add3A_101, %dma_wait3A_110] : memref<20000x128xf32, #tpu.memory_space<hbm>> -> memref<320x128xf32, #tpu.memory_space<hbm>>
        tpu.wait_dma2 semaphore(%run_scoped3A : memref<!tpu.dma_semaphore, #tpu.memory_space<semaphore_mem>>) src(%dma_wait3A_111 : memref<320x128xf32, #tpu.memory_space<hbm>>) dst(%dma_wait3A_109 : memref<320x128xf32, #tpu.memory_space<vmem_shared>>)
        tpu.yield
      }) : () -> ()
    } else {
    }
    %barrier3A = arith.constant 0 : index
    tpu.barrier barrier_id(%barrier3A)
    %dma_start3A = arith.constant 0 : i32
    %dma_start3A_18 = arith.constant 0 : i32
    %dma_start3A_19 = tpu.memref_slice %arg7[%dma_start3A, %dma_start3A_18] : memref<160x128xi32, #tpu.memory_space<vmem>> -> memref<1x128xi32, #tpu.memory_space<vmem>>
    %dma_start3A_20 = tpu.memref_squeeze %dma_start3A_19 : memref<1x128xi32, #tpu.memory_space<vmem>> -> memref<128xi32, #tpu.memory_space<vmem>>
    %dma_start3A_21 = arith.constant 0 : i32
    %dma_start3A_22 = arith.constant 0 : i32
    %dma_start3A_23 = tpu.memref_slice %arg2[%dma_start3A_21, %dma_start3A_22] : memref<20000x128xf32, #tpu.memory_space<hbm>> -> memref<20000x128xf32, #tpu.memory_space<hbm>>
    tpu.enqueue_indirect_dma source(%dma_start3A_23 : memref<20000x128xf32, #tpu.memory_space<hbm>>) target(%arg9 : memref<128x128xf32, #tpu.memory_space<vmem>>) offsets(%dma_start3A_20 : memref<128xi32, #tpu.memory_space<vmem>>) semaphore(%arg12 : memref<!tpu.dma_semaphore, #tpu.memory_space<semaphore_mem>>)
    %scan3A = arith.constant 0 : i32
    %scan3A_24 = arith.constant 0 : i32
    %scan3A_25 = arith.constant 80 : i32
    %scan3A_26 = arith.addi %scan3A_24, %scan3A_25 : i32
    %scan3A_27 = arith.constant 1 : i32
    scf.for %scan3A_100 = %scan3A_24 to %scan3A_26 step %scan3A_27  : i32 {
      %mul3A_101 = arith.constant 2 : i32
      %mul3A_102 = arith.muli %mul3A_101, %scan3A_100 : i32
      %add3A_103 = arith.constant 1 : i32
      %add3A_104 = arith.addi %mul3A_102, %add3A_103 : i32
      %dma_start3A_105 = arith.constant 0 : i32
      %dma_start3A_106 = tpu.memref_slice %arg7[%add3A_104, %dma_start3A_105] : memref<160x128xi32, #tpu.memory_space<vmem>> -> memref<1x128xi32, #tpu.memory_space<vmem>>
      %dma_start3A_107 = tpu.memref_squeeze %dma_start3A_106 : memref<1x128xi32, #tpu.memory_space<vmem>> -> memref<128xi32, #tpu.memory_space<vmem>>
      %dma_start3A_108 = arith.constant 0 : i32
      %dma_start3A_109 = arith.constant 0 : i32
      %dma_start3A_110 = tpu.memref_slice %arg2[%dma_start3A_108, %dma_start3A_109] : memref<20000x128xf32, #tpu.memory_space<hbm>> -> memref<20000x128xf32, #tpu.memory_space<hbm>>
      tpu.enqueue_indirect_dma source(%dma_start3A_110 : memref<20000x128xf32, #tpu.memory_space<hbm>>) target(%arg10 : memref<128x128xf32, #tpu.memory_space<vmem>>) offsets(%dma_start3A_107 : memref<128xi32, #tpu.memory_space<vmem>>) semaphore(%arg13 : memref<!tpu.dma_semaphore, #tpu.memory_space<semaphore_mem>>)
      %dma_wait3A_111 = arith.constant 0 : i32
      %dma_wait3A_112 = tpu.memref_slice %arg7[%mul3A_102, %dma_wait3A_111] : memref<160x128xi32, #tpu.memory_space<vmem>> -> memref<1x128xi32, #tpu.memory_space<vmem>>
      %dma_wait3A_113 = tpu.memref_squeeze %dma_wait3A_112 : memref<1x128xi32, #tpu.memory_space<vmem>> -> memref<128xi32, #tpu.memory_space<vmem>>
      %dma_wait3A_114 = arith.constant 0 : i32
      %dma_wait3A_115 = arith.constant 0 : i32
      %dma_wait3A_116 = tpu.memref_slice %arg2[%dma_wait3A_114, %dma_wait3A_115] : memref<20000x128xf32, #tpu.memory_space<hbm>> -> memref<20000x128xf32, #tpu.memory_space<hbm>>
      tpu.wait_indirect_dma semaphore(%arg12 : memref<!tpu.dma_semaphore, #tpu.memory_space<semaphore_mem>>) src(%dma_wait3A_116 : memref<20000x128xf32, #tpu.memory_space<hbm>>) dst(%arg9 : memref<128x128xf32, #tpu.memory_space<vmem>>)
      "tpu.region"() ({
        %run_scoped3A = tpu.sem_alloc : memref<!tpu.dma_semaphore, #tpu.memory_space<semaphore_mem>>
        %dma_start3A_136 = arith.constant 0 : i32
        %dma_start3A_137 = tpu.memref_slice %arg8[%mul3A_102, %dma_start3A_136] : memref<160x128xi32, #tpu.memory_space<vmem>> -> memref<1x128xi32, #tpu.memory_space<vmem>>
        %dma_start3A_138 = tpu.memref_squeeze %dma_start3A_137 : memref<1x128xi32, #tpu.memory_space<vmem>> -> memref<128xi32, #tpu.memory_space<vmem>>
        %dma_start3A_139 = arith.constant 0 : i32
        %dma_start3A_140 = arith.constant 0 : i32
        %dma_start3A_141 = tpu.memref_slice %arg11[%dma_start3A_139, %dma_start3A_140] : memref<5016x128xf32, #tpu.memory_space<vmem_shared>> -> memref<5016x128xf32, #tpu.memory_space<vmem_shared>>
        tpu.enqueue_indirect_dma source(%arg9 : memref<128x128xf32, #tpu.memory_space<vmem>>) target(%dma_start3A_141 : memref<5016x128xf32, #tpu.memory_space<vmem_shared>>) offsets(%dma_start3A_138 : memref<128xi32, #tpu.memory_space<vmem>>) semaphore(%run_scoped3A : memref<!tpu.dma_semaphore, #tpu.memory_space<semaphore_mem>>) {add = true}
        %dma_wait3A_142 = arith.constant 0 : i32
        %dma_wait3A_143 = tpu.memref_slice %arg8[%mul3A_102, %dma_wait3A_142] : memref<160x128xi32, #tpu.memory_space<vmem>> -> memref<1x128xi32, #tpu.memory_space<vmem>>
        %dma_wait3A_144 = tpu.memref_squeeze %dma_wait3A_143 : memref<1x128xi32, #tpu.memory_space<vmem>> -> memref<128xi32, #tpu.memory_space<vmem>>
        %dma_wait3A_145 = arith.constant 0 : i32
        %dma_wait3A_146 = arith.constant 0 : i32
        %dma_wait3A_147 = tpu.memref_slice %arg11[%dma_wait3A_145, %dma_wait3A_146] : memref<5016x128xf32, #tpu.memory_space<vmem_shared>> -> memref<5016x128xf32, #tpu.memory_space<vmem_shared>>
        tpu.wait_indirect_dma semaphore(%run_scoped3A : memref<!tpu.dma_semaphore, #tpu.memory_space<semaphore_mem>>) src(%arg9 : memref<128x128xf32, #tpu.memory_space<vmem>>) dst(%dma_wait3A_147 : memref<5016x128xf32, #tpu.memory_space<vmem_shared>>)
        tpu.yield
      }) : () -> ()
      %add3A_117 = arith.constant 2 : i32
      %add3A_118 = arith.addi %mul3A_102, %add3A_117 : i32
      %min3A = arith.constant 159 : i32
      %min3A_119 = arith.minsi %add3A_118, %min3A : i32
      %dma_start3A_120 = arith.constant 0 : i32
      %dma_start3A_121 = tpu.memref_slice %arg7[%min3A_119, %dma_start3A_120] : memref<160x128xi32, #tpu.memory_space<vmem>> -> memref<1x128xi32, #tpu.memory_space<vmem>>
      %dma_start3A_122 = tpu.memref_squeeze %dma_start3A_121 : memref<1x128xi32, #tpu.memory_space<vmem>> -> memref<128xi32, #tpu.memory_space<vmem>>
      %dma_start3A_123 = arith.constant 0 : i32
      %dma_start3A_124 = arith.constant 0 : i32
      %dma_start3A_125 = tpu.memref_slice %arg2[%dma_start3A_123, %dma_start3A_124] : memref<20000x128xf32, #tpu.memory_space<hbm>> -> memref<20000x128xf32, #tpu.memory_space<hbm>>
      tpu.enqueue_indirect_dma source(%dma_start3A_125 : memref<20000x128xf32, #tpu.memory_space<hbm>>) target(%arg9 : memref<128x128xf32, #tpu.memory_space<vmem>>) offsets(%dma_start3A_122 : memref<128xi32, #tpu.memory_space<vmem>>) semaphore(%arg12 : memref<!tpu.dma_semaphore, #tpu.memory_space<semaphore_mem>>)
      %add3A_126 = arith.constant 1 : i32
      %add3A_127 = arith.addi %mul3A_102, %add3A_126 : i32
      %dma_wait3A_128 = arith.constant 0 : i32
      %dma_wait3A_129 = tpu.memref_slice %arg7[%add3A_127, %dma_wait3A_128] : memref<160x128xi32, #tpu.memory_space<vmem>> -> memref<1x128xi32, #tpu.memory_space<vmem>>
      %dma_wait3A_130 = tpu.memref_squeeze %dma_wait3A_129 : memref<1x128xi32, #tpu.memory_space<vmem>> -> memref<128xi32, #tpu.memory_space<vmem>>
      %dma_wait3A_131 = arith.constant 0 : i32
      %dma_wait3A_132 = arith.constant 0 : i32
      %dma_wait3A_133 = tpu.memref_slice %arg2[%dma_wait3A_131, %dma_wait3A_132] : memref<20000x128xf32, #tpu.memory_space<hbm>> -> memref<20000x128xf32, #tpu.memory_space<hbm>>
      tpu.wait_indirect_dma semaphore(%arg13 : memref<!tpu.dma_semaphore, #tpu.memory_space<semaphore_mem>>) src(%dma_wait3A_133 : memref<20000x128xf32, #tpu.memory_space<hbm>>) dst(%arg10 : memref<128x128xf32, #tpu.memory_space<vmem>>)
      %add3A_134 = arith.constant 1 : i32
      %add3A_135 = arith.addi %mul3A_102, %add3A_134 : i32
      "tpu.region"() ({
        %run_scoped3A = tpu.sem_alloc : memref<!tpu.dma_semaphore, #tpu.memory_space<semaphore_mem>>
        %dma_start3A_136 = arith.constant 0 : i32
        %dma_start3A_137 = tpu.memref_slice %arg8[%add3A_135, %dma_start3A_136] : memref<160x128xi32, #tpu.memory_space<vmem>> -> memref<1x128xi32, #tpu.memory_space<vmem>>
        %dma_start3A_138 = tpu.memref_squeeze %dma_start3A_137 : memref<1x128xi32, #tpu.memory_space<vmem>> -> memref<128xi32, #tpu.memory_space<vmem>>
        %dma_start3A_139 = arith.constant 0 : i32
        %dma_start3A_140 = arith.constant 0 : i32
        %dma_start3A_141 = tpu.memref_slice %arg11[%dma_start3A_139, %dma_start3A_140] : memref<5016x128xf32, #tpu.memory_space<vmem_shared>> -> memref<5016x128xf32, #tpu.memory_space<vmem_shared>>
        tpu.enqueue_indirect_dma source(%arg10 : memref<128x128xf32, #tpu.memory_space<vmem>>) target(%dma_start3A_141 : memref<5016x128xf32, #tpu.memory_space<vmem_shared>>) offsets(%dma_start3A_138 : memref<128xi32, #tpu.memory_space<vmem>>) semaphore(%run_scoped3A : memref<!tpu.dma_semaphore, #tpu.memory_space<semaphore_mem>>) {add = true}
        %dma_wait3A_142 = arith.constant 0 : i32
        %dma_wait3A_143 = tpu.memref_slice %arg8[%add3A_135, %dma_wait3A_142] : memref<160x128xi32, #tpu.memory_space<vmem>> -> memref<1x128xi32, #tpu.memory_space<vmem>>
        %dma_wait3A_144 = tpu.memref_squeeze %dma_wait3A_143 : memref<1x128xi32, #tpu.memory_space<vmem>> -> memref<128xi32, #tpu.memory_space<vmem>>
        %dma_wait3A_145 = arith.constant 0 : i32
        %dma_wait3A_146 = arith.constant 0 : i32
        %dma_wait3A_147 = tpu.memref_slice %arg11[%dma_wait3A_145, %dma_wait3A_146] : memref<5016x128xf32, #tpu.memory_space<vmem_shared>> -> memref<5016x128xf32, #tpu.memory_space<vmem_shared>>
        tpu.wait_indirect_dma semaphore(%run_scoped3A : memref<!tpu.dma_semaphore, #tpu.memory_space<semaphore_mem>>) src(%arg10 : memref<128x128xf32, #tpu.memory_space<vmem>>) dst(%dma_wait3A_147 : memref<5016x128xf32, #tpu.memory_space<vmem_shared>>)
        tpu.yield
      }) : () -> ()
    }
    %scan3A_28 = arith.constant 80 : i32
    %dma_wait3A = arith.constant 0 : i32
    %dma_wait3A_29 = arith.constant 0 : i32
    %dma_wait3A_30 = tpu.memref_slice %arg7[%dma_wait3A, %dma_wait3A_29] : memref<160x128xi32, #tpu.memory_space<vmem>> -> memref<1x128xi32, #tpu.memory_space<vmem>>
    %dma_wait3A_31 = tpu.memref_squeeze %dma_wait3A_30 : memref<1x128xi32, #tpu.memory_space<vmem>> -> memref<128xi32, #tpu.memory_space<vmem>>
    %dma_wait3A_32 = arith.constant 0 : i32
    %dma_wait3A_33 = arith.constant 0 : i32
    %dma_wait3A_34 = tpu.memref_slice %arg2[%dma_wait3A_32, %dma_wait3A_33] : memref<20000x128xf32, #tpu.memory_space<hbm>> -> memref<20000x128xf32, #tpu.memory_space<hbm>>
    tpu.wait_indirect_dma semaphore(%arg12 : memref<!tpu.dma_semaphore, #tpu.memory_space<semaphore_mem>>) src(%dma_wait3A_34 : memref<20000x128xf32, #tpu.memory_space<hbm>>) dst(%arg9 : memref<128x128xf32, #tpu.memory_space<vmem>>)
    %barrier3A_35 = arith.constant 0 : index
    tpu.barrier barrier_id(%barrier3A_35)
    %lt3A_36 = arith.constant 15 : i32
    %lt3A_37 = arith.cmpi slt, %arg1, %lt3A_36 : i32
    %convert_element_type3A_38 = arith.extui %lt3A_37 : i1 to i32
    %cond3A_39 = arith.constant 0 : i32
    %cond3A_40 = arith.cmpi ne, %convert_element_type3A_38, %cond3A_39 : i32
    scf.if %cond3A_40 {
      %mul3A_100 = arith.constant 312 : i32
      %mul3A_101 = arith.muli %arg1, %mul3A_100 : i32
      %mul3A_102 = arith.constant 312 : i32
      %mul3A_103 = arith.muli %arg1, %mul3A_102 : i32
      %add3A_104 = arith.addi %mul3A_5, %mul3A_103 : i32
      "tpu.region"() ({
        %run_scoped3A = tpu.sem_alloc : memref<!tpu.dma_semaphore, #tpu.memory_space<semaphore_mem>>
        %dma_start3A_105 = arith.constant 0 : i32
        %dma_start3A_106 = tpu.memref_slice %arg6[%add3A_104, %dma_start3A_105] : memref<20000x128xf32, #tpu.memory_space<hbm>> -> memref<312x128xf32, #tpu.memory_space<hbm>>
        %dma_start3A_107 = arith.constant 0 : i32
        %dma_start3A_108 = tpu.memref_slice %arg11[%mul3A_101, %dma_start3A_107] : memref<5016x128xf32, #tpu.memory_space<vmem_shared>> -> memref<312x128xf32, #tpu.memory_space<vmem_shared>>
        tpu.enqueue_dma source(%dma_start3A_108 : memref<312x128xf32, #tpu.memory_space<vmem_shared>>) target(%dma_start3A_106 : memref<312x128xf32, #tpu.memory_space<hbm>>) target_semaphore(%run_scoped3A : memref<!tpu.dma_semaphore, #tpu.memory_space<semaphore_mem>>)
        %dma_wait3A_109 = arith.constant 0 : i32
        %dma_wait3A_110 = tpu.memref_slice %arg6[%add3A_104, %dma_wait3A_109] : memref<20000x128xf32, #tpu.memory_space<hbm>> -> memref<312x128xf32, #tpu.memory_space<hbm>>
        %dma_wait3A_111 = arith.constant 0 : i32
        %dma_wait3A_112 = tpu.memref_slice %arg11[%mul3A_101, %dma_wait3A_111] : memref<5016x128xf32, #tpu.memory_space<vmem_shared>> -> memref<312x128xf32, #tpu.memory_space<vmem_shared>>
        tpu.wait_dma2 semaphore(%run_scoped3A : memref<!tpu.dma_semaphore, #tpu.memory_space<semaphore_mem>>) src(%dma_wait3A_112 : memref<312x128xf32, #tpu.memory_space<vmem_shared>>) dst(%dma_wait3A_110 : memref<312x128xf32, #tpu.memory_space<hbm>>)
        tpu.yield
      }) : () -> ()
    } else {
    }
    %eq3A_41 = arith.constant 15 : i32
    %eq3A_42 = arith.cmpi eq, %arg1, %eq3A_41 : i32
    %convert_element_type3A_43 = arith.extui %eq3A_42 : i1 to i32
    %cond3A_44 = arith.constant 0 : i32
    %cond3A_45 = arith.cmpi ne, %convert_element_type3A_43, %cond3A_44 : i32
    scf.if %cond3A_45 {
      %add3A_100 = arith.constant 4680 : i32
      %add3A_101 = arith.addi %mul3A_5, %add3A_100 : i32
      "tpu.region"() ({
        %run_scoped3A = tpu.sem_alloc : memref<!tpu.dma_semaphore, #tpu.memory_space<semaphore_mem>>
        %dma_start3A_102 = arith.constant 0 : i32
        %dma_start3A_103 = tpu.memref_slice %arg6[%add3A_101, %dma_start3A_102] : memref<20000x128xf32, #tpu.memory_space<hbm>> -> memref<320x128xf32, #tpu.memory_space<hbm>>
        %dma_start3A_104 = arith.constant 4680 : i32
        %dma_start3A_105 = arith.constant 0 : i32
        %dma_start3A_106 = tpu.memref_slice %arg11[%dma_start3A_104, %dma_start3A_105] : memref<5016x128xf32, #tpu.memory_space<vmem_shared>> -> memref<320x128xf32, #tpu.memory_space<vmem_shared>>
        tpu.enqueue_dma source(%dma_start3A_106 : memref<320x128xf32, #tpu.memory_space<vmem_shared>>) target(%dma_start3A_103 : memref<320x128xf32, #tpu.memory_space<hbm>>) target_semaphore(%run_scoped3A : memref<!tpu.dma_semaphore, #tpu.memory_space<semaphore_mem>>)
        %dma_wait3A_107 = arith.constant 0 : i32
        %dma_wait3A_108 = tpu.memref_slice %arg6[%add3A_101, %dma_wait3A_107] : memref<20000x128xf32, #tpu.memory_space<hbm>> -> memref<320x128xf32, #tpu.memory_space<hbm>>
        %dma_wait3A_109 = arith.constant 4680 : i32
        %dma_wait3A_110 = arith.constant 0 : i32
        %dma_wait3A_111 = tpu.memref_slice %arg11[%dma_wait3A_109, %dma_wait3A_110] : memref<5016x128xf32, #tpu.memory_space<vmem_shared>> -> memref<320x128xf32, #tpu.memory_space<vmem_shared>>
        tpu.wait_dma2 semaphore(%run_scoped3A : memref<!tpu.dma_semaphore, #tpu.memory_space<semaphore_mem>>) src(%dma_wait3A_111 : memref<320x128xf32, #tpu.memory_space<vmem_shared>>) dst(%dma_wait3A_108 : memref<320x128xf32, #tpu.memory_space<hbm>>)
        tpu.yield
      }) : () -> ()
    } else {
    }
    %mul3A_46 = arith.constant 2 : i32
    %mul3A_47 = arith.muli %arg0, %mul3A_46 : i32
    %add3A_48 = arith.constant 1 : i32
    %add3A_49 = arith.addi %mul3A_47, %add3A_48 : i32
    %mul3A_50 = arith.constant 5000 : i32
    %mul3A_51 = arith.muli %add3A_49, %mul3A_50 : i32
    %mul3A_52 = arith.constant 0 : i32
    %mul3A_53 = arith.muli %mul3A_52, %arg0 : i32
    %add3A_54 = arith.constant 1 : i32
    %add3A_55 = arith.addi %add3A_54, %mul3A_53 : i32
    %mul3A_56 = arith.constant 160 : i32
    %mul3A_57 = arith.muli %arg1, %mul3A_56 : i32
    "tpu.region"() ({
      %run_scoped3A = tpu.sem_alloc : memref<!tpu.dma_semaphore, #tpu.memory_space<semaphore_mem>>
      %dma_start3A_100 = arith.constant 0 : i32
      %dma_start3A_101 = tpu.memref_slice %arg4[%add3A_55, %mul3A_57, %dma_start3A_100] : memref<2x2560x128xi32, #tpu.memory_space<hbm>> -> memref<1x160x128xi32, #tpu.memory_space<hbm>>
      %dma_start3A_102 = tpu.memref_squeeze %dma_start3A_101 : memref<1x160x128xi32, #tpu.memory_space<hbm>> -> memref<160x128xi32, #tpu.memory_space<hbm>>
      %dma_start3A_103 = arith.constant 0 : i32
      %dma_start3A_104 = tpu.memref_slice %arg4[%add3A_55, %mul3A_57, %dma_start3A_103] : memref<2x2560x128xi32, #tpu.memory_space<hbm>> -> memref<1x160x128xi32, #tpu.memory_space<hbm>>
      %dma_start3A_105 = tpu.memref_squeeze %dma_start3A_104 : memref<1x160x128xi32, #tpu.memory_space<hbm>> -> memref<160x128xi32, #tpu.memory_space<hbm>>
      tpu.enqueue_dma source(%dma_start3A_105 : memref<160x128xi32, #tpu.memory_space<hbm>>) target(%arg8 : memref<160x128xi32, #tpu.memory_space<vmem>>) target_semaphore(%run_scoped3A : memref<!tpu.dma_semaphore, #tpu.memory_space<semaphore_mem>>)
      %dma_wait3A_106 = arith.constant 0 : i32
      %dma_wait3A_107 = tpu.memref_slice %arg4[%add3A_55, %mul3A_57, %dma_wait3A_106] : memref<2x2560x128xi32, #tpu.memory_space<hbm>> -> memref<1x160x128xi32, #tpu.memory_space<hbm>>
      %dma_wait3A_108 = tpu.memref_squeeze %dma_wait3A_107 : memref<1x160x128xi32, #tpu.memory_space<hbm>> -> memref<160x128xi32, #tpu.memory_space<hbm>>
      %dma_wait3A_109 = arith.constant 0 : i32
      %dma_wait3A_110 = tpu.memref_slice %arg4[%add3A_55, %mul3A_57, %dma_wait3A_109] : memref<2x2560x128xi32, #tpu.memory_space<hbm>> -> memref<1x160x128xi32, #tpu.memory_space<hbm>>
      %dma_wait3A_111 = tpu.memref_squeeze %dma_wait3A_110 : memref<1x160x128xi32, #tpu.memory_space<hbm>> -> memref<160x128xi32, #tpu.memory_space<hbm>>
      tpu.wait_dma2 semaphore(%run_scoped3A : memref<!tpu.dma_semaphore, #tpu.memory_space<semaphore_mem>>) src(%dma_wait3A_111 : memref<160x128xi32, #tpu.memory_space<hbm>>) dst(%arg8 : memref<160x128xi32, #tpu.memory_space<vmem>>)
      tpu.yield
    }) : () -> ()
    %lt3A_58 = arith.constant 15 : i32
    %lt3A_59 = arith.cmpi slt, %arg1, %lt3A_58 : i32
    %convert_element_type3A_60 = arith.extui %lt3A_59 : i1 to i32
    %cond3A_61 = arith.constant 0 : i32
    %cond3A_62 = arith.cmpi ne, %convert_element_type3A_60, %cond3A_61 : i32
    scf.if %cond3A_62 {
      %mul3A_100 = arith.constant 312 : i32
      %mul3A_101 = arith.muli %arg1, %mul3A_100 : i32
      %add3A_102 = arith.addi %mul3A_51, %mul3A_101 : i32
      %mul3A_103 = arith.constant 312 : i32
      %mul3A_104 = arith.muli %arg1, %mul3A_103 : i32
      "tpu.region"() ({
        %run_scoped3A = tpu.sem_alloc : memref<!tpu.dma_semaphore, #tpu.memory_space<semaphore_mem>>
        %dma_start3A_105 = arith.constant 0 : i32
        %dma_start3A_106 = tpu.memref_slice %arg11[%mul3A_104, %dma_start3A_105] : memref<5016x128xf32, #tpu.memory_space<vmem_shared>> -> memref<312x128xf32, #tpu.memory_space<vmem_shared>>
        %dma_start3A_107 = arith.constant 0 : i32
        %dma_start3A_108 = tpu.memref_slice %arg5[%add3A_102, %dma_start3A_107] : memref<20000x128xf32, #tpu.memory_space<hbm>> -> memref<312x128xf32, #tpu.memory_space<hbm>>
        tpu.enqueue_dma source(%dma_start3A_108 : memref<312x128xf32, #tpu.memory_space<hbm>>) target(%dma_start3A_106 : memref<312x128xf32, #tpu.memory_space<vmem_shared>>) target_semaphore(%run_scoped3A : memref<!tpu.dma_semaphore, #tpu.memory_space<semaphore_mem>>)
        %dma_wait3A_109 = arith.constant 0 : i32
        %dma_wait3A_110 = tpu.memref_slice %arg11[%mul3A_104, %dma_wait3A_109] : memref<5016x128xf32, #tpu.memory_space<vmem_shared>> -> memref<312x128xf32, #tpu.memory_space<vmem_shared>>
        %dma_wait3A_111 = arith.constant 0 : i32
        %dma_wait3A_112 = tpu.memref_slice %arg5[%add3A_102, %dma_wait3A_111] : memref<20000x128xf32, #tpu.memory_space<hbm>> -> memref<312x128xf32, #tpu.memory_space<hbm>>
        tpu.wait_dma2 semaphore(%run_scoped3A : memref<!tpu.dma_semaphore, #tpu.memory_space<semaphore_mem>>) src(%dma_wait3A_112 : memref<312x128xf32, #tpu.memory_space<hbm>>) dst(%dma_wait3A_110 : memref<312x128xf32, #tpu.memory_space<vmem_shared>>)
        tpu.yield
      }) : () -> ()
    } else {
    }
    %eq3A_63 = arith.constant 15 : i32
    %eq3A_64 = arith.cmpi eq, %arg1, %eq3A_63 : i32
    %convert_element_type3A_65 = arith.extui %eq3A_64 : i1 to i32
    %cond3A_66 = arith.constant 0 : i32
    %cond3A_67 = arith.cmpi ne, %convert_element_type3A_65, %cond3A_66 : i32
    scf.if %cond3A_67 {
      %add3A_100 = arith.constant 4680 : i32
      %add3A_101 = arith.addi %mul3A_51, %add3A_100 : i32
      "tpu.region"() ({
        %run_scoped3A = tpu.sem_alloc : memref<!tpu.dma_semaphore, #tpu.memory_space<semaphore_mem>>
        %dma_start3A_102 = arith.constant 4680 : i32
        %dma_start3A_103 = arith.constant 0 : i32
        %dma_start3A_104 = tpu.memref_slice %arg11[%dma_start3A_102, %dma_start3A_103] : memref<5016x128xf32, #tpu.memory_space<vmem_shared>> -> memref<320x128xf32, #tpu.memory_space<vmem_shared>>
        %dma_start3A_105 = arith.constant 0 : i32
        %dma_start3A_106 = tpu.memref_slice %arg5[%add3A_101, %dma_start3A_105] : memref<20000x128xf32, #tpu.memory_space<hbm>> -> memref<320x128xf32, #tpu.memory_space<hbm>>
        tpu.enqueue_dma source(%dma_start3A_106 : memref<320x128xf32, #tpu.memory_space<hbm>>) target(%dma_start3A_104 : memref<320x128xf32, #tpu.memory_space<vmem_shared>>) target_semaphore(%run_scoped3A : memref<!tpu.dma_semaphore, #tpu.memory_space<semaphore_mem>>)
        %dma_wait3A_107 = arith.constant 4680 : i32
        %dma_wait3A_108 = arith.constant 0 : i32
        %dma_wait3A_109 = tpu.memref_slice %arg11[%dma_wait3A_107, %dma_wait3A_108] : memref<5016x128xf32, #tpu.memory_space<vmem_shared>> -> memref<320x128xf32, #tpu.memory_space<vmem_shared>>
        %dma_wait3A_110 = arith.constant 0 : i32
        %dma_wait3A_111 = tpu.memref_slice %arg5[%add3A_101, %dma_wait3A_110] : memref<20000x128xf32, #tpu.memory_space<hbm>> -> memref<320x128xf32, #tpu.memory_space<hbm>>
        tpu.wait_dma2 semaphore(%run_scoped3A : memref<!tpu.dma_semaphore, #tpu.memory_space<semaphore_mem>>) src(%dma_wait3A_111 : memref<320x128xf32, #tpu.memory_space<hbm>>) dst(%dma_wait3A_109 : memref<320x128xf32, #tpu.memory_space<vmem_shared>>)
        tpu.yield
      }) : () -> ()
    } else {
    }
    %barrier3A_68 = arith.constant 0 : index
    tpu.barrier barrier_id(%barrier3A_68)
    %dma_start3A_69 = arith.constant 0 : i32
    %dma_start3A_70 = arith.constant 0 : i32
    %dma_start3A_71 = tpu.memref_slice %arg7[%dma_start3A_69, %dma_start3A_70] : memref<160x128xi32, #tpu.memory_space<vmem>> -> memref<1x128xi32, #tpu.memory_space<vmem>>
    %dma_start3A_72 = tpu.memref_squeeze %dma_start3A_71 : memref<1x128xi32, #tpu.memory_space<vmem>> -> memref<128xi32, #tpu.memory_space<vmem>>
    %dma_start3A_73 = arith.constant 0 : i32
    %dma_start3A_74 = arith.constant 0 : i32
    %dma_start3A_75 = tpu.memref_slice %arg2[%dma_start3A_73, %dma_start3A_74] : memref<20000x128xf32, #tpu.memory_space<hbm>> -> memref<20000x128xf32, #tpu.memory_space<hbm>>
    tpu.enqueue_indirect_dma source(%dma_start3A_75 : memref<20000x128xf32, #tpu.memory_space<hbm>>) target(%arg9 : memref<128x128xf32, #tpu.memory_space<vmem>>) offsets(%dma_start3A_72 : memref<128xi32, #tpu.memory_space<vmem>>) semaphore(%arg12 : memref<!tpu.dma_semaphore, #tpu.memory_space<semaphore_mem>>)
    %scan3A_76 = arith.constant 0 : i32
    %scan3A_77 = arith.constant 0 : i32
    %scan3A_78 = arith.constant 80 : i32
    %scan3A_79 = arith.addi %scan3A_77, %scan3A_78 : i32
    %scan3A_80 = arith.constant 1 : i32
    scf.for %scan3A_100 = %scan3A_77 to %scan3A_79 step %scan3A_80  : i32 {
      %mul3A_101 = arith.constant 2 : i32
      %mul3A_102 = arith.muli %mul3A_101, %scan3A_100 : i32
      %add3A_103 = arith.constant 1 : i32
      %add3A_104 = arith.addi %mul3A_102, %add3A_103 : i32
      %dma_start3A_105 = arith.constant 0 : i32
      %dma_start3A_106 = tpu.memref_slice %arg7[%add3A_104, %dma_start3A_105] : memref<160x128xi32, #tpu.memory_space<vmem>> -> memref<1x128xi32, #tpu.memory_space<vmem>>
      %dma_start3A_107 = tpu.memref_squeeze %dma_start3A_106 : memref<1x128xi32, #tpu.memory_space<vmem>> -> memref<128xi32, #tpu.memory_space<vmem>>
      %dma_start3A_108 = arith.constant 0 : i32
      %dma_start3A_109 = arith.constant 0 : i32
      %dma_start3A_110 = tpu.memref_slice %arg2[%dma_start3A_108, %dma_start3A_109] : memref<20000x128xf32, #tpu.memory_space<hbm>> -> memref<20000x128xf32, #tpu.memory_space<hbm>>
      tpu.enqueue_indirect_dma source(%dma_start3A_110 : memref<20000x128xf32, #tpu.memory_space<hbm>>) target(%arg10 : memref<128x128xf32, #tpu.memory_space<vmem>>) offsets(%dma_start3A_107 : memref<128xi32, #tpu.memory_space<vmem>>) semaphore(%arg13 : memref<!tpu.dma_semaphore, #tpu.memory_space<semaphore_mem>>)
      %dma_wait3A_111 = arith.constant 0 : i32
      %dma_wait3A_112 = tpu.memref_slice %arg7[%mul3A_102, %dma_wait3A_111] : memref<160x128xi32, #tpu.memory_space<vmem>> -> memref<1x128xi32, #tpu.memory_space<vmem>>
      %dma_wait3A_113 = tpu.memref_squeeze %dma_wait3A_112 : memref<1x128xi32, #tpu.memory_space<vmem>> -> memref<128xi32, #tpu.memory_space<vmem>>
      %dma_wait3A_114 = arith.constant 0 : i32
      %dma_wait3A_115 = arith.constant 0 : i32
      %dma_wait3A_116 = tpu.memref_slice %arg2[%dma_wait3A_114, %dma_wait3A_115] : memref<20000x128xf32, #tpu.memory_space<hbm>> -> memref<20000x128xf32, #tpu.memory_space<hbm>>
      tpu.wait_indirect_dma semaphore(%arg12 : memref<!tpu.dma_semaphore, #tpu.memory_space<semaphore_mem>>) src(%dma_wait3A_116 : memref<20000x128xf32, #tpu.memory_space<hbm>>) dst(%arg9 : memref<128x128xf32, #tpu.memory_space<vmem>>)
      "tpu.region"() ({
        %run_scoped3A = tpu.sem_alloc : memref<!tpu.dma_semaphore, #tpu.memory_space<semaphore_mem>>
        %dma_start3A_136 = arith.constant 0 : i32
        %dma_start3A_137 = tpu.memref_slice %arg8[%mul3A_102, %dma_start3A_136] : memref<160x128xi32, #tpu.memory_space<vmem>> -> memref<1x128xi32, #tpu.memory_space<vmem>>
        %dma_start3A_138 = tpu.memref_squeeze %dma_start3A_137 : memref<1x128xi32, #tpu.memory_space<vmem>> -> memref<128xi32, #tpu.memory_space<vmem>>
        %dma_start3A_139 = arith.constant 0 : i32
        %dma_start3A_140 = arith.constant 0 : i32
        %dma_start3A_141 = tpu.memref_slice %arg11[%dma_start3A_139, %dma_start3A_140] : memref<5016x128xf32, #tpu.memory_space<vmem_shared>> -> memref<5016x128xf32, #tpu.memory_space<vmem_shared>>
        tpu.enqueue_indirect_dma source(%arg9 : memref<128x128xf32, #tpu.memory_space<vmem>>) target(%dma_start3A_141 : memref<5016x128xf32, #tpu.memory_space<vmem_shared>>) offsets(%dma_start3A_138 : memref<128xi32, #tpu.memory_space<vmem>>) semaphore(%run_scoped3A : memref<!tpu.dma_semaphore, #tpu.memory_space<semaphore_mem>>) {add = true}
        %dma_wait3A_142 = arith.constant 0 : i32
        %dma_wait3A_143 = tpu.memref_slice %arg8[%mul3A_102, %dma_wait3A_142] : memref<160x128xi32, #tpu.memory_space<vmem>> -> memref<1x128xi32, #tpu.memory_space<vmem>>
        %dma_wait3A_144 = tpu.memref_squeeze %dma_wait3A_143 : memref<1x128xi32, #tpu.memory_space<vmem>> -> memref<128xi32, #tpu.memory_space<vmem>>
        %dma_wait3A_145 = arith.constant 0 : i32
        %dma_wait3A_146 = arith.constant 0 : i32
        %dma_wait3A_147 = tpu.memref_slice %arg11[%dma_wait3A_145, %dma_wait3A_146] : memref<5016x128xf32, #tpu.memory_space<vmem_shared>> -> memref<5016x128xf32, #tpu.memory_space<vmem_shared>>
        tpu.wait_indirect_dma semaphore(%run_scoped3A : memref<!tpu.dma_semaphore, #tpu.memory_space<semaphore_mem>>) src(%arg9 : memref<128x128xf32, #tpu.memory_space<vmem>>) dst(%dma_wait3A_147 : memref<5016x128xf32, #tpu.memory_space<vmem_shared>>)
        tpu.yield
      }) : () -> ()
      %add3A_117 = arith.constant 2 : i32
      %add3A_118 = arith.addi %mul3A_102, %add3A_117 : i32
      %min3A = arith.constant 159 : i32
      %min3A_119 = arith.minsi %add3A_118, %min3A : i32
      %dma_start3A_120 = arith.constant 0 : i32
      %dma_start3A_121 = tpu.memref_slice %arg7[%min3A_119, %dma_start3A_120] : memref<160x128xi32, #tpu.memory_space<vmem>> -> memref<1x128xi32, #tpu.memory_space<vmem>>
      %dma_start3A_122 = tpu.memref_squeeze %dma_start3A_121 : memref<1x128xi32, #tpu.memory_space<vmem>> -> memref<128xi32, #tpu.memory_space<vmem>>
      %dma_start3A_123 = arith.constant 0 : i32
      %dma_start3A_124 = arith.constant 0 : i32
      %dma_start3A_125 = tpu.memref_slice %arg2[%dma_start3A_123, %dma_start3A_124] : memref<20000x128xf32, #tpu.memory_space<hbm>> -> memref<20000x128xf32, #tpu.memory_space<hbm>>
      tpu.enqueue_indirect_dma source(%dma_start3A_125 : memref<20000x128xf32, #tpu.memory_space<hbm>>) target(%arg9 : memref<128x128xf32, #tpu.memory_space<vmem>>) offsets(%dma_start3A_122 : memref<128xi32, #tpu.memory_space<vmem>>) semaphore(%arg12 : memref<!tpu.dma_semaphore, #tpu.memory_space<semaphore_mem>>)
      %add3A_126 = arith.constant 1 : i32
      %add3A_127 = arith.addi %mul3A_102, %add3A_126 : i32
      %dma_wait3A_128 = arith.constant 0 : i32
      %dma_wait3A_129 = tpu.memref_slice %arg7[%add3A_127, %dma_wait3A_128] : memref<160x128xi32, #tpu.memory_space<vmem>> -> memref<1x128xi32, #tpu.memory_space<vmem>>
      %dma_wait3A_130 = tpu.memref_squeeze %dma_wait3A_129 : memref<1x128xi32, #tpu.memory_space<vmem>> -> memref<128xi32, #tpu.memory_space<vmem>>
      %dma_wait3A_131 = arith.constant 0 : i32
      %dma_wait3A_132 = arith.constant 0 : i32
      %dma_wait3A_133 = tpu.memref_slice %arg2[%dma_wait3A_131, %dma_wait3A_132] : memref<20000x128xf32, #tpu.memory_space<hbm>> -> memref<20000x128xf32, #tpu.memory_space<hbm>>
      tpu.wait_indirect_dma semaphore(%arg13 : memref<!tpu.dma_semaphore, #tpu.memory_space<semaphore_mem>>) src(%dma_wait3A_133 : memref<20000x128xf32, #tpu.memory_space<hbm>>) dst(%arg10 : memref<128x128xf32, #tpu.memory_space<vmem>>)
      %add3A_134 = arith.constant 1 : i32
      %add3A_135 = arith.addi %mul3A_102, %add3A_134 : i32
      "tpu.region"() ({
        %run_scoped3A = tpu.sem_alloc : memref<!tpu.dma_semaphore, #tpu.memory_space<semaphore_mem>>
        %dma_start3A_136 = arith.constant 0 : i32
        %dma_start3A_137 = tpu.memref_slice %arg8[%add3A_135, %dma_start3A_136] : memref<160x128xi32, #tpu.memory_space<vmem>> -> memref<1x128xi32, #tpu.memory_space<vmem>>
        %dma_start3A_138 = tpu.memref_squeeze %dma_start3A_137 : memref<1x128xi32, #tpu.memory_space<vmem>> -> memref<128xi32, #tpu.memory_space<vmem>>
        %dma_start3A_139 = arith.constant 0 : i32
        %dma_start3A_140 = arith.constant 0 : i32
        %dma_start3A_141 = tpu.memref_slice %arg11[%dma_start3A_139, %dma_start3A_140] : memref<5016x128xf32, #tpu.memory_space<vmem_shared>> -> memref<5016x128xf32, #tpu.memory_space<vmem_shared>>
        tpu.enqueue_indirect_dma source(%arg10 : memref<128x128xf32, #tpu.memory_space<vmem>>) target(%dma_start3A_141 : memref<5016x128xf32, #tpu.memory_space<vmem_shared>>) offsets(%dma_start3A_138 : memref<128xi32, #tpu.memory_space<vmem>>) semaphore(%run_scoped3A : memref<!tpu.dma_semaphore, #tpu.memory_space<semaphore_mem>>) {add = true}
        %dma_wait3A_142 = arith.constant 0 : i32
        %dma_wait3A_143 = tpu.memref_slice %arg8[%add3A_135, %dma_wait3A_142] : memref<160x128xi32, #tpu.memory_space<vmem>> -> memref<1x128xi32, #tpu.memory_space<vmem>>
        %dma_wait3A_144 = tpu.memref_squeeze %dma_wait3A_143 : memref<1x128xi32, #tpu.memory_space<vmem>> -> memref<128xi32, #tpu.memory_space<vmem>>
        %dma_wait3A_145 = arith.constant 0 : i32
        %dma_wait3A_146 = arith.constant 0 : i32
        %dma_wait3A_147 = tpu.memref_slice %arg11[%dma_wait3A_145, %dma_wait3A_146] : memref<5016x128xf32, #tpu.memory_space<vmem_shared>> -> memref<5016x128xf32, #tpu.memory_space<vmem_shared>>
        tpu.wait_indirect_dma semaphore(%run_scoped3A : memref<!tpu.dma_semaphore, #tpu.memory_space<semaphore_mem>>) src(%arg10 : memref<128x128xf32, #tpu.memory_space<vmem>>) dst(%dma_wait3A_147 : memref<5016x128xf32, #tpu.memory_space<vmem_shared>>)
        tpu.yield
      }) : () -> ()
    }
    %scan3A_81 = arith.constant 80 : i32
    %dma_wait3A_82 = arith.constant 0 : i32
    %dma_wait3A_83 = arith.constant 0 : i32
    %dma_wait3A_84 = tpu.memref_slice %arg7[%dma_wait3A_82, %dma_wait3A_83] : memref<160x128xi32, #tpu.memory_space<vmem>> -> memref<1x128xi32, #tpu.memory_space<vmem>>
    %dma_wait3A_85 = tpu.memref_squeeze %dma_wait3A_84 : memref<1x128xi32, #tpu.memory_space<vmem>> -> memref<128xi32, #tpu.memory_space<vmem>>
    %dma_wait3A_86 = arith.constant 0 : i32
    %dma_wait3A_87 = arith.constant 0 : i32
    %dma_wait3A_88 = tpu.memref_slice %arg2[%dma_wait3A_86, %dma_wait3A_87] : memref<20000x128xf32, #tpu.memory_space<hbm>> -> memref<20000x128xf32, #tpu.memory_space<hbm>>
    tpu.wait_indirect_dma semaphore(%arg12 : memref<!tpu.dma_semaphore, #tpu.memory_space<semaphore_mem>>) src(%dma_wait3A_88 : memref<20000x128xf32, #tpu.memory_space<hbm>>) dst(%arg9 : memref<128x128xf32, #tpu.memory_space<vmem>>)
    %barrier3A_89 = arith.constant 0 : index
    tpu.barrier barrier_id(%barrier3A_89)
    %lt3A_90 = arith.constant 15 : i32
    %lt3A_91 = arith.cmpi slt, %arg1, %lt3A_90 : i32
    %convert_element_type3A_92 = arith.extui %lt3A_91 : i1 to i32
    %cond3A_93 = arith.constant 0 : i32
    %cond3A_94 = arith.cmpi ne, %convert_element_type3A_92, %cond3A_93 : i32
    scf.if %cond3A_94 {
      %mul3A_100 = arith.constant 312 : i32
      %mul3A_101 = arith.muli %arg1, %mul3A_100 : i32
      %mul3A_102 = arith.constant 312 : i32
      %mul3A_103 = arith.muli %arg1, %mul3A_102 : i32
      %add3A_104 = arith.addi %mul3A_51, %mul3A_103 : i32
      "tpu.region"() ({
        %run_scoped3A = tpu.sem_alloc : memref<!tpu.dma_semaphore, #tpu.memory_space<semaphore_mem>>
        %dma_start3A_105 = arith.constant 0 : i32
        %dma_start3A_106 = tpu.memref_slice %arg6[%add3A_104, %dma_start3A_105] : memref<20000x128xf32, #tpu.memory_space<hbm>> -> memref<312x128xf32, #tpu.memory_space<hbm>>
        %dma_start3A_107 = arith.constant 0 : i32
        %dma_start3A_108 = tpu.memref_slice %arg11[%mul3A_101, %dma_start3A_107] : memref<5016x128xf32, #tpu.memory_space<vmem_shared>> -> memref<312x128xf32, #tpu.memory_space<vmem_shared>>
        tpu.enqueue_dma source(%dma_start3A_108 : memref<312x128xf32, #tpu.memory_space<vmem_shared>>) target(%dma_start3A_106 : memref<312x128xf32, #tpu.memory_space<hbm>>) target_semaphore(%run_scoped3A : memref<!tpu.dma_semaphore, #tpu.memory_space<semaphore_mem>>)
        %dma_wait3A_109 = arith.constant 0 : i32
        %dma_wait3A_110 = tpu.memref_slice %arg6[%add3A_104, %dma_wait3A_109] : memref<20000x128xf32, #tpu.memory_space<hbm>> -> memref<312x128xf32, #tpu.memory_space<hbm>>
        %dma_wait3A_111 = arith.constant 0 : i32
        %dma_wait3A_112 = tpu.memref_slice %arg11[%mul3A_101, %dma_wait3A_111] : memref<5016x128xf32, #tpu.memory_space<vmem_shared>> -> memref<312x128xf32, #tpu.memory_space<vmem_shared>>
        tpu.wait_dma2 semaphore(%run_scoped3A : memref<!tpu.dma_semaphore, #tpu.memory_space<semaphore_mem>>) src(%dma_wait3A_112 : memref<312x128xf32, #tpu.memory_space<vmem_shared>>) dst(%dma_wait3A_110 : memref<312x128xf32, #tpu.memory_space<hbm>>)
        tpu.yield
      }) : () -> ()
    } else {
    }
    %eq3A_95 = arith.constant 15 : i32
    %eq3A_96 = arith.cmpi eq, %arg1, %eq3A_95 : i32
    %convert_element_type3A_97 = arith.extui %eq3A_96 : i1 to i32
    %cond3A_98 = arith.constant 0 : i32
    %cond3A_99 = arith.cmpi ne, %convert_element_type3A_97, %cond3A_98 : i32
    scf.if %cond3A_99 {
      %add3A_100 = arith.constant 4680 : i32
      %add3A_101 = arith.addi %mul3A_51, %add3A_100 : i32
      "tpu.region"() ({
        %run_scoped3A = tpu.sem_alloc : memref<!tpu.dma_semaphore, #tpu.memory_space<semaphore_mem>>
        %dma_start3A_102 = arith.constant 0 : i32
        %dma_start3A_103 = tpu.memref_slice %arg6[%add3A_101, %dma_start3A_102] : memref<20000x128xf32, #tpu.memory_space<hbm>> -> memref<320x128xf32, #tpu.memory_space<hbm>>
        %dma_start3A_104 = arith.constant 4680 : i32
        %dma_start3A_105 = arith.constant 0 : i32
        %dma_start3A_106 = tpu.memref_slice %arg11[%dma_start3A_104, %dma_start3A_105] : memref<5016x128xf32, #tpu.memory_space<vmem_shared>> -> memref<320x128xf32, #tpu.memory_space<vmem_shared>>
        tpu.enqueue_dma source(%dma_start3A_106 : memref<320x128xf32, #tpu.memory_space<vmem_shared>>) target(%dma_start3A_103 : memref<320x128xf32, #tpu.memory_space<hbm>>) target_semaphore(%run_scoped3A : memref<!tpu.dma_semaphore, #tpu.memory_space<semaphore_mem>>)
        %dma_wait3A_107 = arith.constant 0 : i32
        %dma_wait3A_108 = tpu.memref_slice %arg6[%add3A_101, %dma_wait3A_107] : memref<20000x128xf32, #tpu.memory_space<hbm>> -> memref<320x128xf32, #tpu.memory_space<hbm>>
        %dma_wait3A_109 = arith.constant 4680 : i32
        %dma_wait3A_110 = arith.constant 0 : i32
        %dma_wait3A_111 = tpu.memref_slice %arg11[%dma_wait3A_109, %dma_wait3A_110] : memref<5016x128xf32, #tpu.memory_space<vmem_shared>> -> memref<320x128xf32, #tpu.memory_space<vmem_shared>>
        tpu.wait_dma2 semaphore(%run_scoped3A : memref<!tpu.dma_semaphore, #tpu.memory_space<semaphore_mem>>) src(%dma_wait3A_111 : memref<320x128xf32, #tpu.memory_space<vmem_shared>>) dst(%dma_wait3A_108 : memref<320x128xf32, #tpu.memory_space<hbm>>)
        tpu.yield
      }) : () -> ()
    } else {
    }
    return
  }
}

#map = affine_map<(d0, d1) -> (0, 0)>
#map1 = affine_map<(d0, d1) -> (0, 0, 0)>
module attributes {stable_mosaic.version = 14 : i64} {
  func.func @k(%arg0: i32, %arg1: i32, %arg2: memref<10000x128xf32, #tpu.memory_space<hbm>>, %arg3: memref<2x2560x128xi32, #tpu.memory_space<hbm>>, %arg4: memref<2x2560x128xi32, #tpu.memory_space<hbm>>, %arg5: memref<10000x128xf32, #tpu.memory_space<hbm>>, %arg6: memref<10000x128xf32, #tpu.memory_space<hbm>>, %arg7: memref<160x128xi32, #tpu.memory_space<vmem>>, %arg8: memref<160x128xi32, #tpu.memory_space<vmem>>, %arg9: memref<128x128xf32, #tpu.memory_space<vmem>>, %arg10: memref<128x128xf32, #tpu.memory_space<vmem>>, %arg11: memref<5016x128xf32, #tpu.memory_space<vmem_shared>>, %arg12: memref<!tpu.dma_semaphore, #tpu.memory_space<semaphore_mem>>, %arg13: memref<!tpu.dma_semaphore, #tpu.memory_space<semaphore_mem>>) attributes {dimension_semantics = [#tpu.dimension_semantics<core_parallel>, #tpu.dimension_semantics<subcore_parallel>], iteration_bounds = array<i64: 2, 16>, scalar_prefetch = 0 : i64, scratch_operands = 7 : i64, tpu.core_type = #tpu.core_type<sc_vector_subcore>, window_params = [{transform_indices = #map}, {transform_indices = #map1}, {transform_indices = #map1}, {transform_indices = #map}, {transform_indices = #map}]} {
    %mul3A = arith.constant 0 : i32
    %mul3A_0 = arith.muli %mul3A, %arg0 : i32
    %mul3A_1 = arith.constant 160 : i32
    %mul3A_2 = arith.muli %arg1, %mul3A_1 : i32
    "tpu.region"() ({
      %run_scoped3A = tpu.sem_alloc : memref<!tpu.dma_semaphore, #tpu.memory_space<semaphore_mem>>
      %dma_start3A_44 = arith.constant 0 : i32
      %dma_start3A_45 = tpu.memref_slice %arg3[%mul3A_0, %mul3A_2, %dma_start3A_44] : memref<2x2560x128xi32, #tpu.memory_space<hbm>> -> memref<1x160x128xi32, #tpu.memory_space<hbm>>
      %dma_start3A_46 = tpu.memref_squeeze %dma_start3A_45 : memref<1x160x128xi32, #tpu.memory_space<hbm>> -> memref<160x128xi32, #tpu.memory_space<hbm>>
      %dma_start3A_47 = arith.constant 0 : i32
      %dma_start3A_48 = tpu.memref_slice %arg3[%mul3A_0, %mul3A_2, %dma_start3A_47] : memref<2x2560x128xi32, #tpu.memory_space<hbm>> -> memref<1x160x128xi32, #tpu.memory_space<hbm>>
      %dma_start3A_49 = tpu.memref_squeeze %dma_start3A_48 : memref<1x160x128xi32, #tpu.memory_space<hbm>> -> memref<160x128xi32, #tpu.memory_space<hbm>>
      tpu.enqueue_dma source(%dma_start3A_49 : memref<160x128xi32, #tpu.memory_space<hbm>>) target(%arg7 : memref<160x128xi32, #tpu.memory_space<vmem>>) target_semaphore(%run_scoped3A : memref<!tpu.dma_semaphore, #tpu.memory_space<semaphore_mem>>)
      %dma_wait3A_50 = arith.constant 0 : i32
      %dma_wait3A_51 = tpu.memref_slice %arg3[%mul3A_0, %mul3A_2, %dma_wait3A_50] : memref<2x2560x128xi32, #tpu.memory_space<hbm>> -> memref<1x160x128xi32, #tpu.memory_space<hbm>>
      %dma_wait3A_52 = tpu.memref_squeeze %dma_wait3A_51 : memref<1x160x128xi32, #tpu.memory_space<hbm>> -> memref<160x128xi32, #tpu.memory_space<hbm>>
      %dma_wait3A_53 = arith.constant 0 : i32
      %dma_wait3A_54 = tpu.memref_slice %arg3[%mul3A_0, %mul3A_2, %dma_wait3A_53] : memref<2x2560x128xi32, #tpu.memory_space<hbm>> -> memref<1x160x128xi32, #tpu.memory_space<hbm>>
      %dma_wait3A_55 = tpu.memref_squeeze %dma_wait3A_54 : memref<1x160x128xi32, #tpu.memory_space<hbm>> -> memref<160x128xi32, #tpu.memory_space<hbm>>
      tpu.wait_dma2 semaphore(%run_scoped3A : memref<!tpu.dma_semaphore, #tpu.memory_space<semaphore_mem>>) src(%dma_wait3A_55 : memref<160x128xi32, #tpu.memory_space<hbm>>) dst(%arg7 : memref<160x128xi32, #tpu.memory_space<vmem>>)
      tpu.yield
    }) : () -> ()
    %mul3A_3 = arith.constant 1 : i32
    %mul3A_4 = arith.muli %arg0, %mul3A_3 : i32
    %add3A = arith.constant 0 : i32
    %add3A_5 = arith.addi %mul3A_4, %add3A : i32
    %mul3A_6 = arith.constant 5000 : i32
    %mul3A_7 = arith.muli %add3A_5, %mul3A_6 : i32
    %mul3A_8 = arith.constant 160 : i32
    %mul3A_9 = arith.muli %arg1, %mul3A_8 : i32
    "tpu.region"() ({
      %run_scoped3A = tpu.sem_alloc : memref<!tpu.dma_semaphore, #tpu.memory_space<semaphore_mem>>
      %dma_start3A_44 = arith.constant 0 : i32
      %dma_start3A_45 = tpu.memref_slice %arg4[%arg0, %mul3A_9, %dma_start3A_44] : memref<2x2560x128xi32, #tpu.memory_space<hbm>> -> memref<1x160x128xi32, #tpu.memory_space<hbm>>
      %dma_start3A_46 = tpu.memref_squeeze %dma_start3A_45 : memref<1x160x128xi32, #tpu.memory_space<hbm>> -> memref<160x128xi32, #tpu.memory_space<hbm>>
      %dma_start3A_47 = arith.constant 0 : i32
      %dma_start3A_48 = tpu.memref_slice %arg4[%arg0, %mul3A_9, %dma_start3A_47] : memref<2x2560x128xi32, #tpu.memory_space<hbm>> -> memref<1x160x128xi32, #tpu.memory_space<hbm>>
      %dma_start3A_49 = tpu.memref_squeeze %dma_start3A_48 : memref<1x160x128xi32, #tpu.memory_space<hbm>> -> memref<160x128xi32, #tpu.memory_space<hbm>>
      tpu.enqueue_dma source(%dma_start3A_49 : memref<160x128xi32, #tpu.memory_space<hbm>>) target(%arg8 : memref<160x128xi32, #tpu.memory_space<vmem>>) target_semaphore(%run_scoped3A : memref<!tpu.dma_semaphore, #tpu.memory_space<semaphore_mem>>)
      %dma_wait3A_50 = arith.constant 0 : i32
      %dma_wait3A_51 = tpu.memref_slice %arg4[%arg0, %mul3A_9, %dma_wait3A_50] : memref<2x2560x128xi32, #tpu.memory_space<hbm>> -> memref<1x160x128xi32, #tpu.memory_space<hbm>>
      %dma_wait3A_52 = tpu.memref_squeeze %dma_wait3A_51 : memref<1x160x128xi32, #tpu.memory_space<hbm>> -> memref<160x128xi32, #tpu.memory_space<hbm>>
      %dma_wait3A_53 = arith.constant 0 : i32
      %dma_wait3A_54 = tpu.memref_slice %arg4[%arg0, %mul3A_9, %dma_wait3A_53] : memref<2x2560x128xi32, #tpu.memory_space<hbm>> -> memref<1x160x128xi32, #tpu.memory_space<hbm>>
      %dma_wait3A_55 = tpu.memref_squeeze %dma_wait3A_54 : memref<1x160x128xi32, #tpu.memory_space<hbm>> -> memref<160x128xi32, #tpu.memory_space<hbm>>
      tpu.wait_dma2 semaphore(%run_scoped3A : memref<!tpu.dma_semaphore, #tpu.memory_space<semaphore_mem>>) src(%dma_wait3A_55 : memref<160x128xi32, #tpu.memory_space<hbm>>) dst(%arg8 : memref<160x128xi32, #tpu.memory_space<vmem>>)
      tpu.yield
    }) : () -> ()
    %lt3A = arith.constant 15 : i32
    %lt3A_10 = arith.cmpi slt, %arg1, %lt3A : i32
    %convert_element_type3A = arith.extui %lt3A_10 : i1 to i32
    %cond3A = arith.constant 0 : i32
    %cond3A_11 = arith.cmpi ne, %convert_element_type3A, %cond3A : i32
    scf.if %cond3A_11 {
      %mul3A_44 = arith.constant 312 : i32
      %mul3A_45 = arith.muli %arg1, %mul3A_44 : i32
      %add3A_46 = arith.addi %mul3A_7, %mul3A_45 : i32
      %mul3A_47 = arith.constant 312 : i32
      %mul3A_48 = arith.muli %arg1, %mul3A_47 : i32
      "tpu.region"() ({
        %run_scoped3A = tpu.sem_alloc : memref<!tpu.dma_semaphore, #tpu.memory_space<semaphore_mem>>
        %dma_start3A_49 = arith.constant 0 : i32
        %dma_start3A_50 = tpu.memref_slice %arg11[%mul3A_48, %dma_start3A_49] : memref<5016x128xf32, #tpu.memory_space<vmem_shared>> -> memref<312x128xf32, #tpu.memory_space<vmem_shared>>
        %dma_start3A_51 = arith.constant 0 : i32
        %dma_start3A_52 = tpu.memref_slice %arg5[%add3A_46, %dma_start3A_51] : memref<10000x128xf32, #tpu.memory_space<hbm>> -> memref<312x128xf32, #tpu.memory_space<hbm>>
        tpu.enqueue_dma source(%dma_start3A_52 : memref<312x128xf32, #tpu.memory_space<hbm>>) target(%dma_start3A_50 : memref<312x128xf32, #tpu.memory_space<vmem_shared>>) target_semaphore(%run_scoped3A : memref<!tpu.dma_semaphore, #tpu.memory_space<semaphore_mem>>)
        %dma_wait3A_53 = arith.constant 0 : i32
        %dma_wait3A_54 = tpu.memref_slice %arg11[%mul3A_48, %dma_wait3A_53] : memref<5016x128xf32, #tpu.memory_space<vmem_shared>> -> memref<312x128xf32, #tpu.memory_space<vmem_shared>>
        %dma_wait3A_55 = arith.constant 0 : i32
        %dma_wait3A_56 = tpu.memref_slice %arg5[%add3A_46, %dma_wait3A_55] : memref<10000x128xf32, #tpu.memory_space<hbm>> -> memref<312x128xf32, #tpu.memory_space<hbm>>
        tpu.wait_dma2 semaphore(%run_scoped3A : memref<!tpu.dma_semaphore, #tpu.memory_space<semaphore_mem>>) src(%dma_wait3A_56 : memref<312x128xf32, #tpu.memory_space<hbm>>) dst(%dma_wait3A_54 : memref<312x128xf32, #tpu.memory_space<vmem_shared>>)
        tpu.yield
      }) : () -> ()
    } else {
    }
    %eq3A = arith.constant 15 : i32
    %eq3A_12 = arith.cmpi eq, %arg1, %eq3A : i32
    %convert_element_type3A_13 = arith.extui %eq3A_12 : i1 to i32
    %cond3A_14 = arith.constant 0 : i32
    %cond3A_15 = arith.cmpi ne, %convert_element_type3A_13, %cond3A_14 : i32
    scf.if %cond3A_15 {
      %add3A_44 = arith.constant 4680 : i32
      %add3A_45 = arith.addi %mul3A_7, %add3A_44 : i32
      "tpu.region"() ({
        %run_scoped3A = tpu.sem_alloc : memref<!tpu.dma_semaphore, #tpu.memory_space<semaphore_mem>>
        %dma_start3A_46 = arith.constant 4680 : i32
        %dma_start3A_47 = arith.constant 0 : i32
        %dma_start3A_48 = tpu.memref_slice %arg11[%dma_start3A_46, %dma_start3A_47] : memref<5016x128xf32, #tpu.memory_space<vmem_shared>> -> memref<320x128xf32, #tpu.memory_space<vmem_shared>>
        %dma_start3A_49 = arith.constant 0 : i32
        %dma_start3A_50 = tpu.memref_slice %arg5[%add3A_45, %dma_start3A_49] : memref<10000x128xf32, #tpu.memory_space<hbm>> -> memref<320x128xf32, #tpu.memory_space<hbm>>
        tpu.enqueue_dma source(%dma_start3A_50 : memref<320x128xf32, #tpu.memory_space<hbm>>) target(%dma_start3A_48 : memref<320x128xf32, #tpu.memory_space<vmem_shared>>) target_semaphore(%run_scoped3A : memref<!tpu.dma_semaphore, #tpu.memory_space<semaphore_mem>>)
        %dma_wait3A_51 = arith.constant 4680 : i32
        %dma_wait3A_52 = arith.constant 0 : i32
        %dma_wait3A_53 = tpu.memref_slice %arg11[%dma_wait3A_51, %dma_wait3A_52] : memref<5016x128xf32, #tpu.memory_space<vmem_shared>> -> memref<320x128xf32, #tpu.memory_space<vmem_shared>>
        %dma_wait3A_54 = arith.constant 0 : i32
        %dma_wait3A_55 = tpu.memref_slice %arg5[%add3A_45, %dma_wait3A_54] : memref<10000x128xf32, #tpu.memory_space<hbm>> -> memref<320x128xf32, #tpu.memory_space<hbm>>
        tpu.wait_dma2 semaphore(%run_scoped3A : memref<!tpu.dma_semaphore, #tpu.memory_space<semaphore_mem>>) src(%dma_wait3A_55 : memref<320x128xf32, #tpu.memory_space<hbm>>) dst(%dma_wait3A_53 : memref<320x128xf32, #tpu.memory_space<vmem_shared>>)
        tpu.yield
      }) : () -> ()
    } else {
    }
    %barrier3A = arith.constant 0 : index
    tpu.barrier barrier_id(%barrier3A)
    %dma_start3A = arith.constant 0 : i32
    %dma_start3A_16 = arith.constant 0 : i32
    %dma_start3A_17 = tpu.memref_slice %arg7[%dma_start3A, %dma_start3A_16] : memref<160x128xi32, #tpu.memory_space<vmem>> -> memref<1x128xi32, #tpu.memory_space<vmem>>
    %dma_start3A_18 = tpu.memref_squeeze %dma_start3A_17 : memref<1x128xi32, #tpu.memory_space<vmem>> -> memref<128xi32, #tpu.memory_space<vmem>>
    %dma_start3A_19 = arith.constant 0 : i32
    %dma_start3A_20 = arith.constant 0 : i32
    %dma_start3A_21 = tpu.memref_slice %arg2[%dma_start3A_19, %dma_start3A_20] : memref<10000x128xf32, #tpu.memory_space<hbm>> -> memref<10000x128xf32, #tpu.memory_space<hbm>>
    tpu.enqueue_indirect_dma source(%dma_start3A_21 : memref<10000x128xf32, #tpu.memory_space<hbm>>) target(%arg9 : memref<128x128xf32, #tpu.memory_space<vmem>>) offsets(%dma_start3A_18 : memref<128xi32, #tpu.memory_space<vmem>>) semaphore(%arg12 : memref<!tpu.dma_semaphore, #tpu.memory_space<semaphore_mem>>)
    %scan3A = arith.constant 0 : i32
    %scan3A_22 = arith.constant 0 : i32
    %scan3A_23 = arith.constant 80 : i32
    %scan3A_24 = arith.addi %scan3A_22, %scan3A_23 : i32
    %scan3A_25 = arith.constant 1 : i32
    scf.for %scan3A_44 = %scan3A_22 to %scan3A_24 step %scan3A_25  : i32 {
      %mul3A_45 = arith.constant 2 : i32
      %mul3A_46 = arith.muli %mul3A_45, %scan3A_44 : i32
      %add3A_47 = arith.constant 1 : i32
      %add3A_48 = arith.addi %mul3A_46, %add3A_47 : i32
      %dma_start3A_49 = arith.constant 0 : i32
      %dma_start3A_50 = tpu.memref_slice %arg7[%add3A_48, %dma_start3A_49] : memref<160x128xi32, #tpu.memory_space<vmem>> -> memref<1x128xi32, #tpu.memory_space<vmem>>
      %dma_start3A_51 = tpu.memref_squeeze %dma_start3A_50 : memref<1x128xi32, #tpu.memory_space<vmem>> -> memref<128xi32, #tpu.memory_space<vmem>>
      %dma_start3A_52 = arith.constant 0 : i32
      %dma_start3A_53 = arith.constant 0 : i32
      %dma_start3A_54 = tpu.memref_slice %arg2[%dma_start3A_52, %dma_start3A_53] : memref<10000x128xf32, #tpu.memory_space<hbm>> -> memref<10000x128xf32, #tpu.memory_space<hbm>>
      tpu.enqueue_indirect_dma source(%dma_start3A_54 : memref<10000x128xf32, #tpu.memory_space<hbm>>) target(%arg10 : memref<128x128xf32, #tpu.memory_space<vmem>>) offsets(%dma_start3A_51 : memref<128xi32, #tpu.memory_space<vmem>>) semaphore(%arg13 : memref<!tpu.dma_semaphore, #tpu.memory_space<semaphore_mem>>)
      %dma_wait3A_55 = arith.constant 0 : i32
      %dma_wait3A_56 = tpu.memref_slice %arg7[%mul3A_46, %dma_wait3A_55] : memref<160x128xi32, #tpu.memory_space<vmem>> -> memref<1x128xi32, #tpu.memory_space<vmem>>
      %dma_wait3A_57 = tpu.memref_squeeze %dma_wait3A_56 : memref<1x128xi32, #tpu.memory_space<vmem>> -> memref<128xi32, #tpu.memory_space<vmem>>
      %dma_wait3A_58 = arith.constant 0 : i32
      %dma_wait3A_59 = arith.constant 0 : i32
      %dma_wait3A_60 = tpu.memref_slice %arg2[%dma_wait3A_58, %dma_wait3A_59] : memref<10000x128xf32, #tpu.memory_space<hbm>> -> memref<10000x128xf32, #tpu.memory_space<hbm>>
      tpu.wait_indirect_dma semaphore(%arg12 : memref<!tpu.dma_semaphore, #tpu.memory_space<semaphore_mem>>) src(%dma_wait3A_60 : memref<10000x128xf32, #tpu.memory_space<hbm>>) dst(%arg9 : memref<128x128xf32, #tpu.memory_space<vmem>>)
      "tpu.region"() ({
        %run_scoped3A = tpu.sem_alloc : memref<!tpu.dma_semaphore, #tpu.memory_space<semaphore_mem>>
        %dma_start3A_80 = arith.constant 0 : i32
        %dma_start3A_81 = tpu.memref_slice %arg8[%mul3A_46, %dma_start3A_80] : memref<160x128xi32, #tpu.memory_space<vmem>> -> memref<1x128xi32, #tpu.memory_space<vmem>>
        %dma_start3A_82 = tpu.memref_squeeze %dma_start3A_81 : memref<1x128xi32, #tpu.memory_space<vmem>> -> memref<128xi32, #tpu.memory_space<vmem>>
        %dma_start3A_83 = arith.constant 0 : i32
        %dma_start3A_84 = arith.constant 0 : i32
        %dma_start3A_85 = tpu.memref_slice %arg11[%dma_start3A_83, %dma_start3A_84] : memref<5016x128xf32, #tpu.memory_space<vmem_shared>> -> memref<5016x128xf32, #tpu.memory_space<vmem_shared>>
        tpu.enqueue_indirect_dma source(%arg9 : memref<128x128xf32, #tpu.memory_space<vmem>>) target(%dma_start3A_85 : memref<5016x128xf32, #tpu.memory_space<vmem_shared>>) offsets(%dma_start3A_82 : memref<128xi32, #tpu.memory_space<vmem>>) semaphore(%run_scoped3A : memref<!tpu.dma_semaphore, #tpu.memory_space<semaphore_mem>>) {add = true}
        %dma_wait3A_86 = arith.constant 0 : i32
        %dma_wait3A_87 = tpu.memref_slice %arg8[%mul3A_46, %dma_wait3A_86] : memref<160x128xi32, #tpu.memory_space<vmem>> -> memref<1x128xi32, #tpu.memory_space<vmem>>
        %dma_wait3A_88 = tpu.memref_squeeze %dma_wait3A_87 : memref<1x128xi32, #tpu.memory_space<vmem>> -> memref<128xi32, #tpu.memory_space<vmem>>
        %dma_wait3A_89 = arith.constant 0 : i32
        %dma_wait3A_90 = arith.constant 0 : i32
        %dma_wait3A_91 = tpu.memref_slice %arg11[%dma_wait3A_89, %dma_wait3A_90] : memref<5016x128xf32, #tpu.memory_space<vmem_shared>> -> memref<5016x128xf32, #tpu.memory_space<vmem_shared>>
        tpu.wait_indirect_dma semaphore(%run_scoped3A : memref<!tpu.dma_semaphore, #tpu.memory_space<semaphore_mem>>) src(%arg9 : memref<128x128xf32, #tpu.memory_space<vmem>>) dst(%dma_wait3A_91 : memref<5016x128xf32, #tpu.memory_space<vmem_shared>>)
        tpu.yield
      }) : () -> ()
      %add3A_61 = arith.constant 2 : i32
      %add3A_62 = arith.addi %mul3A_46, %add3A_61 : i32
      %min3A = arith.constant 159 : i32
      %min3A_63 = arith.minsi %add3A_62, %min3A : i32
      %dma_start3A_64 = arith.constant 0 : i32
      %dma_start3A_65 = tpu.memref_slice %arg7[%min3A_63, %dma_start3A_64] : memref<160x128xi32, #tpu.memory_space<vmem>> -> memref<1x128xi32, #tpu.memory_space<vmem>>
      %dma_start3A_66 = tpu.memref_squeeze %dma_start3A_65 : memref<1x128xi32, #tpu.memory_space<vmem>> -> memref<128xi32, #tpu.memory_space<vmem>>
      %dma_start3A_67 = arith.constant 0 : i32
      %dma_start3A_68 = arith.constant 0 : i32
      %dma_start3A_69 = tpu.memref_slice %arg2[%dma_start3A_67, %dma_start3A_68] : memref<10000x128xf32, #tpu.memory_space<hbm>> -> memref<10000x128xf32, #tpu.memory_space<hbm>>
      tpu.enqueue_indirect_dma source(%dma_start3A_69 : memref<10000x128xf32, #tpu.memory_space<hbm>>) target(%arg9 : memref<128x128xf32, #tpu.memory_space<vmem>>) offsets(%dma_start3A_66 : memref<128xi32, #tpu.memory_space<vmem>>) semaphore(%arg12 : memref<!tpu.dma_semaphore, #tpu.memory_space<semaphore_mem>>)
      %add3A_70 = arith.constant 1 : i32
      %add3A_71 = arith.addi %mul3A_46, %add3A_70 : i32
      %dma_wait3A_72 = arith.constant 0 : i32
      %dma_wait3A_73 = tpu.memref_slice %arg7[%add3A_71, %dma_wait3A_72] : memref<160x128xi32, #tpu.memory_space<vmem>> -> memref<1x128xi32, #tpu.memory_space<vmem>>
      %dma_wait3A_74 = tpu.memref_squeeze %dma_wait3A_73 : memref<1x128xi32, #tpu.memory_space<vmem>> -> memref<128xi32, #tpu.memory_space<vmem>>
      %dma_wait3A_75 = arith.constant 0 : i32
      %dma_wait3A_76 = arith.constant 0 : i32
      %dma_wait3A_77 = tpu.memref_slice %arg2[%dma_wait3A_75, %dma_wait3A_76] : memref<10000x128xf32, #tpu.memory_space<hbm>> -> memref<10000x128xf32, #tpu.memory_space<hbm>>
      tpu.wait_indirect_dma semaphore(%arg13 : memref<!tpu.dma_semaphore, #tpu.memory_space<semaphore_mem>>) src(%dma_wait3A_77 : memref<10000x128xf32, #tpu.memory_space<hbm>>) dst(%arg10 : memref<128x128xf32, #tpu.memory_space<vmem>>)
      %add3A_78 = arith.constant 1 : i32
      %add3A_79 = arith.addi %mul3A_46, %add3A_78 : i32
      "tpu.region"() ({
        %run_scoped3A = tpu.sem_alloc : memref<!tpu.dma_semaphore, #tpu.memory_space<semaphore_mem>>
        %dma_start3A_80 = arith.constant 0 : i32
        %dma_start3A_81 = tpu.memref_slice %arg8[%add3A_79, %dma_start3A_80] : memref<160x128xi32, #tpu.memory_space<vmem>> -> memref<1x128xi32, #tpu.memory_space<vmem>>
        %dma_start3A_82 = tpu.memref_squeeze %dma_start3A_81 : memref<1x128xi32, #tpu.memory_space<vmem>> -> memref<128xi32, #tpu.memory_space<vmem>>
        %dma_start3A_83 = arith.constant 0 : i32
        %dma_start3A_84 = arith.constant 0 : i32
        %dma_start3A_85 = tpu.memref_slice %arg11[%dma_start3A_83, %dma_start3A_84] : memref<5016x128xf32, #tpu.memory_space<vmem_shared>> -> memref<5016x128xf32, #tpu.memory_space<vmem_shared>>
        tpu.enqueue_indirect_dma source(%arg10 : memref<128x128xf32, #tpu.memory_space<vmem>>) target(%dma_start3A_85 : memref<5016x128xf32, #tpu.memory_space<vmem_shared>>) offsets(%dma_start3A_82 : memref<128xi32, #tpu.memory_space<vmem>>) semaphore(%run_scoped3A : memref<!tpu.dma_semaphore, #tpu.memory_space<semaphore_mem>>) {add = true}
        %dma_wait3A_86 = arith.constant 0 : i32
        %dma_wait3A_87 = tpu.memref_slice %arg8[%add3A_79, %dma_wait3A_86] : memref<160x128xi32, #tpu.memory_space<vmem>> -> memref<1x128xi32, #tpu.memory_space<vmem>>
        %dma_wait3A_88 = tpu.memref_squeeze %dma_wait3A_87 : memref<1x128xi32, #tpu.memory_space<vmem>> -> memref<128xi32, #tpu.memory_space<vmem>>
        %dma_wait3A_89 = arith.constant 0 : i32
        %dma_wait3A_90 = arith.constant 0 : i32
        %dma_wait3A_91 = tpu.memref_slice %arg11[%dma_wait3A_89, %dma_wait3A_90] : memref<5016x128xf32, #tpu.memory_space<vmem_shared>> -> memref<5016x128xf32, #tpu.memory_space<vmem_shared>>
        tpu.wait_indirect_dma semaphore(%run_scoped3A : memref<!tpu.dma_semaphore, #tpu.memory_space<semaphore_mem>>) src(%arg10 : memref<128x128xf32, #tpu.memory_space<vmem>>) dst(%dma_wait3A_91 : memref<5016x128xf32, #tpu.memory_space<vmem_shared>>)
        tpu.yield
      }) : () -> ()
    }
    %scan3A_26 = arith.constant 80 : i32
    %dma_wait3A = arith.constant 0 : i32
    %dma_wait3A_27 = arith.constant 0 : i32
    %dma_wait3A_28 = tpu.memref_slice %arg7[%dma_wait3A, %dma_wait3A_27] : memref<160x128xi32, #tpu.memory_space<vmem>> -> memref<1x128xi32, #tpu.memory_space<vmem>>
    %dma_wait3A_29 = tpu.memref_squeeze %dma_wait3A_28 : memref<1x128xi32, #tpu.memory_space<vmem>> -> memref<128xi32, #tpu.memory_space<vmem>>
    %dma_wait3A_30 = arith.constant 0 : i32
    %dma_wait3A_31 = arith.constant 0 : i32
    %dma_wait3A_32 = tpu.memref_slice %arg2[%dma_wait3A_30, %dma_wait3A_31] : memref<10000x128xf32, #tpu.memory_space<hbm>> -> memref<10000x128xf32, #tpu.memory_space<hbm>>
    tpu.wait_indirect_dma semaphore(%arg12 : memref<!tpu.dma_semaphore, #tpu.memory_space<semaphore_mem>>) src(%dma_wait3A_32 : memref<10000x128xf32, #tpu.memory_space<hbm>>) dst(%arg9 : memref<128x128xf32, #tpu.memory_space<vmem>>)
    %barrier3A_33 = arith.constant 0 : index
    tpu.barrier barrier_id(%barrier3A_33)
    %lt3A_34 = arith.constant 15 : i32
    %lt3A_35 = arith.cmpi slt, %arg1, %lt3A_34 : i32
    %convert_element_type3A_36 = arith.extui %lt3A_35 : i1 to i32
    %cond3A_37 = arith.constant 0 : i32
    %cond3A_38 = arith.cmpi ne, %convert_element_type3A_36, %cond3A_37 : i32
    scf.if %cond3A_38 {
      %mul3A_44 = arith.constant 312 : i32
      %mul3A_45 = arith.muli %arg1, %mul3A_44 : i32
      %mul3A_46 = arith.constant 312 : i32
      %mul3A_47 = arith.muli %arg1, %mul3A_46 : i32
      %add3A_48 = arith.addi %mul3A_7, %mul3A_47 : i32
      "tpu.region"() ({
        %run_scoped3A = tpu.sem_alloc : memref<!tpu.dma_semaphore, #tpu.memory_space<semaphore_mem>>
        %dma_start3A_49 = arith.constant 0 : i32
        %dma_start3A_50 = tpu.memref_slice %arg6[%add3A_48, %dma_start3A_49] : memref<10000x128xf32, #tpu.memory_space<hbm>> -> memref<312x128xf32, #tpu.memory_space<hbm>>
        %dma_start3A_51 = arith.constant 0 : i32
        %dma_start3A_52 = tpu.memref_slice %arg11[%mul3A_45, %dma_start3A_51] : memref<5016x128xf32, #tpu.memory_space<vmem_shared>> -> memref<312x128xf32, #tpu.memory_space<vmem_shared>>
        tpu.enqueue_dma source(%dma_start3A_52 : memref<312x128xf32, #tpu.memory_space<vmem_shared>>) target(%dma_start3A_50 : memref<312x128xf32, #tpu.memory_space<hbm>>) target_semaphore(%run_scoped3A : memref<!tpu.dma_semaphore, #tpu.memory_space<semaphore_mem>>)
        %dma_wait3A_53 = arith.constant 0 : i32
        %dma_wait3A_54 = tpu.memref_slice %arg6[%add3A_48, %dma_wait3A_53] : memref<10000x128xf32, #tpu.memory_space<hbm>> -> memref<312x128xf32, #tpu.memory_space<hbm>>
        %dma_wait3A_55 = arith.constant 0 : i32
        %dma_wait3A_56 = tpu.memref_slice %arg11[%mul3A_45, %dma_wait3A_55] : memref<5016x128xf32, #tpu.memory_space<vmem_shared>> -> memref<312x128xf32, #tpu.memory_space<vmem_shared>>
        tpu.wait_dma2 semaphore(%run_scoped3A : memref<!tpu.dma_semaphore, #tpu.memory_space<semaphore_mem>>) src(%dma_wait3A_56 : memref<312x128xf32, #tpu.memory_space<vmem_shared>>) dst(%dma_wait3A_54 : memref<312x128xf32, #tpu.memory_space<hbm>>)
        tpu.yield
      }) : () -> ()
    } else {
    }
    %eq3A_39 = arith.constant 15 : i32
    %eq3A_40 = arith.cmpi eq, %arg1, %eq3A_39 : i32
    %convert_element_type3A_41 = arith.extui %eq3A_40 : i1 to i32
    %cond3A_42 = arith.constant 0 : i32
    %cond3A_43 = arith.cmpi ne, %convert_element_type3A_41, %cond3A_42 : i32
    scf.if %cond3A_43 {
      %add3A_44 = arith.constant 4680 : i32
      %add3A_45 = arith.addi %mul3A_7, %add3A_44 : i32
      "tpu.region"() ({
        %run_scoped3A = tpu.sem_alloc : memref<!tpu.dma_semaphore, #tpu.memory_space<semaphore_mem>>
        %dma_start3A_46 = arith.constant 0 : i32
        %dma_start3A_47 = tpu.memref_slice %arg6[%add3A_45, %dma_start3A_46] : memref<10000x128xf32, #tpu.memory_space<hbm>> -> memref<320x128xf32, #tpu.memory_space<hbm>>
        %dma_start3A_48 = arith.constant 4680 : i32
        %dma_start3A_49 = arith.constant 0 : i32
        %dma_start3A_50 = tpu.memref_slice %arg11[%dma_start3A_48, %dma_start3A_49] : memref<5016x128xf32, #tpu.memory_space<vmem_shared>> -> memref<320x128xf32, #tpu.memory_space<vmem_shared>>
        tpu.enqueue_dma source(%dma_start3A_50 : memref<320x128xf32, #tpu.memory_space<vmem_shared>>) target(%dma_start3A_47 : memref<320x128xf32, #tpu.memory_space<hbm>>) target_semaphore(%run_scoped3A : memref<!tpu.dma_semaphore, #tpu.memory_space<semaphore_mem>>)
        %dma_wait3A_51 = arith.constant 0 : i32
        %dma_wait3A_52 = tpu.memref_slice %arg6[%add3A_45, %dma_wait3A_51] : memref<10000x128xf32, #tpu.memory_space<hbm>> -> memref<320x128xf32, #tpu.memory_space<hbm>>
        %dma_wait3A_53 = arith.constant 4680 : i32
        %dma_wait3A_54 = arith.constant 0 : i32
        %dma_wait3A_55 = tpu.memref_slice %arg11[%dma_wait3A_53, %dma_wait3A_54] : memref<5016x128xf32, #tpu.memory_space<vmem_shared>> -> memref<320x128xf32, #tpu.memory_space<vmem_shared>>
        tpu.wait_dma2 semaphore(%run_scoped3A : memref<!tpu.dma_semaphore, #tpu.memory_space<semaphore_mem>>) src(%dma_wait3A_55 : memref<320x128xf32, #tpu.memory_space<vmem_shared>>) dst(%dma_wait3A_52 : memref<320x128xf32, #tpu.memory_space<hbm>>)
        tpu.yield
      }) : () -> ()
    } else {
    }
    return
  }
}

#map = affine_map<(d0, d1) -> (0, 0)>
#map1 = affine_map<(d0, d1) -> (0, 0, 0)>
module attributes {stable_mosaic.version = 14 : i64} {
  func.func @k(%arg0: i32, %arg1: i32, %arg2: memref<20000x128xf32, #tpu.memory_space<hbm>>, %arg3: memref<2x2560x128xi32, #tpu.memory_space<hbm>>, %arg4: memref<2x2560x128xi32, #tpu.memory_space<hbm>>, %arg5: memref<20000x128xf32, #tpu.memory_space<hbm>>, %arg6: memref<20000x128xf32, #tpu.memory_space<hbm>>, %arg7: memref<160x128xi32, #tpu.memory_space<vmem>>, %arg8: memref<160x128xi32, #tpu.memory_space<vmem>>, %arg9: memref<128x128xf32, #tpu.memory_space<vmem>>, %arg10: memref<128x128xf32, #tpu.memory_space<vmem>>, %arg11: memref<5016x128xf32, #tpu.memory_space<vmem_shared>>, %arg12: memref<!tpu.dma_semaphore, #tpu.memory_space<semaphore_mem>>, %arg13: memref<!tpu.dma_semaphore, #tpu.memory_space<semaphore_mem>>) attributes {dimension_semantics = [#tpu.dimension_semantics<core_parallel>, #tpu.dimension_semantics<subcore_parallel>], iteration_bounds = array<i64: 2, 16>, scalar_prefetch = 0 : i64, scratch_operands = 7 : i64, tpu.core_type = #tpu.core_type<sc_vector_subcore>, window_params = [{transform_indices = #map}, {transform_indices = #map1}, {transform_indices = #map1}, {transform_indices = #map}, {transform_indices = #map}]} {
    %mul3A = arith.constant 160 : i32
    %mul3A_0 = arith.muli %arg1, %mul3A : i32
    "tpu.region"() ({
      %run_scoped3A = tpu.sem_alloc : memref<!tpu.dma_semaphore, #tpu.memory_space<semaphore_mem>>
      %dma_start3A_100 = arith.constant 0 : i32
      %dma_start3A_101 = tpu.memref_slice %arg3[%arg0, %mul3A_0, %dma_start3A_100] : memref<2x2560x128xi32, #tpu.memory_space<hbm>> -> memref<1x160x128xi32, #tpu.memory_space<hbm>>
      %dma_start3A_102 = tpu.memref_squeeze %dma_start3A_101 : memref<1x160x128xi32, #tpu.memory_space<hbm>> -> memref<160x128xi32, #tpu.memory_space<hbm>>
      %dma_start3A_103 = arith.constant 0 : i32
      %dma_start3A_104 = tpu.memref_slice %arg3[%arg0, %mul3A_0, %dma_start3A_103] : memref<2x2560x128xi32, #tpu.memory_space<hbm>> -> memref<1x160x128xi32, #tpu.memory_space<hbm>>
      %dma_start3A_105 = tpu.memref_squeeze %dma_start3A_104 : memref<1x160x128xi32, #tpu.memory_space<hbm>> -> memref<160x128xi32, #tpu.memory_space<hbm>>
      tpu.enqueue_dma source(%dma_start3A_105 : memref<160x128xi32, #tpu.memory_space<hbm>>) target(%arg7 : memref<160x128xi32, #tpu.memory_space<vmem>>) target_semaphore(%run_scoped3A : memref<!tpu.dma_semaphore, #tpu.memory_space<semaphore_mem>>)
      %dma_wait3A_106 = arith.constant 0 : i32
      %dma_wait3A_107 = tpu.memref_slice %arg3[%arg0, %mul3A_0, %dma_wait3A_106] : memref<2x2560x128xi32, #tpu.memory_space<hbm>> -> memref<1x160x128xi32, #tpu.memory_space<hbm>>
      %dma_wait3A_108 = tpu.memref_squeeze %dma_wait3A_107 : memref<1x160x128xi32, #tpu.memory_space<hbm>> -> memref<160x128xi32, #tpu.memory_space<hbm>>
      %dma_wait3A_109 = arith.constant 0 : i32
      %dma_wait3A_110 = tpu.memref_slice %arg3[%arg0, %mul3A_0, %dma_wait3A_109] : memref<2x2560x128xi32, #tpu.memory_space<hbm>> -> memref<1x160x128xi32, #tpu.memory_space<hbm>>
      %dma_wait3A_111 = tpu.memref_squeeze %dma_wait3A_110 : memref<1x160x128xi32, #tpu.memory_space<hbm>> -> memref<160x128xi32, #tpu.memory_space<hbm>>
      tpu.wait_dma2 semaphore(%run_scoped3A : memref<!tpu.dma_semaphore, #tpu.memory_space<semaphore_mem>>) src(%dma_wait3A_111 : memref<160x128xi32, #tpu.memory_space<hbm>>) dst(%arg7 : memref<160x128xi32, #tpu.memory_space<vmem>>)
      tpu.yield
    }) : () -> ()
    %mul3A_1 = arith.constant 2 : i32
    %mul3A_2 = arith.muli %arg0, %mul3A_1 : i32
    %add3A = arith.constant 0 : i32
    %add3A_3 = arith.addi %mul3A_2, %add3A : i32
    %mul3A_4 = arith.constant 5000 : i32
    %mul3A_5 = arith.muli %add3A_3, %mul3A_4 : i32
    %mul3A_6 = arith.constant 0 : i32
    %mul3A_7 = arith.muli %mul3A_6, %arg0 : i32
    %add3A_8 = arith.constant 0 : i32
    %add3A_9 = arith.addi %add3A_8, %mul3A_7 : i32
    %mul3A_10 = arith.constant 160 : i32
    %mul3A_11 = arith.muli %arg1, %mul3A_10 : i32
    "tpu.region"() ({
      %run_scoped3A = tpu.sem_alloc : memref<!tpu.dma_semaphore, #tpu.memory_space<semaphore_mem>>
      %dma_start3A_100 = arith.constant 0 : i32
      %dma_start3A_101 = tpu.memref_slice %arg4[%add3A_9, %mul3A_11, %dma_start3A_100] : memref<2x2560x128xi32, #tpu.memory_space<hbm>> -> memref<1x160x128xi32, #tpu.memory_space<hbm>>
      %dma_start3A_102 = tpu.memref_squeeze %dma_start3A_101 : memref<1x160x128xi32, #tpu.memory_space<hbm>> -> memref<160x128xi32, #tpu.memory_space<hbm>>
      %dma_start3A_103 = arith.constant 0 : i32
      %dma_start3A_104 = tpu.memref_slice %arg4[%add3A_9, %mul3A_11, %dma_start3A_103] : memref<2x2560x128xi32, #tpu.memory_space<hbm>> -> memref<1x160x128xi32, #tpu.memory_space<hbm>>
      %dma_start3A_105 = tpu.memref_squeeze %dma_start3A_104 : memref<1x160x128xi32, #tpu.memory_space<hbm>> -> memref<160x128xi32, #tpu.memory_space<hbm>>
      tpu.enqueue_dma source(%dma_start3A_105 : memref<160x128xi32, #tpu.memory_space<hbm>>) target(%arg8 : memref<160x128xi32, #tpu.memory_space<vmem>>) target_semaphore(%run_scoped3A : memref<!tpu.dma_semaphore, #tpu.memory_space<semaphore_mem>>)
      %dma_wait3A_106 = arith.constant 0 : i32
      %dma_wait3A_107 = tpu.memref_slice %arg4[%add3A_9, %mul3A_11, %dma_wait3A_106] : memref<2x2560x128xi32, #tpu.memory_space<hbm>> -> memref<1x160x128xi32, #tpu.memory_space<hbm>>
      %dma_wait3A_108 = tpu.memref_squeeze %dma_wait3A_107 : memref<1x160x128xi32, #tpu.memory_space<hbm>> -> memref<160x128xi32, #tpu.memory_space<hbm>>
      %dma_wait3A_109 = arith.constant 0 : i32
      %dma_wait3A_110 = tpu.memref_slice %arg4[%add3A_9, %mul3A_11, %dma_wait3A_109] : memref<2x2560x128xi32, #tpu.memory_space<hbm>> -> memref<1x160x128xi32, #tpu.memory_space<hbm>>
      %dma_wait3A_111 = tpu.memref_squeeze %dma_wait3A_110 : memref<1x160x128xi32, #tpu.memory_space<hbm>> -> memref<160x128xi32, #tpu.memory_space<hbm>>
      tpu.wait_dma2 semaphore(%run_scoped3A : memref<!tpu.dma_semaphore, #tpu.memory_space<semaphore_mem>>) src(%dma_wait3A_111 : memref<160x128xi32, #tpu.memory_space<hbm>>) dst(%arg8 : memref<160x128xi32, #tpu.memory_space<vmem>>)
      tpu.yield
    }) : () -> ()
    %lt3A = arith.constant 15 : i32
    %lt3A_12 = arith.cmpi slt, %arg1, %lt3A : i32
    %convert_element_type3A = arith.extui %lt3A_12 : i1 to i32
    %cond3A = arith.constant 0 : i32
    %cond3A_13 = arith.cmpi ne, %convert_element_type3A, %cond3A : i32
    scf.if %cond3A_13 {
      %mul3A_100 = arith.constant 312 : i32
      %mul3A_101 = arith.muli %arg1, %mul3A_100 : i32
      %add3A_102 = arith.addi %mul3A_5, %mul3A_101 : i32
      %mul3A_103 = arith.constant 312 : i32
      %mul3A_104 = arith.muli %arg1, %mul3A_103 : i32
      "tpu.region"() ({
        %run_scoped3A = tpu.sem_alloc : memref<!tpu.dma_semaphore, #tpu.memory_space<semaphore_mem>>
        %dma_start3A_105 = arith.constant 0 : i32
        %dma_start3A_106 = tpu.memref_slice %arg11[%mul3A_104, %dma_start3A_105] : memref<5016x128xf32, #tpu.memory_space<vmem_shared>> -> memref<312x128xf32, #tpu.memory_space<vmem_shared>>
        %dma_start3A_107 = arith.constant 0 : i32
        %dma_start3A_108 = tpu.memref_slice %arg5[%add3A_102, %dma_start3A_107] : memref<20000x128xf32, #tpu.memory_space<hbm>> -> memref<312x128xf32, #tpu.memory_space<hbm>>
        tpu.enqueue_dma source(%dma_start3A_108 : memref<312x128xf32, #tpu.memory_space<hbm>>) target(%dma_start3A_106 : memref<312x128xf32, #tpu.memory_space<vmem_shared>>) target_semaphore(%run_scoped3A : memref<!tpu.dma_semaphore, #tpu.memory_space<semaphore_mem>>)
        %dma_wait3A_109 = arith.constant 0 : i32
        %dma_wait3A_110 = tpu.memref_slice %arg11[%mul3A_104, %dma_wait3A_109] : memref<5016x128xf32, #tpu.memory_space<vmem_shared>> -> memref<312x128xf32, #tpu.memory_space<vmem_shared>>
        %dma_wait3A_111 = arith.constant 0 : i32
        %dma_wait3A_112 = tpu.memref_slice %arg5[%add3A_102, %dma_wait3A_111] : memref<20000x128xf32, #tpu.memory_space<hbm>> -> memref<312x128xf32, #tpu.memory_space<hbm>>
        tpu.wait_dma2 semaphore(%run_scoped3A : memref<!tpu.dma_semaphore, #tpu.memory_space<semaphore_mem>>) src(%dma_wait3A_112 : memref<312x128xf32, #tpu.memory_space<hbm>>) dst(%dma_wait3A_110 : memref<312x128xf32, #tpu.memory_space<vmem_shared>>)
        tpu.yield
      }) : () -> ()
    } else {
    }
    %eq3A = arith.constant 15 : i32
    %eq3A_14 = arith.cmpi eq, %arg1, %eq3A : i32
    %convert_element_type3A_15 = arith.extui %eq3A_14 : i1 to i32
    %cond3A_16 = arith.constant 0 : i32
    %cond3A_17 = arith.cmpi ne, %convert_element_type3A_15, %cond3A_16 : i32
    scf.if %cond3A_17 {
      %add3A_100 = arith.constant 4680 : i32
      %add3A_101 = arith.addi %mul3A_5, %add3A_100 : i32
      "tpu.region"() ({
        %run_scoped3A = tpu.sem_alloc : memref<!tpu.dma_semaphore, #tpu.memory_space<semaphore_mem>>
        %dma_start3A_102 = arith.constant 4680 : i32
        %dma_start3A_103 = arith.constant 0 : i32
        %dma_start3A_104 = tpu.memref_slice %arg11[%dma_start3A_102, %dma_start3A_103] : memref<5016x128xf32, #tpu.memory_space<vmem_shared>> -> memref<320x128xf32, #tpu.memory_space<vmem_shared>>
        %dma_start3A_105 = arith.constant 0 : i32
        %dma_start3A_106 = tpu.memref_slice %arg5[%add3A_101, %dma_start3A_105] : memref<20000x128xf32, #tpu.memory_space<hbm>> -> memref<320x128xf32, #tpu.memory_space<hbm>>
        tpu.enqueue_dma source(%dma_start3A_106 : memref<320x128xf32, #tpu.memory_space<hbm>>) target(%dma_start3A_104 : memref<320x128xf32, #tpu.memory_space<vmem_shared>>) target_semaphore(%run_scoped3A : memref<!tpu.dma_semaphore, #tpu.memory_space<semaphore_mem>>)
        %dma_wait3A_107 = arith.constant 4680 : i32
        %dma_wait3A_108 = arith.constant 0 : i32
        %dma_wait3A_109 = tpu.memref_slice %arg11[%dma_wait3A_107, %dma_wait3A_108] : memref<5016x128xf32, #tpu.memory_space<vmem_shared>> -> memref<320x128xf32, #tpu.memory_space<vmem_shared>>
        %dma_wait3A_110 = arith.constant 0 : i32
        %dma_wait3A_111 = tpu.memref_slice %arg5[%add3A_101, %dma_wait3A_110] : memref<20000x128xf32, #tpu.memory_space<hbm>> -> memref<320x128xf32, #tpu.memory_space<hbm>>
        tpu.wait_dma2 semaphore(%run_scoped3A : memref<!tpu.dma_semaphore, #tpu.memory_space<semaphore_mem>>) src(%dma_wait3A_111 : memref<320x128xf32, #tpu.memory_space<hbm>>) dst(%dma_wait3A_109 : memref<320x128xf32, #tpu.memory_space<vmem_shared>>)
        tpu.yield
      }) : () -> ()
    } else {
    }
    %barrier3A = arith.constant 0 : index
    tpu.barrier barrier_id(%barrier3A)
    %dma_start3A = arith.constant 0 : i32
    %dma_start3A_18 = arith.constant 0 : i32
    %dma_start3A_19 = tpu.memref_slice %arg7[%dma_start3A, %dma_start3A_18] : memref<160x128xi32, #tpu.memory_space<vmem>> -> memref<1x128xi32, #tpu.memory_space<vmem>>
    %dma_start3A_20 = tpu.memref_squeeze %dma_start3A_19 : memref<1x128xi32, #tpu.memory_space<vmem>> -> memref<128xi32, #tpu.memory_space<vmem>>
    %dma_start3A_21 = arith.constant 0 : i32
    %dma_start3A_22 = arith.constant 0 : i32
    %dma_start3A_23 = tpu.memref_slice %arg2[%dma_start3A_21, %dma_start3A_22] : memref<20000x128xf32, #tpu.memory_space<hbm>> -> memref<20000x128xf32, #tpu.memory_space<hbm>>
    tpu.enqueue_indirect_dma source(%dma_start3A_23 : memref<20000x128xf32, #tpu.memory_space<hbm>>) target(%arg9 : memref<128x128xf32, #tpu.memory_space<vmem>>) offsets(%dma_start3A_20 : memref<128xi32, #tpu.memory_space<vmem>>) semaphore(%arg12 : memref<!tpu.dma_semaphore, #tpu.memory_space<semaphore_mem>>)
    %scan3A = arith.constant 0 : i32
    %scan3A_24 = arith.constant 0 : i32
    %scan3A_25 = arith.constant 80 : i32
    %scan3A_26 = arith.addi %scan3A_24, %scan3A_25 : i32
    %scan3A_27 = arith.constant 1 : i32
    scf.for %scan3A_100 = %scan3A_24 to %scan3A_26 step %scan3A_27  : i32 {
      %mul3A_101 = arith.constant 2 : i32
      %mul3A_102 = arith.muli %mul3A_101, %scan3A_100 : i32
      %add3A_103 = arith.constant 1 : i32
      %add3A_104 = arith.addi %mul3A_102, %add3A_103 : i32
      %dma_start3A_105 = arith.constant 0 : i32
      %dma_start3A_106 = tpu.memref_slice %arg7[%add3A_104, %dma_start3A_105] : memref<160x128xi32, #tpu.memory_space<vmem>> -> memref<1x128xi32, #tpu.memory_space<vmem>>
      %dma_start3A_107 = tpu.memref_squeeze %dma_start3A_106 : memref<1x128xi32, #tpu.memory_space<vmem>> -> memref<128xi32, #tpu.memory_space<vmem>>
      %dma_start3A_108 = arith.constant 0 : i32
      %dma_start3A_109 = arith.constant 0 : i32
      %dma_start3A_110 = tpu.memref_slice %arg2[%dma_start3A_108, %dma_start3A_109] : memref<20000x128xf32, #tpu.memory_space<hbm>> -> memref<20000x128xf32, #tpu.memory_space<hbm>>
      tpu.enqueue_indirect_dma source(%dma_start3A_110 : memref<20000x128xf32, #tpu.memory_space<hbm>>) target(%arg10 : memref<128x128xf32, #tpu.memory_space<vmem>>) offsets(%dma_start3A_107 : memref<128xi32, #tpu.memory_space<vmem>>) semaphore(%arg13 : memref<!tpu.dma_semaphore, #tpu.memory_space<semaphore_mem>>)
      %dma_wait3A_111 = arith.constant 0 : i32
      %dma_wait3A_112 = tpu.memref_slice %arg7[%mul3A_102, %dma_wait3A_111] : memref<160x128xi32, #tpu.memory_space<vmem>> -> memref<1x128xi32, #tpu.memory_space<vmem>>
      %dma_wait3A_113 = tpu.memref_squeeze %dma_wait3A_112 : memref<1x128xi32, #tpu.memory_space<vmem>> -> memref<128xi32, #tpu.memory_space<vmem>>
      %dma_wait3A_114 = arith.constant 0 : i32
      %dma_wait3A_115 = arith.constant 0 : i32
      %dma_wait3A_116 = tpu.memref_slice %arg2[%dma_wait3A_114, %dma_wait3A_115] : memref<20000x128xf32, #tpu.memory_space<hbm>> -> memref<20000x128xf32, #tpu.memory_space<hbm>>
      tpu.wait_indirect_dma semaphore(%arg12 : memref<!tpu.dma_semaphore, #tpu.memory_space<semaphore_mem>>) src(%dma_wait3A_116 : memref<20000x128xf32, #tpu.memory_space<hbm>>) dst(%arg9 : memref<128x128xf32, #tpu.memory_space<vmem>>)
      "tpu.region"() ({
        %run_scoped3A = tpu.sem_alloc : memref<!tpu.dma_semaphore, #tpu.memory_space<semaphore_mem>>
        %dma_start3A_136 = arith.constant 0 : i32
        %dma_start3A_137 = tpu.memref_slice %arg8[%mul3A_102, %dma_start3A_136] : memref<160x128xi32, #tpu.memory_space<vmem>> -> memref<1x128xi32, #tpu.memory_space<vmem>>
        %dma_start3A_138 = tpu.memref_squeeze %dma_start3A_137 : memref<1x128xi32, #tpu.memory_space<vmem>> -> memref<128xi32, #tpu.memory_space<vmem>>
        %dma_start3A_139 = arith.constant 0 : i32
        %dma_start3A_140 = arith.constant 0 : i32
        %dma_start3A_141 = tpu.memref_slice %arg11[%dma_start3A_139, %dma_start3A_140] : memref<5016x128xf32, #tpu.memory_space<vmem_shared>> -> memref<5016x128xf32, #tpu.memory_space<vmem_shared>>
        tpu.enqueue_indirect_dma source(%arg9 : memref<128x128xf32, #tpu.memory_space<vmem>>) target(%dma_start3A_141 : memref<5016x128xf32, #tpu.memory_space<vmem_shared>>) offsets(%dma_start3A_138 : memref<128xi32, #tpu.memory_space<vmem>>) semaphore(%run_scoped3A : memref<!tpu.dma_semaphore, #tpu.memory_space<semaphore_mem>>) {add = true}
        %dma_wait3A_142 = arith.constant 0 : i32
        %dma_wait3A_143 = tpu.memref_slice %arg8[%mul3A_102, %dma_wait3A_142] : memref<160x128xi32, #tpu.memory_space<vmem>> -> memref<1x128xi32, #tpu.memory_space<vmem>>
        %dma_wait3A_144 = tpu.memref_squeeze %dma_wait3A_143 : memref<1x128xi32, #tpu.memory_space<vmem>> -> memref<128xi32, #tpu.memory_space<vmem>>
        %dma_wait3A_145 = arith.constant 0 : i32
        %dma_wait3A_146 = arith.constant 0 : i32
        %dma_wait3A_147 = tpu.memref_slice %arg11[%dma_wait3A_145, %dma_wait3A_146] : memref<5016x128xf32, #tpu.memory_space<vmem_shared>> -> memref<5016x128xf32, #tpu.memory_space<vmem_shared>>
        tpu.wait_indirect_dma semaphore(%run_scoped3A : memref<!tpu.dma_semaphore, #tpu.memory_space<semaphore_mem>>) src(%arg9 : memref<128x128xf32, #tpu.memory_space<vmem>>) dst(%dma_wait3A_147 : memref<5016x128xf32, #tpu.memory_space<vmem_shared>>)
        tpu.yield
      }) : () -> ()
      %add3A_117 = arith.constant 2 : i32
      %add3A_118 = arith.addi %mul3A_102, %add3A_117 : i32
      %min3A = arith.constant 159 : i32
      %min3A_119 = arith.minsi %add3A_118, %min3A : i32
      %dma_start3A_120 = arith.constant 0 : i32
      %dma_start3A_121 = tpu.memref_slice %arg7[%min3A_119, %dma_start3A_120] : memref<160x128xi32, #tpu.memory_space<vmem>> -> memref<1x128xi32, #tpu.memory_space<vmem>>
      %dma_start3A_122 = tpu.memref_squeeze %dma_start3A_121 : memref<1x128xi32, #tpu.memory_space<vmem>> -> memref<128xi32, #tpu.memory_space<vmem>>
      %dma_start3A_123 = arith.constant 0 : i32
      %dma_start3A_124 = arith.constant 0 : i32
      %dma_start3A_125 = tpu.memref_slice %arg2[%dma_start3A_123, %dma_start3A_124] : memref<20000x128xf32, #tpu.memory_space<hbm>> -> memref<20000x128xf32, #tpu.memory_space<hbm>>
      tpu.enqueue_indirect_dma source(%dma_start3A_125 : memref<20000x128xf32, #tpu.memory_space<hbm>>) target(%arg9 : memref<128x128xf32, #tpu.memory_space<vmem>>) offsets(%dma_start3A_122 : memref<128xi32, #tpu.memory_space<vmem>>) semaphore(%arg12 : memref<!tpu.dma_semaphore, #tpu.memory_space<semaphore_mem>>)
      %add3A_126 = arith.constant 1 : i32
      %add3A_127 = arith.addi %mul3A_102, %add3A_126 : i32
      %dma_wait3A_128 = arith.constant 0 : i32
      %dma_wait3A_129 = tpu.memref_slice %arg7[%add3A_127, %dma_wait3A_128] : memref<160x128xi32, #tpu.memory_space<vmem>> -> memref<1x128xi32, #tpu.memory_space<vmem>>
      %dma_wait3A_130 = tpu.memref_squeeze %dma_wait3A_129 : memref<1x128xi32, #tpu.memory_space<vmem>> -> memref<128xi32, #tpu.memory_space<vmem>>
      %dma_wait3A_131 = arith.constant 0 : i32
      %dma_wait3A_132 = arith.constant 0 : i32
      %dma_wait3A_133 = tpu.memref_slice %arg2[%dma_wait3A_131, %dma_wait3A_132] : memref<20000x128xf32, #tpu.memory_space<hbm>> -> memref<20000x128xf32, #tpu.memory_space<hbm>>
      tpu.wait_indirect_dma semaphore(%arg13 : memref<!tpu.dma_semaphore, #tpu.memory_space<semaphore_mem>>) src(%dma_wait3A_133 : memref<20000x128xf32, #tpu.memory_space<hbm>>) dst(%arg10 : memref<128x128xf32, #tpu.memory_space<vmem>>)
      %add3A_134 = arith.constant 1 : i32
      %add3A_135 = arith.addi %mul3A_102, %add3A_134 : i32
      "tpu.region"() ({
        %run_scoped3A = tpu.sem_alloc : memref<!tpu.dma_semaphore, #tpu.memory_space<semaphore_mem>>
        %dma_start3A_136 = arith.constant 0 : i32
        %dma_start3A_137 = tpu.memref_slice %arg8[%add3A_135, %dma_start3A_136] : memref<160x128xi32, #tpu.memory_space<vmem>> -> memref<1x128xi32, #tpu.memory_space<vmem>>
        %dma_start3A_138 = tpu.memref_squeeze %dma_start3A_137 : memref<1x128xi32, #tpu.memory_space<vmem>> -> memref<128xi32, #tpu.memory_space<vmem>>
        %dma_start3A_139 = arith.constant 0 : i32
        %dma_start3A_140 = arith.constant 0 : i32
        %dma_start3A_141 = tpu.memref_slice %arg11[%dma_start3A_139, %dma_start3A_140] : memref<5016x128xf32, #tpu.memory_space<vmem_shared>> -> memref<5016x128xf32, #tpu.memory_space<vmem_shared>>
        tpu.enqueue_indirect_dma source(%arg10 : memref<128x128xf32, #tpu.memory_space<vmem>>) target(%dma_start3A_141 : memref<5016x128xf32, #tpu.memory_space<vmem_shared>>) offsets(%dma_start3A_138 : memref<128xi32, #tpu.memory_space<vmem>>) semaphore(%run_scoped3A : memref<!tpu.dma_semaphore, #tpu.memory_space<semaphore_mem>>) {add = true}
        %dma_wait3A_142 = arith.constant 0 : i32
        %dma_wait3A_143 = tpu.memref_slice %arg8[%add3A_135, %dma_wait3A_142] : memref<160x128xi32, #tpu.memory_space<vmem>> -> memref<1x128xi32, #tpu.memory_space<vmem>>
        %dma_wait3A_144 = tpu.memref_squeeze %dma_wait3A_143 : memref<1x128xi32, #tpu.memory_space<vmem>> -> memref<128xi32, #tpu.memory_space<vmem>>
        %dma_wait3A_145 = arith.constant 0 : i32
        %dma_wait3A_146 = arith.constant 0 : i32
        %dma_wait3A_147 = tpu.memref_slice %arg11[%dma_wait3A_145, %dma_wait3A_146] : memref<5016x128xf32, #tpu.memory_space<vmem_shared>> -> memref<5016x128xf32, #tpu.memory_space<vmem_shared>>
        tpu.wait_indirect_dma semaphore(%run_scoped3A : memref<!tpu.dma_semaphore, #tpu.memory_space<semaphore_mem>>) src(%arg10 : memref<128x128xf32, #tpu.memory_space<vmem>>) dst(%dma_wait3A_147 : memref<5016x128xf32, #tpu.memory_space<vmem_shared>>)
        tpu.yield
      }) : () -> ()
    }
    %scan3A_28 = arith.constant 80 : i32
    %dma_wait3A = arith.constant 0 : i32
    %dma_wait3A_29 = arith.constant 0 : i32
    %dma_wait3A_30 = tpu.memref_slice %arg7[%dma_wait3A, %dma_wait3A_29] : memref<160x128xi32, #tpu.memory_space<vmem>> -> memref<1x128xi32, #tpu.memory_space<vmem>>
    %dma_wait3A_31 = tpu.memref_squeeze %dma_wait3A_30 : memref<1x128xi32, #tpu.memory_space<vmem>> -> memref<128xi32, #tpu.memory_space<vmem>>
    %dma_wait3A_32 = arith.constant 0 : i32
    %dma_wait3A_33 = arith.constant 0 : i32
    %dma_wait3A_34 = tpu.memref_slice %arg2[%dma_wait3A_32, %dma_wait3A_33] : memref<20000x128xf32, #tpu.memory_space<hbm>> -> memref<20000x128xf32, #tpu.memory_space<hbm>>
    tpu.wait_indirect_dma semaphore(%arg12 : memref<!tpu.dma_semaphore, #tpu.memory_space<semaphore_mem>>) src(%dma_wait3A_34 : memref<20000x128xf32, #tpu.memory_space<hbm>>) dst(%arg9 : memref<128x128xf32, #tpu.memory_space<vmem>>)
    %barrier3A_35 = arith.constant 0 : index
    tpu.barrier barrier_id(%barrier3A_35)
    %lt3A_36 = arith.constant 15 : i32
    %lt3A_37 = arith.cmpi slt, %arg1, %lt3A_36 : i32
    %convert_element_type3A_38 = arith.extui %lt3A_37 : i1 to i32
    %cond3A_39 = arith.constant 0 : i32
    %cond3A_40 = arith.cmpi ne, %convert_element_type3A_38, %cond3A_39 : i32
    scf.if %cond3A_40 {
      %mul3A_100 = arith.constant 312 : i32
      %mul3A_101 = arith.muli %arg1, %mul3A_100 : i32
      %mul3A_102 = arith.constant 312 : i32
      %mul3A_103 = arith.muli %arg1, %mul3A_102 : i32
      %add3A_104 = arith.addi %mul3A_5, %mul3A_103 : i32
      "tpu.region"() ({
        %run_scoped3A = tpu.sem_alloc : memref<!tpu.dma_semaphore, #tpu.memory_space<semaphore_mem>>
        %dma_start3A_105 = arith.constant 0 : i32
        %dma_start3A_106 = tpu.memref_slice %arg6[%add3A_104, %dma_start3A_105] : memref<20000x128xf32, #tpu.memory_space<hbm>> -> memref<312x128xf32, #tpu.memory_space<hbm>>
        %dma_start3A_107 = arith.constant 0 : i32
        %dma_start3A_108 = tpu.memref_slice %arg11[%mul3A_101, %dma_start3A_107] : memref<5016x128xf32, #tpu.memory_space<vmem_shared>> -> memref<312x128xf32, #tpu.memory_space<vmem_shared>>
        tpu.enqueue_dma source(%dma_start3A_108 : memref<312x128xf32, #tpu.memory_space<vmem_shared>>) target(%dma_start3A_106 : memref<312x128xf32, #tpu.memory_space<hbm>>) target_semaphore(%run_scoped3A : memref<!tpu.dma_semaphore, #tpu.memory_space<semaphore_mem>>)
        %dma_wait3A_109 = arith.constant 0 : i32
        %dma_wait3A_110 = tpu.memref_slice %arg6[%add3A_104, %dma_wait3A_109] : memref<20000x128xf32, #tpu.memory_space<hbm>> -> memref<312x128xf32, #tpu.memory_space<hbm>>
        %dma_wait3A_111 = arith.constant 0 : i32
        %dma_wait3A_112 = tpu.memref_slice %arg11[%mul3A_101, %dma_wait3A_111] : memref<5016x128xf32, #tpu.memory_space<vmem_shared>> -> memref<312x128xf32, #tpu.memory_space<vmem_shared>>
        tpu.wait_dma2 semaphore(%run_scoped3A : memref<!tpu.dma_semaphore, #tpu.memory_space<semaphore_mem>>) src(%dma_wait3A_112 : memref<312x128xf32, #tpu.memory_space<vmem_shared>>) dst(%dma_wait3A_110 : memref<312x128xf32, #tpu.memory_space<hbm>>)
        tpu.yield
      }) : () -> ()
    } else {
    }
    %eq3A_41 = arith.constant 15 : i32
    %eq3A_42 = arith.cmpi eq, %arg1, %eq3A_41 : i32
    %convert_element_type3A_43 = arith.extui %eq3A_42 : i1 to i32
    %cond3A_44 = arith.constant 0 : i32
    %cond3A_45 = arith.cmpi ne, %convert_element_type3A_43, %cond3A_44 : i32
    scf.if %cond3A_45 {
      %add3A_100 = arith.constant 4680 : i32
      %add3A_101 = arith.addi %mul3A_5, %add3A_100 : i32
      "tpu.region"() ({
        %run_scoped3A = tpu.sem_alloc : memref<!tpu.dma_semaphore, #tpu.memory_space<semaphore_mem>>
        %dma_start3A_102 = arith.constant 0 : i32
        %dma_start3A_103 = tpu.memref_slice %arg6[%add3A_101, %dma_start3A_102] : memref<20000x128xf32, #tpu.memory_space<hbm>> -> memref<320x128xf32, #tpu.memory_space<hbm>>
        %dma_start3A_104 = arith.constant 4680 : i32
        %dma_start3A_105 = arith.constant 0 : i32
        %dma_start3A_106 = tpu.memref_slice %arg11[%dma_start3A_104, %dma_start3A_105] : memref<5016x128xf32, #tpu.memory_space<vmem_shared>> -> memref<320x128xf32, #tpu.memory_space<vmem_shared>>
        tpu.enqueue_dma source(%dma_start3A_106 : memref<320x128xf32, #tpu.memory_space<vmem_shared>>) target(%dma_start3A_103 : memref<320x128xf32, #tpu.memory_space<hbm>>) target_semaphore(%run_scoped3A : memref<!tpu.dma_semaphore, #tpu.memory_space<semaphore_mem>>)
        %dma_wait3A_107 = arith.constant 0 : i32
        %dma_wait3A_108 = tpu.memref_slice %arg6[%add3A_101, %dma_wait3A_107] : memref<20000x128xf32, #tpu.memory_space<hbm>> -> memref<320x128xf32, #tpu.memory_space<hbm>>
        %dma_wait3A_109 = arith.constant 4680 : i32
        %dma_wait3A_110 = arith.constant 0 : i32
        %dma_wait3A_111 = tpu.memref_slice %arg11[%dma_wait3A_109, %dma_wait3A_110] : memref<5016x128xf32, #tpu.memory_space<vmem_shared>> -> memref<320x128xf32, #tpu.memory_space<vmem_shared>>
        tpu.wait_dma2 semaphore(%run_scoped3A : memref<!tpu.dma_semaphore, #tpu.memory_space<semaphore_mem>>) src(%dma_wait3A_111 : memref<320x128xf32, #tpu.memory_space<vmem_shared>>) dst(%dma_wait3A_108 : memref<320x128xf32, #tpu.memory_space<hbm>>)
        tpu.yield
      }) : () -> ()
    } else {
    }
    %mul3A_46 = arith.constant 2 : i32
    %mul3A_47 = arith.muli %arg0, %mul3A_46 : i32
    %add3A_48 = arith.constant 1 : i32
    %add3A_49 = arith.addi %mul3A_47, %add3A_48 : i32
    %mul3A_50 = arith.constant 5000 : i32
    %mul3A_51 = arith.muli %add3A_49, %mul3A_50 : i32
    %mul3A_52 = arith.constant 0 : i32
    %mul3A_53 = arith.muli %mul3A_52, %arg0 : i32
    %add3A_54 = arith.constant 1 : i32
    %add3A_55 = arith.addi %add3A_54, %mul3A_53 : i32
    %mul3A_56 = arith.constant 160 : i32
    %mul3A_57 = arith.muli %arg1, %mul3A_56 : i32
    "tpu.region"() ({
      %run_scoped3A = tpu.sem_alloc : memref<!tpu.dma_semaphore, #tpu.memory_space<semaphore_mem>>
      %dma_start3A_100 = arith.constant 0 : i32
      %dma_start3A_101 = tpu.memref_slice %arg4[%add3A_55, %mul3A_57, %dma_start3A_100] : memref<2x2560x128xi32, #tpu.memory_space<hbm>> -> memref<1x160x128xi32, #tpu.memory_space<hbm>>
      %dma_start3A_102 = tpu.memref_squeeze %dma_start3A_101 : memref<1x160x128xi32, #tpu.memory_space<hbm>> -> memref<160x128xi32, #tpu.memory_space<hbm>>
      %dma_start3A_103 = arith.constant 0 : i32
      %dma_start3A_104 = tpu.memref_slice %arg4[%add3A_55, %mul3A_57, %dma_start3A_103] : memref<2x2560x128xi32, #tpu.memory_space<hbm>> -> memref<1x160x128xi32, #tpu.memory_space<hbm>>
      %dma_start3A_105 = tpu.memref_squeeze %dma_start3A_104 : memref<1x160x128xi32, #tpu.memory_space<hbm>> -> memref<160x128xi32, #tpu.memory_space<hbm>>
      tpu.enqueue_dma source(%dma_start3A_105 : memref<160x128xi32, #tpu.memory_space<hbm>>) target(%arg8 : memref<160x128xi32, #tpu.memory_space<vmem>>) target_semaphore(%run_scoped3A : memref<!tpu.dma_semaphore, #tpu.memory_space<semaphore_mem>>)
      %dma_wait3A_106 = arith.constant 0 : i32
      %dma_wait3A_107 = tpu.memref_slice %arg4[%add3A_55, %mul3A_57, %dma_wait3A_106] : memref<2x2560x128xi32, #tpu.memory_space<hbm>> -> memref<1x160x128xi32, #tpu.memory_space<hbm>>
      %dma_wait3A_108 = tpu.memref_squeeze %dma_wait3A_107 : memref<1x160x128xi32, #tpu.memory_space<hbm>> -> memref<160x128xi32, #tpu.memory_space<hbm>>
      %dma_wait3A_109 = arith.constant 0 : i32
      %dma_wait3A_110 = tpu.memref_slice %arg4[%add3A_55, %mul3A_57, %dma_wait3A_109] : memref<2x2560x128xi32, #tpu.memory_space<hbm>> -> memref<1x160x128xi32, #tpu.memory_space<hbm>>
      %dma_wait3A_111 = tpu.memref_squeeze %dma_wait3A_110 : memref<1x160x128xi32, #tpu.memory_space<hbm>> -> memref<160x128xi32, #tpu.memory_space<hbm>>
      tpu.wait_dma2 semaphore(%run_scoped3A : memref<!tpu.dma_semaphore, #tpu.memory_space<semaphore_mem>>) src(%dma_wait3A_111 : memref<160x128xi32, #tpu.memory_space<hbm>>) dst(%arg8 : memref<160x128xi32, #tpu.memory_space<vmem>>)
      tpu.yield
    }) : () -> ()
    %lt3A_58 = arith.constant 15 : i32
    %lt3A_59 = arith.cmpi slt, %arg1, %lt3A_58 : i32
    %convert_element_type3A_60 = arith.extui %lt3A_59 : i1 to i32
    %cond3A_61 = arith.constant 0 : i32
    %cond3A_62 = arith.cmpi ne, %convert_element_type3A_60, %cond3A_61 : i32
    scf.if %cond3A_62 {
      %mul3A_100 = arith.constant 312 : i32
      %mul3A_101 = arith.muli %arg1, %mul3A_100 : i32
      %add3A_102 = arith.addi %mul3A_51, %mul3A_101 : i32
      %mul3A_103 = arith.constant 312 : i32
      %mul3A_104 = arith.muli %arg1, %mul3A_103 : i32
      "tpu.region"() ({
        %run_scoped3A = tpu.sem_alloc : memref<!tpu.dma_semaphore, #tpu.memory_space<semaphore_mem>>
        %dma_start3A_105 = arith.constant 0 : i32
        %dma_start3A_106 = tpu.memref_slice %arg11[%mul3A_104, %dma_start3A_105] : memref<5016x128xf32, #tpu.memory_space<vmem_shared>> -> memref<312x128xf32, #tpu.memory_space<vmem_shared>>
        %dma_start3A_107 = arith.constant 0 : i32
        %dma_start3A_108 = tpu.memref_slice %arg5[%add3A_102, %dma_start3A_107] : memref<20000x128xf32, #tpu.memory_space<hbm>> -> memref<312x128xf32, #tpu.memory_space<hbm>>
        tpu.enqueue_dma source(%dma_start3A_108 : memref<312x128xf32, #tpu.memory_space<hbm>>) target(%dma_start3A_106 : memref<312x128xf32, #tpu.memory_space<vmem_shared>>) target_semaphore(%run_scoped3A : memref<!tpu.dma_semaphore, #tpu.memory_space<semaphore_mem>>)
        %dma_wait3A_109 = arith.constant 0 : i32
        %dma_wait3A_110 = tpu.memref_slice %arg11[%mul3A_104, %dma_wait3A_109] : memref<5016x128xf32, #tpu.memory_space<vmem_shared>> -> memref<312x128xf32, #tpu.memory_space<vmem_shared>>
        %dma_wait3A_111 = arith.constant 0 : i32
        %dma_wait3A_112 = tpu.memref_slice %arg5[%add3A_102, %dma_wait3A_111] : memref<20000x128xf32, #tpu.memory_space<hbm>> -> memref<312x128xf32, #tpu.memory_space<hbm>>
        tpu.wait_dma2 semaphore(%run_scoped3A : memref<!tpu.dma_semaphore, #tpu.memory_space<semaphore_mem>>) src(%dma_wait3A_112 : memref<312x128xf32, #tpu.memory_space<hbm>>) dst(%dma_wait3A_110 : memref<312x128xf32, #tpu.memory_space<vmem_shared>>)
        tpu.yield
      }) : () -> ()
    } else {
    }
    %eq3A_63 = arith.constant 15 : i32
    %eq3A_64 = arith.cmpi eq, %arg1, %eq3A_63 : i32
    %convert_element_type3A_65 = arith.extui %eq3A_64 : i1 to i32
    %cond3A_66 = arith.constant 0 : i32
    %cond3A_67 = arith.cmpi ne, %convert_element_type3A_65, %cond3A_66 : i32
    scf.if %cond3A_67 {
      %add3A_100 = arith.constant 4680 : i32
      %add3A_101 = arith.addi %mul3A_51, %add3A_100 : i32
      "tpu.region"() ({
        %run_scoped3A = tpu.sem_alloc : memref<!tpu.dma_semaphore, #tpu.memory_space<semaphore_mem>>
        %dma_start3A_102 = arith.constant 4680 : i32
        %dma_start3A_103 = arith.constant 0 : i32
        %dma_start3A_104 = tpu.memref_slice %arg11[%dma_start3A_102, %dma_start3A_103] : memref<5016x128xf32, #tpu.memory_space<vmem_shared>> -> memref<320x128xf32, #tpu.memory_space<vmem_shared>>
        %dma_start3A_105 = arith.constant 0 : i32
        %dma_start3A_106 = tpu.memref_slice %arg5[%add3A_101, %dma_start3A_105] : memref<20000x128xf32, #tpu.memory_space<hbm>> -> memref<320x128xf32, #tpu.memory_space<hbm>>
        tpu.enqueue_dma source(%dma_start3A_106 : memref<320x128xf32, #tpu.memory_space<hbm>>) target(%dma_start3A_104 : memref<320x128xf32, #tpu.memory_space<vmem_shared>>) target_semaphore(%run_scoped3A : memref<!tpu.dma_semaphore, #tpu.memory_space<semaphore_mem>>)
        %dma_wait3A_107 = arith.constant 4680 : i32
        %dma_wait3A_108 = arith.constant 0 : i32
        %dma_wait3A_109 = tpu.memref_slice %arg11[%dma_wait3A_107, %dma_wait3A_108] : memref<5016x128xf32, #tpu.memory_space<vmem_shared>> -> memref<320x128xf32, #tpu.memory_space<vmem_shared>>
        %dma_wait3A_110 = arith.constant 0 : i32
        %dma_wait3A_111 = tpu.memref_slice %arg5[%add3A_101, %dma_wait3A_110] : memref<20000x128xf32, #tpu.memory_space<hbm>> -> memref<320x128xf32, #tpu.memory_space<hbm>>
        tpu.wait_dma2 semaphore(%run_scoped3A : memref<!tpu.dma_semaphore, #tpu.memory_space<semaphore_mem>>) src(%dma_wait3A_111 : memref<320x128xf32, #tpu.memory_space<hbm>>) dst(%dma_wait3A_109 : memref<320x128xf32, #tpu.memory_space<vmem_shared>>)
        tpu.yield
      }) : () -> ()
    } else {
    }
    %barrier3A_68 = arith.constant 0 : index
    tpu.barrier barrier_id(%barrier3A_68)
    %dma_start3A_69 = arith.constant 0 : i32
    %dma_start3A_70 = arith.constant 0 : i32
    %dma_start3A_71 = tpu.memref_slice %arg7[%dma_start3A_69, %dma_start3A_70] : memref<160x128xi32, #tpu.memory_space<vmem>> -> memref<1x128xi32, #tpu.memory_space<vmem>>
    %dma_start3A_72 = tpu.memref_squeeze %dma_start3A_71 : memref<1x128xi32, #tpu.memory_space<vmem>> -> memref<128xi32, #tpu.memory_space<vmem>>
    %dma_start3A_73 = arith.constant 0 : i32
    %dma_start3A_74 = arith.constant 0 : i32
    %dma_start3A_75 = tpu.memref_slice %arg2[%dma_start3A_73, %dma_start3A_74] : memref<20000x128xf32, #tpu.memory_space<hbm>> -> memref<20000x128xf32, #tpu.memory_space<hbm>>
    tpu.enqueue_indirect_dma source(%dma_start3A_75 : memref<20000x128xf32, #tpu.memory_space<hbm>>) target(%arg9 : memref<128x128xf32, #tpu.memory_space<vmem>>) offsets(%dma_start3A_72 : memref<128xi32, #tpu.memory_space<vmem>>) semaphore(%arg12 : memref<!tpu.dma_semaphore, #tpu.memory_space<semaphore_mem>>)
    %scan3A_76 = arith.constant 0 : i32
    %scan3A_77 = arith.constant 0 : i32
    %scan3A_78 = arith.constant 80 : i32
    %scan3A_79 = arith.addi %scan3A_77, %scan3A_78 : i32
    %scan3A_80 = arith.constant 1 : i32
    scf.for %scan3A_100 = %scan3A_77 to %scan3A_79 step %scan3A_80  : i32 {
      %mul3A_101 = arith.constant 2 : i32
      %mul3A_102 = arith.muli %mul3A_101, %scan3A_100 : i32
      %add3A_103 = arith.constant 1 : i32
      %add3A_104 = arith.addi %mul3A_102, %add3A_103 : i32
      %dma_start3A_105 = arith.constant 0 : i32
      %dma_start3A_106 = tpu.memref_slice %arg7[%add3A_104, %dma_start3A_105] : memref<160x128xi32, #tpu.memory_space<vmem>> -> memref<1x128xi32, #tpu.memory_space<vmem>>
      %dma_start3A_107 = tpu.memref_squeeze %dma_start3A_106 : memref<1x128xi32, #tpu.memory_space<vmem>> -> memref<128xi32, #tpu.memory_space<vmem>>
      %dma_start3A_108 = arith.constant 0 : i32
      %dma_start3A_109 = arith.constant 0 : i32
      %dma_start3A_110 = tpu.memref_slice %arg2[%dma_start3A_108, %dma_start3A_109] : memref<20000x128xf32, #tpu.memory_space<hbm>> -> memref<20000x128xf32, #tpu.memory_space<hbm>>
      tpu.enqueue_indirect_dma source(%dma_start3A_110 : memref<20000x128xf32, #tpu.memory_space<hbm>>) target(%arg10 : memref<128x128xf32, #tpu.memory_space<vmem>>) offsets(%dma_start3A_107 : memref<128xi32, #tpu.memory_space<vmem>>) semaphore(%arg13 : memref<!tpu.dma_semaphore, #tpu.memory_space<semaphore_mem>>)
      %dma_wait3A_111 = arith.constant 0 : i32
      %dma_wait3A_112 = tpu.memref_slice %arg7[%mul3A_102, %dma_wait3A_111] : memref<160x128xi32, #tpu.memory_space<vmem>> -> memref<1x128xi32, #tpu.memory_space<vmem>>
      %dma_wait3A_113 = tpu.memref_squeeze %dma_wait3A_112 : memref<1x128xi32, #tpu.memory_space<vmem>> -> memref<128xi32, #tpu.memory_space<vmem>>
      %dma_wait3A_114 = arith.constant 0 : i32
      %dma_wait3A_115 = arith.constant 0 : i32
      %dma_wait3A_116 = tpu.memref_slice %arg2[%dma_wait3A_114, %dma_wait3A_115] : memref<20000x128xf32, #tpu.memory_space<hbm>> -> memref<20000x128xf32, #tpu.memory_space<hbm>>
      tpu.wait_indirect_dma semaphore(%arg12 : memref<!tpu.dma_semaphore, #tpu.memory_space<semaphore_mem>>) src(%dma_wait3A_116 : memref<20000x128xf32, #tpu.memory_space<hbm>>) dst(%arg9 : memref<128x128xf32, #tpu.memory_space<vmem>>)
      "tpu.region"() ({
        %run_scoped3A = tpu.sem_alloc : memref<!tpu.dma_semaphore, #tpu.memory_space<semaphore_mem>>
        %dma_start3A_136 = arith.constant 0 : i32
        %dma_start3A_137 = tpu.memref_slice %arg8[%mul3A_102, %dma_start3A_136] : memref<160x128xi32, #tpu.memory_space<vmem>> -> memref<1x128xi32, #tpu.memory_space<vmem>>
        %dma_start3A_138 = tpu.memref_squeeze %dma_start3A_137 : memref<1x128xi32, #tpu.memory_space<vmem>> -> memref<128xi32, #tpu.memory_space<vmem>>
        %dma_start3A_139 = arith.constant 0 : i32
        %dma_start3A_140 = arith.constant 0 : i32
        %dma_start3A_141 = tpu.memref_slice %arg11[%dma_start3A_139, %dma_start3A_140] : memref<5016x128xf32, #tpu.memory_space<vmem_shared>> -> memref<5016x128xf32, #tpu.memory_space<vmem_shared>>
        tpu.enqueue_indirect_dma source(%arg9 : memref<128x128xf32, #tpu.memory_space<vmem>>) target(%dma_start3A_141 : memref<5016x128xf32, #tpu.memory_space<vmem_shared>>) offsets(%dma_start3A_138 : memref<128xi32, #tpu.memory_space<vmem>>) semaphore(%run_scoped3A : memref<!tpu.dma_semaphore, #tpu.memory_space<semaphore_mem>>) {add = true}
        %dma_wait3A_142 = arith.constant 0 : i32
        %dma_wait3A_143 = tpu.memref_slice %arg8[%mul3A_102, %dma_wait3A_142] : memref<160x128xi32, #tpu.memory_space<vmem>> -> memref<1x128xi32, #tpu.memory_space<vmem>>
        %dma_wait3A_144 = tpu.memref_squeeze %dma_wait3A_143 : memref<1x128xi32, #tpu.memory_space<vmem>> -> memref<128xi32, #tpu.memory_space<vmem>>
        %dma_wait3A_145 = arith.constant 0 : i32
        %dma_wait3A_146 = arith.constant 0 : i32
        %dma_wait3A_147 = tpu.memref_slice %arg11[%dma_wait3A_145, %dma_wait3A_146] : memref<5016x128xf32, #tpu.memory_space<vmem_shared>> -> memref<5016x128xf32, #tpu.memory_space<vmem_shared>>
        tpu.wait_indirect_dma semaphore(%run_scoped3A : memref<!tpu.dma_semaphore, #tpu.memory_space<semaphore_mem>>) src(%arg9 : memref<128x128xf32, #tpu.memory_space<vmem>>) dst(%dma_wait3A_147 : memref<5016x128xf32, #tpu.memory_space<vmem_shared>>)
        tpu.yield
      }) : () -> ()
      %add3A_117 = arith.constant 2 : i32
      %add3A_118 = arith.addi %mul3A_102, %add3A_117 : i32
      %min3A = arith.constant 159 : i32
      %min3A_119 = arith.minsi %add3A_118, %min3A : i32
      %dma_start3A_120 = arith.constant 0 : i32
      %dma_start3A_121 = tpu.memref_slice %arg7[%min3A_119, %dma_start3A_120] : memref<160x128xi32, #tpu.memory_space<vmem>> -> memref<1x128xi32, #tpu.memory_space<vmem>>
      %dma_start3A_122 = tpu.memref_squeeze %dma_start3A_121 : memref<1x128xi32, #tpu.memory_space<vmem>> -> memref<128xi32, #tpu.memory_space<vmem>>
      %dma_start3A_123 = arith.constant 0 : i32
      %dma_start3A_124 = arith.constant 0 : i32
      %dma_start3A_125 = tpu.memref_slice %arg2[%dma_start3A_123, %dma_start3A_124] : memref<20000x128xf32, #tpu.memory_space<hbm>> -> memref<20000x128xf32, #tpu.memory_space<hbm>>
      tpu.enqueue_indirect_dma source(%dma_start3A_125 : memref<20000x128xf32, #tpu.memory_space<hbm>>) target(%arg9 : memref<128x128xf32, #tpu.memory_space<vmem>>) offsets(%dma_start3A_122 : memref<128xi32, #tpu.memory_space<vmem>>) semaphore(%arg12 : memref<!tpu.dma_semaphore, #tpu.memory_space<semaphore_mem>>)
      %add3A_126 = arith.constant 1 : i32
      %add3A_127 = arith.addi %mul3A_102, %add3A_126 : i32
      %dma_wait3A_128 = arith.constant 0 : i32
      %dma_wait3A_129 = tpu.memref_slice %arg7[%add3A_127, %dma_wait3A_128] : memref<160x128xi32, #tpu.memory_space<vmem>> -> memref<1x128xi32, #tpu.memory_space<vmem>>
      %dma_wait3A_130 = tpu.memref_squeeze %dma_wait3A_129 : memref<1x128xi32, #tpu.memory_space<vmem>> -> memref<128xi32, #tpu.memory_space<vmem>>
      %dma_wait3A_131 = arith.constant 0 : i32
      %dma_wait3A_132 = arith.constant 0 : i32
      %dma_wait3A_133 = tpu.memref_slice %arg2[%dma_wait3A_131, %dma_wait3A_132] : memref<20000x128xf32, #tpu.memory_space<hbm>> -> memref<20000x128xf32, #tpu.memory_space<hbm>>
      tpu.wait_indirect_dma semaphore(%arg13 : memref<!tpu.dma_semaphore, #tpu.memory_space<semaphore_mem>>) src(%dma_wait3A_133 : memref<20000x128xf32, #tpu.memory_space<hbm>>) dst(%arg10 : memref<128x128xf32, #tpu.memory_space<vmem>>)
      %add3A_134 = arith.constant 1 : i32
      %add3A_135 = arith.addi %mul3A_102, %add3A_134 : i32
      "tpu.region"() ({
        %run_scoped3A = tpu.sem_alloc : memref<!tpu.dma_semaphore, #tpu.memory_space<semaphore_mem>>
        %dma_start3A_136 = arith.constant 0 : i32
        %dma_start3A_137 = tpu.memref_slice %arg8[%add3A_135, %dma_start3A_136] : memref<160x128xi32, #tpu.memory_space<vmem>> -> memref<1x128xi32, #tpu.memory_space<vmem>>
        %dma_start3A_138 = tpu.memref_squeeze %dma_start3A_137 : memref<1x128xi32, #tpu.memory_space<vmem>> -> memref<128xi32, #tpu.memory_space<vmem>>
        %dma_start3A_139 = arith.constant 0 : i32
        %dma_start3A_140 = arith.constant 0 : i32
        %dma_start3A_141 = tpu.memref_slice %arg11[%dma_start3A_139, %dma_start3A_140] : memref<5016x128xf32, #tpu.memory_space<vmem_shared>> -> memref<5016x128xf32, #tpu.memory_space<vmem_shared>>
        tpu.enqueue_indirect_dma source(%arg10 : memref<128x128xf32, #tpu.memory_space<vmem>>) target(%dma_start3A_141 : memref<5016x128xf32, #tpu.memory_space<vmem_shared>>) offsets(%dma_start3A_138 : memref<128xi32, #tpu.memory_space<vmem>>) semaphore(%run_scoped3A : memref<!tpu.dma_semaphore, #tpu.memory_space<semaphore_mem>>) {add = true}
        %dma_wait3A_142 = arith.constant 0 : i32
        %dma_wait3A_143 = tpu.memref_slice %arg8[%add3A_135, %dma_wait3A_142] : memref<160x128xi32, #tpu.memory_space<vmem>> -> memref<1x128xi32, #tpu.memory_space<vmem>>
        %dma_wait3A_144 = tpu.memref_squeeze %dma_wait3A_143 : memref<1x128xi32, #tpu.memory_space<vmem>> -> memref<128xi32, #tpu.memory_space<vmem>>
        %dma_wait3A_145 = arith.constant 0 : i32
        %dma_wait3A_146 = arith.constant 0 : i32
        %dma_wait3A_147 = tpu.memref_slice %arg11[%dma_wait3A_145, %dma_wait3A_146] : memref<5016x128xf32, #tpu.memory_space<vmem_shared>> -> memref<5016x128xf32, #tpu.memory_space<vmem_shared>>
        tpu.wait_indirect_dma semaphore(%run_scoped3A : memref<!tpu.dma_semaphore, #tpu.memory_space<semaphore_mem>>) src(%arg10 : memref<128x128xf32, #tpu.memory_space<vmem>>) dst(%dma_wait3A_147 : memref<5016x128xf32, #tpu.memory_space<vmem_shared>>)
        tpu.yield
      }) : () -> ()
    }
    %scan3A_81 = arith.constant 80 : i32
    %dma_wait3A_82 = arith.constant 0 : i32
    %dma_wait3A_83 = arith.constant 0 : i32
    %dma_wait3A_84 = tpu.memref_slice %arg7[%dma_wait3A_82, %dma_wait3A_83] : memref<160x128xi32, #tpu.memory_space<vmem>> -> memref<1x128xi32, #tpu.memory_space<vmem>>
    %dma_wait3A_85 = tpu.memref_squeeze %dma_wait3A_84 : memref<1x128xi32, #tpu.memory_space<vmem>> -> memref<128xi32, #tpu.memory_space<vmem>>
    %dma_wait3A_86 = arith.constant 0 : i32
    %dma_wait3A_87 = arith.constant 0 : i32
    %dma_wait3A_88 = tpu.memref_slice %arg2[%dma_wait3A_86, %dma_wait3A_87] : memref<20000x128xf32, #tpu.memory_space<hbm>> -> memref<20000x128xf32, #tpu.memory_space<hbm>>
    tpu.wait_indirect_dma semaphore(%arg12 : memref<!tpu.dma_semaphore, #tpu.memory_space<semaphore_mem>>) src(%dma_wait3A_88 : memref<20000x128xf32, #tpu.memory_space<hbm>>) dst(%arg9 : memref<128x128xf32, #tpu.memory_space<vmem>>)
    %barrier3A_89 = arith.constant 0 : index
    tpu.barrier barrier_id(%barrier3A_89)
    %lt3A_90 = arith.constant 15 : i32
    %lt3A_91 = arith.cmpi slt, %arg1, %lt3A_90 : i32
    %convert_element_type3A_92 = arith.extui %lt3A_91 : i1 to i32
    %cond3A_93 = arith.constant 0 : i32
    %cond3A_94 = arith.cmpi ne, %convert_element_type3A_92, %cond3A_93 : i32
    scf.if %cond3A_94 {
      %mul3A_100 = arith.constant 312 : i32
      %mul3A_101 = arith.muli %arg1, %mul3A_100 : i32
      %mul3A_102 = arith.constant 312 : i32
      %mul3A_103 = arith.muli %arg1, %mul3A_102 : i32
      %add3A_104 = arith.addi %mul3A_51, %mul3A_103 : i32
      "tpu.region"() ({
        %run_scoped3A = tpu.sem_alloc : memref<!tpu.dma_semaphore, #tpu.memory_space<semaphore_mem>>
        %dma_start3A_105 = arith.constant 0 : i32
        %dma_start3A_106 = tpu.memref_slice %arg6[%add3A_104, %dma_start3A_105] : memref<20000x128xf32, #tpu.memory_space<hbm>> -> memref<312x128xf32, #tpu.memory_space<hbm>>
        %dma_start3A_107 = arith.constant 0 : i32
        %dma_start3A_108 = tpu.memref_slice %arg11[%mul3A_101, %dma_start3A_107] : memref<5016x128xf32, #tpu.memory_space<vmem_shared>> -> memref<312x128xf32, #tpu.memory_space<vmem_shared>>
        tpu.enqueue_dma source(%dma_start3A_108 : memref<312x128xf32, #tpu.memory_space<vmem_shared>>) target(%dma_start3A_106 : memref<312x128xf32, #tpu.memory_space<hbm>>) target_semaphore(%run_scoped3A : memref<!tpu.dma_semaphore, #tpu.memory_space<semaphore_mem>>)
        %dma_wait3A_109 = arith.constant 0 : i32
        %dma_wait3A_110 = tpu.memref_slice %arg6[%add3A_104, %dma_wait3A_109] : memref<20000x128xf32, #tpu.memory_space<hbm>> -> memref<312x128xf32, #tpu.memory_space<hbm>>
        %dma_wait3A_111 = arith.constant 0 : i32
        %dma_wait3A_112 = tpu.memref_slice %arg11[%mul3A_101, %dma_wait3A_111] : memref<5016x128xf32, #tpu.memory_space<vmem_shared>> -> memref<312x128xf32, #tpu.memory_space<vmem_shared>>
        tpu.wait_dma2 semaphore(%run_scoped3A : memref<!tpu.dma_semaphore, #tpu.memory_space<semaphore_mem>>) src(%dma_wait3A_112 : memref<312x128xf32, #tpu.memory_space<vmem_shared>>) dst(%dma_wait3A_110 : memref<312x128xf32, #tpu.memory_space<hbm>>)
        tpu.yield
      }) : () -> ()
    } else {
    }
    %eq3A_95 = arith.constant 15 : i32
    %eq3A_96 = arith.cmpi eq, %arg1, %eq3A_95 : i32
    %convert_element_type3A_97 = arith.extui %eq3A_96 : i1 to i32
    %cond3A_98 = arith.constant 0 : i32
    %cond3A_99 = arith.cmpi ne, %convert_element_type3A_97, %cond3A_98 : i32
    scf.if %cond3A_99 {
      %add3A_100 = arith.constant 4680 : i32
      %add3A_101 = arith.addi %mul3A_51, %add3A_100 : i32
      "tpu.region"() ({
        %run_scoped3A = tpu.sem_alloc : memref<!tpu.dma_semaphore, #tpu.memory_space<semaphore_mem>>
        %dma_start3A_102 = arith.constant 0 : i32
        %dma_start3A_103 = tpu.memref_slice %arg6[%add3A_101, %dma_start3A_102] : memref<20000x128xf32, #tpu.memory_space<hbm>> -> memref<320x128xf32, #tpu.memory_space<hbm>>
        %dma_start3A_104 = arith.constant 4680 : i32
        %dma_start3A_105 = arith.constant 0 : i32
        %dma_start3A_106 = tpu.memref_slice %arg11[%dma_start3A_104, %dma_start3A_105] : memref<5016x128xf32, #tpu.memory_space<vmem_shared>> -> memref<320x128xf32, #tpu.memory_space<vmem_shared>>
        tpu.enqueue_dma source(%dma_start3A_106 : memref<320x128xf32, #tpu.memory_space<vmem_shared>>) target(%dma_start3A_103 : memref<320x128xf32, #tpu.memory_space<hbm>>) target_semaphore(%run_scoped3A : memref<!tpu.dma_semaphore, #tpu.memory_space<semaphore_mem>>)
        %dma_wait3A_107 = arith.constant 0 : i32
        %dma_wait3A_108 = tpu.memref_slice %arg6[%add3A_101, %dma_wait3A_107] : memref<20000x128xf32, #tpu.memory_space<hbm>> -> memref<320x128xf32, #tpu.memory_space<hbm>>
        %dma_wait3A_109 = arith.constant 4680 : i32
        %dma_wait3A_110 = arith.constant 0 : i32
        %dma_wait3A_111 = tpu.memref_slice %arg11[%dma_wait3A_109, %dma_wait3A_110] : memref<5016x128xf32, #tpu.memory_space<vmem_shared>> -> memref<320x128xf32, #tpu.memory_space<vmem_shared>>
        tpu.wait_dma2 semaphore(%run_scoped3A : memref<!tpu.dma_semaphore, #tpu.memory_space<semaphore_mem>>) src(%dma_wait3A_111 : memref<320x128xf32, #tpu.memory_space<vmem_shared>>) dst(%dma_wait3A_108 : memref<320x128xf32, #tpu.memory_space<hbm>>)
        tpu.yield
      }) : () -> ()
    } else {
    }
    return
  }
}

#map = affine_map<(d0, d1) -> (0, 0)>
#map1 = affine_map<(d0, d1) -> (0, 0, 0)>
module attributes {stable_mosaic.version = 14 : i64} {
  func.func @k(%arg0: i32, %arg1: i32, %arg2: memref<10000x128xf32, #tpu.memory_space<hbm>>, %arg3: memref<2x2560x128xi32, #tpu.memory_space<hbm>>, %arg4: memref<2x2560x128xi32, #tpu.memory_space<hbm>>, %arg5: memref<10000x128xf32, #tpu.memory_space<hbm>>, %arg6: memref<10000x128xf32, #tpu.memory_space<hbm>>, %arg7: memref<160x128xi32, #tpu.memory_space<vmem>>, %arg8: memref<160x128xi32, #tpu.memory_space<vmem>>, %arg9: memref<128x128xf32, #tpu.memory_space<vmem>>, %arg10: memref<128x128xf32, #tpu.memory_space<vmem>>, %arg11: memref<5016x128xf32, #tpu.memory_space<vmem_shared>>, %arg12: memref<!tpu.dma_semaphore, #tpu.memory_space<semaphore_mem>>, %arg13: memref<!tpu.dma_semaphore, #tpu.memory_space<semaphore_mem>>) attributes {dimension_semantics = [#tpu.dimension_semantics<core_parallel>, #tpu.dimension_semantics<subcore_parallel>], iteration_bounds = array<i64: 2, 16>, scalar_prefetch = 0 : i64, scratch_operands = 7 : i64, tpu.core_type = #tpu.core_type<sc_vector_subcore>, window_params = [{transform_indices = #map}, {transform_indices = #map1}, {transform_indices = #map1}, {transform_indices = #map}, {transform_indices = #map}]} {
    %mul3A = arith.constant 0 : i32
    %mul3A_0 = arith.muli %mul3A, %arg0 : i32
    %mul3A_1 = arith.constant 160 : i32
    %mul3A_2 = arith.muli %arg1, %mul3A_1 : i32
    "tpu.region"() ({
      %run_scoped3A = tpu.sem_alloc : memref<!tpu.dma_semaphore, #tpu.memory_space<semaphore_mem>>
      %dma_start3A_44 = arith.constant 0 : i32
      %dma_start3A_45 = tpu.memref_slice %arg3[%mul3A_0, %mul3A_2, %dma_start3A_44] : memref<2x2560x128xi32, #tpu.memory_space<hbm>> -> memref<1x160x128xi32, #tpu.memory_space<hbm>>
      %dma_start3A_46 = tpu.memref_squeeze %dma_start3A_45 : memref<1x160x128xi32, #tpu.memory_space<hbm>> -> memref<160x128xi32, #tpu.memory_space<hbm>>
      %dma_start3A_47 = arith.constant 0 : i32
      %dma_start3A_48 = tpu.memref_slice %arg3[%mul3A_0, %mul3A_2, %dma_start3A_47] : memref<2x2560x128xi32, #tpu.memory_space<hbm>> -> memref<1x160x128xi32, #tpu.memory_space<hbm>>
      %dma_start3A_49 = tpu.memref_squeeze %dma_start3A_48 : memref<1x160x128xi32, #tpu.memory_space<hbm>> -> memref<160x128xi32, #tpu.memory_space<hbm>>
      tpu.enqueue_dma source(%dma_start3A_49 : memref<160x128xi32, #tpu.memory_space<hbm>>) target(%arg7 : memref<160x128xi32, #tpu.memory_space<vmem>>) target_semaphore(%run_scoped3A : memref<!tpu.dma_semaphore, #tpu.memory_space<semaphore_mem>>)
      %dma_wait3A_50 = arith.constant 0 : i32
      %dma_wait3A_51 = tpu.memref_slice %arg3[%mul3A_0, %mul3A_2, %dma_wait3A_50] : memref<2x2560x128xi32, #tpu.memory_space<hbm>> -> memref<1x160x128xi32, #tpu.memory_space<hbm>>
      %dma_wait3A_52 = tpu.memref_squeeze %dma_wait3A_51 : memref<1x160x128xi32, #tpu.memory_space<hbm>> -> memref<160x128xi32, #tpu.memory_space<hbm>>
      %dma_wait3A_53 = arith.constant 0 : i32
      %dma_wait3A_54 = tpu.memref_slice %arg3[%mul3A_0, %mul3A_2, %dma_wait3A_53] : memref<2x2560x128xi32, #tpu.memory_space<hbm>> -> memref<1x160x128xi32, #tpu.memory_space<hbm>>
      %dma_wait3A_55 = tpu.memref_squeeze %dma_wait3A_54 : memref<1x160x128xi32, #tpu.memory_space<hbm>> -> memref<160x128xi32, #tpu.memory_space<hbm>>
      tpu.wait_dma2 semaphore(%run_scoped3A : memref<!tpu.dma_semaphore, #tpu.memory_space<semaphore_mem>>) src(%dma_wait3A_55 : memref<160x128xi32, #tpu.memory_space<hbm>>) dst(%arg7 : memref<160x128xi32, #tpu.memory_space<vmem>>)
      tpu.yield
    }) : () -> ()
    %mul3A_3 = arith.constant 1 : i32
    %mul3A_4 = arith.muli %arg0, %mul3A_3 : i32
    %add3A = arith.constant 0 : i32
    %add3A_5 = arith.addi %mul3A_4, %add3A : i32
    %mul3A_6 = arith.constant 5000 : i32
    %mul3A_7 = arith.muli %add3A_5, %mul3A_6 : i32
    %mul3A_8 = arith.constant 160 : i32
    %mul3A_9 = arith.muli %arg1, %mul3A_8 : i32
    "tpu.region"() ({
      %run_scoped3A = tpu.sem_alloc : memref<!tpu.dma_semaphore, #tpu.memory_space<semaphore_mem>>
      %dma_start3A_44 = arith.constant 0 : i32
      %dma_start3A_45 = tpu.memref_slice %arg4[%arg0, %mul3A_9, %dma_start3A_44] : memref<2x2560x128xi32, #tpu.memory_space<hbm>> -> memref<1x160x128xi32, #tpu.memory_space<hbm>>
      %dma_start3A_46 = tpu.memref_squeeze %dma_start3A_45 : memref<1x160x128xi32, #tpu.memory_space<hbm>> -> memref<160x128xi32, #tpu.memory_space<hbm>>
      %dma_start3A_47 = arith.constant 0 : i32
      %dma_start3A_48 = tpu.memref_slice %arg4[%arg0, %mul3A_9, %dma_start3A_47] : memref<2x2560x128xi32, #tpu.memory_space<hbm>> -> memref<1x160x128xi32, #tpu.memory_space<hbm>>
      %dma_start3A_49 = tpu.memref_squeeze %dma_start3A_48 : memref<1x160x128xi32, #tpu.memory_space<hbm>> -> memref<160x128xi32, #tpu.memory_space<hbm>>
      tpu.enqueue_dma source(%dma_start3A_49 : memref<160x128xi32, #tpu.memory_space<hbm>>) target(%arg8 : memref<160x128xi32, #tpu.memory_space<vmem>>) target_semaphore(%run_scoped3A : memref<!tpu.dma_semaphore, #tpu.memory_space<semaphore_mem>>)
      %dma_wait3A_50 = arith.constant 0 : i32
      %dma_wait3A_51 = tpu.memref_slice %arg4[%arg0, %mul3A_9, %dma_wait3A_50] : memref<2x2560x128xi32, #tpu.memory_space<hbm>> -> memref<1x160x128xi32, #tpu.memory_space<hbm>>
      %dma_wait3A_52 = tpu.memref_squeeze %dma_wait3A_51 : memref<1x160x128xi32, #tpu.memory_space<hbm>> -> memref<160x128xi32, #tpu.memory_space<hbm>>
      %dma_wait3A_53 = arith.constant 0 : i32
      %dma_wait3A_54 = tpu.memref_slice %arg4[%arg0, %mul3A_9, %dma_wait3A_53] : memref<2x2560x128xi32, #tpu.memory_space<hbm>> -> memref<1x160x128xi32, #tpu.memory_space<hbm>>
      %dma_wait3A_55 = tpu.memref_squeeze %dma_wait3A_54 : memref<1x160x128xi32, #tpu.memory_space<hbm>> -> memref<160x128xi32, #tpu.memory_space<hbm>>
      tpu.wait_dma2 semaphore(%run_scoped3A : memref<!tpu.dma_semaphore, #tpu.memory_space<semaphore_mem>>) src(%dma_wait3A_55 : memref<160x128xi32, #tpu.memory_space<hbm>>) dst(%arg8 : memref<160x128xi32, #tpu.memory_space<vmem>>)
      tpu.yield
    }) : () -> ()
    %lt3A = arith.constant 15 : i32
    %lt3A_10 = arith.cmpi slt, %arg1, %lt3A : i32
    %convert_element_type3A = arith.extui %lt3A_10 : i1 to i32
    %cond3A = arith.constant 0 : i32
    %cond3A_11 = arith.cmpi ne, %convert_element_type3A, %cond3A : i32
    scf.if %cond3A_11 {
      %mul3A_44 = arith.constant 312 : i32
      %mul3A_45 = arith.muli %arg1, %mul3A_44 : i32
      %add3A_46 = arith.addi %mul3A_7, %mul3A_45 : i32
      %mul3A_47 = arith.constant 312 : i32
      %mul3A_48 = arith.muli %arg1, %mul3A_47 : i32
      "tpu.region"() ({
        %run_scoped3A = tpu.sem_alloc : memref<!tpu.dma_semaphore, #tpu.memory_space<semaphore_mem>>
        %dma_start3A_49 = arith.constant 0 : i32
        %dma_start3A_50 = tpu.memref_slice %arg11[%mul3A_48, %dma_start3A_49] : memref<5016x128xf32, #tpu.memory_space<vmem_shared>> -> memref<312x128xf32, #tpu.memory_space<vmem_shared>>
        %dma_start3A_51 = arith.constant 0 : i32
        %dma_start3A_52 = tpu.memref_slice %arg5[%add3A_46, %dma_start3A_51] : memref<10000x128xf32, #tpu.memory_space<hbm>> -> memref<312x128xf32, #tpu.memory_space<hbm>>
        tpu.enqueue_dma source(%dma_start3A_52 : memref<312x128xf32, #tpu.memory_space<hbm>>) target(%dma_start3A_50 : memref<312x128xf32, #tpu.memory_space<vmem_shared>>) target_semaphore(%run_scoped3A : memref<!tpu.dma_semaphore, #tpu.memory_space<semaphore_mem>>)
        %dma_wait3A_53 = arith.constant 0 : i32
        %dma_wait3A_54 = tpu.memref_slice %arg11[%mul3A_48, %dma_wait3A_53] : memref<5016x128xf32, #tpu.memory_space<vmem_shared>> -> memref<312x128xf32, #tpu.memory_space<vmem_shared>>
        %dma_wait3A_55 = arith.constant 0 : i32
        %dma_wait3A_56 = tpu.memref_slice %arg5[%add3A_46, %dma_wait3A_55] : memref<10000x128xf32, #tpu.memory_space<hbm>> -> memref<312x128xf32, #tpu.memory_space<hbm>>
        tpu.wait_dma2 semaphore(%run_scoped3A : memref<!tpu.dma_semaphore, #tpu.memory_space<semaphore_mem>>) src(%dma_wait3A_56 : memref<312x128xf32, #tpu.memory_space<hbm>>) dst(%dma_wait3A_54 : memref<312x128xf32, #tpu.memory_space<vmem_shared>>)
        tpu.yield
      }) : () -> ()
    } else {
    }
    %eq3A = arith.constant 15 : i32
    %eq3A_12 = arith.cmpi eq, %arg1, %eq3A : i32
    %convert_element_type3A_13 = arith.extui %eq3A_12 : i1 to i32
    %cond3A_14 = arith.constant 0 : i32
    %cond3A_15 = arith.cmpi ne, %convert_element_type3A_13, %cond3A_14 : i32
    scf.if %cond3A_15 {
      %add3A_44 = arith.constant 4680 : i32
      %add3A_45 = arith.addi %mul3A_7, %add3A_44 : i32
      "tpu.region"() ({
        %run_scoped3A = tpu.sem_alloc : memref<!tpu.dma_semaphore, #tpu.memory_space<semaphore_mem>>
        %dma_start3A_46 = arith.constant 4680 : i32
        %dma_start3A_47 = arith.constant 0 : i32
        %dma_start3A_48 = tpu.memref_slice %arg11[%dma_start3A_46, %dma_start3A_47] : memref<5016x128xf32, #tpu.memory_space<vmem_shared>> -> memref<320x128xf32, #tpu.memory_space<vmem_shared>>
        %dma_start3A_49 = arith.constant 0 : i32
        %dma_start3A_50 = tpu.memref_slice %arg5[%add3A_45, %dma_start3A_49] : memref<10000x128xf32, #tpu.memory_space<hbm>> -> memref<320x128xf32, #tpu.memory_space<hbm>>
        tpu.enqueue_dma source(%dma_start3A_50 : memref<320x128xf32, #tpu.memory_space<hbm>>) target(%dma_start3A_48 : memref<320x128xf32, #tpu.memory_space<vmem_shared>>) target_semaphore(%run_scoped3A : memref<!tpu.dma_semaphore, #tpu.memory_space<semaphore_mem>>)
        %dma_wait3A_51 = arith.constant 4680 : i32
        %dma_wait3A_52 = arith.constant 0 : i32
        %dma_wait3A_53 = tpu.memref_slice %arg11[%dma_wait3A_51, %dma_wait3A_52] : memref<5016x128xf32, #tpu.memory_space<vmem_shared>> -> memref<320x128xf32, #tpu.memory_space<vmem_shared>>
        %dma_wait3A_54 = arith.constant 0 : i32
        %dma_wait3A_55 = tpu.memref_slice %arg5[%add3A_45, %dma_wait3A_54] : memref<10000x128xf32, #tpu.memory_space<hbm>> -> memref<320x128xf32, #tpu.memory_space<hbm>>
        tpu.wait_dma2 semaphore(%run_scoped3A : memref<!tpu.dma_semaphore, #tpu.memory_space<semaphore_mem>>) src(%dma_wait3A_55 : memref<320x128xf32, #tpu.memory_space<hbm>>) dst(%dma_wait3A_53 : memref<320x128xf32, #tpu.memory_space<vmem_shared>>)
        tpu.yield
      }) : () -> ()
    } else {
    }
    %barrier3A = arith.constant 0 : index
    tpu.barrier barrier_id(%barrier3A)
    %dma_start3A = arith.constant 0 : i32
    %dma_start3A_16 = arith.constant 0 : i32
    %dma_start3A_17 = tpu.memref_slice %arg7[%dma_start3A, %dma_start3A_16] : memref<160x128xi32, #tpu.memory_space<vmem>> -> memref<1x128xi32, #tpu.memory_space<vmem>>
    %dma_start3A_18 = tpu.memref_squeeze %dma_start3A_17 : memref<1x128xi32, #tpu.memory_space<vmem>> -> memref<128xi32, #tpu.memory_space<vmem>>
    %dma_start3A_19 = arith.constant 0 : i32
    %dma_start3A_20 = arith.constant 0 : i32
    %dma_start3A_21 = tpu.memref_slice %arg2[%dma_start3A_19, %dma_start3A_20] : memref<10000x128xf32, #tpu.memory_space<hbm>> -> memref<10000x128xf32, #tpu.memory_space<hbm>>
    tpu.enqueue_indirect_dma source(%dma_start3A_21 : memref<10000x128xf32, #tpu.memory_space<hbm>>) target(%arg9 : memref<128x128xf32, #tpu.memory_space<vmem>>) offsets(%dma_start3A_18 : memref<128xi32, #tpu.memory_space<vmem>>) semaphore(%arg12 : memref<!tpu.dma_semaphore, #tpu.memory_space<semaphore_mem>>)
    %scan3A = arith.constant 0 : i32
    %scan3A_22 = arith.constant 0 : i32
    %scan3A_23 = arith.constant 80 : i32
    %scan3A_24 = arith.addi %scan3A_22, %scan3A_23 : i32
    %scan3A_25 = arith.constant 1 : i32
    scf.for %scan3A_44 = %scan3A_22 to %scan3A_24 step %scan3A_25  : i32 {
      %mul3A_45 = arith.constant 2 : i32
      %mul3A_46 = arith.muli %mul3A_45, %scan3A_44 : i32
      %add3A_47 = arith.constant 1 : i32
      %add3A_48 = arith.addi %mul3A_46, %add3A_47 : i32
      %dma_start3A_49 = arith.constant 0 : i32
      %dma_start3A_50 = tpu.memref_slice %arg7[%add3A_48, %dma_start3A_49] : memref<160x128xi32, #tpu.memory_space<vmem>> -> memref<1x128xi32, #tpu.memory_space<vmem>>
      %dma_start3A_51 = tpu.memref_squeeze %dma_start3A_50 : memref<1x128xi32, #tpu.memory_space<vmem>> -> memref<128xi32, #tpu.memory_space<vmem>>
      %dma_start3A_52 = arith.constant 0 : i32
      %dma_start3A_53 = arith.constant 0 : i32
      %dma_start3A_54 = tpu.memref_slice %arg2[%dma_start3A_52, %dma_start3A_53] : memref<10000x128xf32, #tpu.memory_space<hbm>> -> memref<10000x128xf32, #tpu.memory_space<hbm>>
      tpu.enqueue_indirect_dma source(%dma_start3A_54 : memref<10000x128xf32, #tpu.memory_space<hbm>>) target(%arg10 : memref<128x128xf32, #tpu.memory_space<vmem>>) offsets(%dma_start3A_51 : memref<128xi32, #tpu.memory_space<vmem>>) semaphore(%arg13 : memref<!tpu.dma_semaphore, #tpu.memory_space<semaphore_mem>>)
      %dma_wait3A_55 = arith.constant 0 : i32
      %dma_wait3A_56 = tpu.memref_slice %arg7[%mul3A_46, %dma_wait3A_55] : memref<160x128xi32, #tpu.memory_space<vmem>> -> memref<1x128xi32, #tpu.memory_space<vmem>>
      %dma_wait3A_57 = tpu.memref_squeeze %dma_wait3A_56 : memref<1x128xi32, #tpu.memory_space<vmem>> -> memref<128xi32, #tpu.memory_space<vmem>>
      %dma_wait3A_58 = arith.constant 0 : i32
      %dma_wait3A_59 = arith.constant 0 : i32
      %dma_wait3A_60 = tpu.memref_slice %arg2[%dma_wait3A_58, %dma_wait3A_59] : memref<10000x128xf32, #tpu.memory_space<hbm>> -> memref<10000x128xf32, #tpu.memory_space<hbm>>
      tpu.wait_indirect_dma semaphore(%arg12 : memref<!tpu.dma_semaphore, #tpu.memory_space<semaphore_mem>>) src(%dma_wait3A_60 : memref<10000x128xf32, #tpu.memory_space<hbm>>) dst(%arg9 : memref<128x128xf32, #tpu.memory_space<vmem>>)
      "tpu.region"() ({
        %run_scoped3A = tpu.sem_alloc : memref<!tpu.dma_semaphore, #tpu.memory_space<semaphore_mem>>
        %dma_start3A_80 = arith.constant 0 : i32
        %dma_start3A_81 = tpu.memref_slice %arg8[%mul3A_46, %dma_start3A_80] : memref<160x128xi32, #tpu.memory_space<vmem>> -> memref<1x128xi32, #tpu.memory_space<vmem>>
        %dma_start3A_82 = tpu.memref_squeeze %dma_start3A_81 : memref<1x128xi32, #tpu.memory_space<vmem>> -> memref<128xi32, #tpu.memory_space<vmem>>
        %dma_start3A_83 = arith.constant 0 : i32
        %dma_start3A_84 = arith.constant 0 : i32
        %dma_start3A_85 = tpu.memref_slice %arg11[%dma_start3A_83, %dma_start3A_84] : memref<5016x128xf32, #tpu.memory_space<vmem_shared>> -> memref<5016x128xf32, #tpu.memory_space<vmem_shared>>
        tpu.enqueue_indirect_dma source(%arg9 : memref<128x128xf32, #tpu.memory_space<vmem>>) target(%dma_start3A_85 : memref<5016x128xf32, #tpu.memory_space<vmem_shared>>) offsets(%dma_start3A_82 : memref<128xi32, #tpu.memory_space<vmem>>) semaphore(%run_scoped3A : memref<!tpu.dma_semaphore, #tpu.memory_space<semaphore_mem>>) {add = true}
        %dma_wait3A_86 = arith.constant 0 : i32
        %dma_wait3A_87 = tpu.memref_slice %arg8[%mul3A_46, %dma_wait3A_86] : memref<160x128xi32, #tpu.memory_space<vmem>> -> memref<1x128xi32, #tpu.memory_space<vmem>>
        %dma_wait3A_88 = tpu.memref_squeeze %dma_wait3A_87 : memref<1x128xi32, #tpu.memory_space<vmem>> -> memref<128xi32, #tpu.memory_space<vmem>>
        %dma_wait3A_89 = arith.constant 0 : i32
        %dma_wait3A_90 = arith.constant 0 : i32
        %dma_wait3A_91 = tpu.memref_slice %arg11[%dma_wait3A_89, %dma_wait3A_90] : memref<5016x128xf32, #tpu.memory_space<vmem_shared>> -> memref<5016x128xf32, #tpu.memory_space<vmem_shared>>
        tpu.wait_indirect_dma semaphore(%run_scoped3A : memref<!tpu.dma_semaphore, #tpu.memory_space<semaphore_mem>>) src(%arg9 : memref<128x128xf32, #tpu.memory_space<vmem>>) dst(%dma_wait3A_91 : memref<5016x128xf32, #tpu.memory_space<vmem_shared>>)
        tpu.yield
      }) : () -> ()
      %add3A_61 = arith.constant 2 : i32
      %add3A_62 = arith.addi %mul3A_46, %add3A_61 : i32
      %min3A = arith.constant 159 : i32
      %min3A_63 = arith.minsi %add3A_62, %min3A : i32
      %dma_start3A_64 = arith.constant 0 : i32
      %dma_start3A_65 = tpu.memref_slice %arg7[%min3A_63, %dma_start3A_64] : memref<160x128xi32, #tpu.memory_space<vmem>> -> memref<1x128xi32, #tpu.memory_space<vmem>>
      %dma_start3A_66 = tpu.memref_squeeze %dma_start3A_65 : memref<1x128xi32, #tpu.memory_space<vmem>> -> memref<128xi32, #tpu.memory_space<vmem>>
      %dma_start3A_67 = arith.constant 0 : i32
      %dma_start3A_68 = arith.constant 0 : i32
      %dma_start3A_69 = tpu.memref_slice %arg2[%dma_start3A_67, %dma_start3A_68] : memref<10000x128xf32, #tpu.memory_space<hbm>> -> memref<10000x128xf32, #tpu.memory_space<hbm>>
      tpu.enqueue_indirect_dma source(%dma_start3A_69 : memref<10000x128xf32, #tpu.memory_space<hbm>>) target(%arg9 : memref<128x128xf32, #tpu.memory_space<vmem>>) offsets(%dma_start3A_66 : memref<128xi32, #tpu.memory_space<vmem>>) semaphore(%arg12 : memref<!tpu.dma_semaphore, #tpu.memory_space<semaphore_mem>>)
      %add3A_70 = arith.constant 1 : i32
      %add3A_71 = arith.addi %mul3A_46, %add3A_70 : i32
      %dma_wait3A_72 = arith.constant 0 : i32
      %dma_wait3A_73 = tpu.memref_slice %arg7[%add3A_71, %dma_wait3A_72] : memref<160x128xi32, #tpu.memory_space<vmem>> -> memref<1x128xi32, #tpu.memory_space<vmem>>
      %dma_wait3A_74 = tpu.memref_squeeze %dma_wait3A_73 : memref<1x128xi32, #tpu.memory_space<vmem>> -> memref<128xi32, #tpu.memory_space<vmem>>
      %dma_wait3A_75 = arith.constant 0 : i32
      %dma_wait3A_76 = arith.constant 0 : i32
      %dma_wait3A_77 = tpu.memref_slice %arg2[%dma_wait3A_75, %dma_wait3A_76] : memref<10000x128xf32, #tpu.memory_space<hbm>> -> memref<10000x128xf32, #tpu.memory_space<hbm>>
      tpu.wait_indirect_dma semaphore(%arg13 : memref<!tpu.dma_semaphore, #tpu.memory_space<semaphore_mem>>) src(%dma_wait3A_77 : memref<10000x128xf32, #tpu.memory_space<hbm>>) dst(%arg10 : memref<128x128xf32, #tpu.memory_space<vmem>>)
      %add3A_78 = arith.constant 1 : i32
      %add3A_79 = arith.addi %mul3A_46, %add3A_78 : i32
      "tpu.region"() ({
        %run_scoped3A = tpu.sem_alloc : memref<!tpu.dma_semaphore, #tpu.memory_space<semaphore_mem>>
        %dma_start3A_80 = arith.constant 0 : i32
        %dma_start3A_81 = tpu.memref_slice %arg8[%add3A_79, %dma_start3A_80] : memref<160x128xi32, #tpu.memory_space<vmem>> -> memref<1x128xi32, #tpu.memory_space<vmem>>
        %dma_start3A_82 = tpu.memref_squeeze %dma_start3A_81 : memref<1x128xi32, #tpu.memory_space<vmem>> -> memref<128xi32, #tpu.memory_space<vmem>>
        %dma_start3A_83 = arith.constant 0 : i32
        %dma_start3A_84 = arith.constant 0 : i32
        %dma_start3A_85 = tpu.memref_slice %arg11[%dma_start3A_83, %dma_start3A_84] : memref<5016x128xf32, #tpu.memory_space<vmem_shared>> -> memref<5016x128xf32, #tpu.memory_space<vmem_shared>>
        tpu.enqueue_indirect_dma source(%arg10 : memref<128x128xf32, #tpu.memory_space<vmem>>) target(%dma_start3A_85 : memref<5016x128xf32, #tpu.memory_space<vmem_shared>>) offsets(%dma_start3A_82 : memref<128xi32, #tpu.memory_space<vmem>>) semaphore(%run_scoped3A : memref<!tpu.dma_semaphore, #tpu.memory_space<semaphore_mem>>) {add = true}
        %dma_wait3A_86 = arith.constant 0 : i32
        %dma_wait3A_87 = tpu.memref_slice %arg8[%add3A_79, %dma_wait3A_86] : memref<160x128xi32, #tpu.memory_space<vmem>> -> memref<1x128xi32, #tpu.memory_space<vmem>>
        %dma_wait3A_88 = tpu.memref_squeeze %dma_wait3A_87 : memref<1x128xi32, #tpu.memory_space<vmem>> -> memref<128xi32, #tpu.memory_space<vmem>>
        %dma_wait3A_89 = arith.constant 0 : i32
        %dma_wait3A_90 = arith.constant 0 : i32
        %dma_wait3A_91 = tpu.memref_slice %arg11[%dma_wait3A_89, %dma_wait3A_90] : memref<5016x128xf32, #tpu.memory_space<vmem_shared>> -> memref<5016x128xf32, #tpu.memory_space<vmem_shared>>
        tpu.wait_indirect_dma semaphore(%run_scoped3A : memref<!tpu.dma_semaphore, #tpu.memory_space<semaphore_mem>>) src(%arg10 : memref<128x128xf32, #tpu.memory_space<vmem>>) dst(%dma_wait3A_91 : memref<5016x128xf32, #tpu.memory_space<vmem_shared>>)
        tpu.yield
      }) : () -> ()
    }
    %scan3A_26 = arith.constant 80 : i32
    %dma_wait3A = arith.constant 0 : i32
    %dma_wait3A_27 = arith.constant 0 : i32
    %dma_wait3A_28 = tpu.memref_slice %arg7[%dma_wait3A, %dma_wait3A_27] : memref<160x128xi32, #tpu.memory_space<vmem>> -> memref<1x128xi32, #tpu.memory_space<vmem>>
    %dma_wait3A_29 = tpu.memref_squeeze %dma_wait3A_28 : memref<1x128xi32, #tpu.memory_space<vmem>> -> memref<128xi32, #tpu.memory_space<vmem>>
    %dma_wait3A_30 = arith.constant 0 : i32
    %dma_wait3A_31 = arith.constant 0 : i32
    %dma_wait3A_32 = tpu.memref_slice %arg2[%dma_wait3A_30, %dma_wait3A_31] : memref<10000x128xf32, #tpu.memory_space<hbm>> -> memref<10000x128xf32, #tpu.memory_space<hbm>>
    tpu.wait_indirect_dma semaphore(%arg12 : memref<!tpu.dma_semaphore, #tpu.memory_space<semaphore_mem>>) src(%dma_wait3A_32 : memref<10000x128xf32, #tpu.memory_space<hbm>>) dst(%arg9 : memref<128x128xf32, #tpu.memory_space<vmem>>)
    %barrier3A_33 = arith.constant 0 : index
    tpu.barrier barrier_id(%barrier3A_33)
    %lt3A_34 = arith.constant 15 : i32
    %lt3A_35 = arith.cmpi slt, %arg1, %lt3A_34 : i32
    %convert_element_type3A_36 = arith.extui %lt3A_35 : i1 to i32
    %cond3A_37 = arith.constant 0 : i32
    %cond3A_38 = arith.cmpi ne, %convert_element_type3A_36, %cond3A_37 : i32
    scf.if %cond3A_38 {
      %mul3A_44 = arith.constant 312 : i32
      %mul3A_45 = arith.muli %arg1, %mul3A_44 : i32
      %mul3A_46 = arith.constant 312 : i32
      %mul3A_47 = arith.muli %arg1, %mul3A_46 : i32
      %add3A_48 = arith.addi %mul3A_7, %mul3A_47 : i32
      "tpu.region"() ({
        %run_scoped3A = tpu.sem_alloc : memref<!tpu.dma_semaphore, #tpu.memory_space<semaphore_mem>>
        %dma_start3A_49 = arith.constant 0 : i32
        %dma_start3A_50 = tpu.memref_slice %arg6[%add3A_48, %dma_start3A_49] : memref<10000x128xf32, #tpu.memory_space<hbm>> -> memref<312x128xf32, #tpu.memory_space<hbm>>
        %dma_start3A_51 = arith.constant 0 : i32
        %dma_start3A_52 = tpu.memref_slice %arg11[%mul3A_45, %dma_start3A_51] : memref<5016x128xf32, #tpu.memory_space<vmem_shared>> -> memref<312x128xf32, #tpu.memory_space<vmem_shared>>
        tpu.enqueue_dma source(%dma_start3A_52 : memref<312x128xf32, #tpu.memory_space<vmem_shared>>) target(%dma_start3A_50 : memref<312x128xf32, #tpu.memory_space<hbm>>) target_semaphore(%run_scoped3A : memref<!tpu.dma_semaphore, #tpu.memory_space<semaphore_mem>>)
        %dma_wait3A_53 = arith.constant 0 : i32
        %dma_wait3A_54 = tpu.memref_slice %arg6[%add3A_48, %dma_wait3A_53] : memref<10000x128xf32, #tpu.memory_space<hbm>> -> memref<312x128xf32, #tpu.memory_space<hbm>>
        %dma_wait3A_55 = arith.constant 0 : i32
        %dma_wait3A_56 = tpu.memref_slice %arg11[%mul3A_45, %dma_wait3A_55] : memref<5016x128xf32, #tpu.memory_space<vmem_shared>> -> memref<312x128xf32, #tpu.memory_space<vmem_shared>>
        tpu.wait_dma2 semaphore(%run_scoped3A : memref<!tpu.dma_semaphore, #tpu.memory_space<semaphore_mem>>) src(%dma_wait3A_56 : memref<312x128xf32, #tpu.memory_space<vmem_shared>>) dst(%dma_wait3A_54 : memref<312x128xf32, #tpu.memory_space<hbm>>)
        tpu.yield
      }) : () -> ()
    } else {
    }
    %eq3A_39 = arith.constant 15 : i32
    %eq3A_40 = arith.cmpi eq, %arg1, %eq3A_39 : i32
    %convert_element_type3A_41 = arith.extui %eq3A_40 : i1 to i32
    %cond3A_42 = arith.constant 0 : i32
    %cond3A_43 = arith.cmpi ne, %convert_element_type3A_41, %cond3A_42 : i32
    scf.if %cond3A_43 {
      %add3A_44 = arith.constant 4680 : i32
      %add3A_45 = arith.addi %mul3A_7, %add3A_44 : i32
      "tpu.region"() ({
        %run_scoped3A = tpu.sem_alloc : memref<!tpu.dma_semaphore, #tpu.memory_space<semaphore_mem>>
        %dma_start3A_46 = arith.constant 0 : i32
        %dma_start3A_47 = tpu.memref_slice %arg6[%add3A_45, %dma_start3A_46] : memref<10000x128xf32, #tpu.memory_space<hbm>> -> memref<320x128xf32, #tpu.memory_space<hbm>>
        %dma_start3A_48 = arith.constant 4680 : i32
        %dma_start3A_49 = arith.constant 0 : i32
        %dma_start3A_50 = tpu.memref_slice %arg11[%dma_start3A_48, %dma_start3A_49] : memref<5016x128xf32, #tpu.memory_space<vmem_shared>> -> memref<320x128xf32, #tpu.memory_space<vmem_shared>>
        tpu.enqueue_dma source(%dma_start3A_50 : memref<320x128xf32, #tpu.memory_space<vmem_shared>>) target(%dma_start3A_47 : memref<320x128xf32, #tpu.memory_space<hbm>>) target_semaphore(%run_scoped3A : memref<!tpu.dma_semaphore, #tpu.memory_space<semaphore_mem>>)
        %dma_wait3A_51 = arith.constant 0 : i32
        %dma_wait3A_52 = tpu.memref_slice %arg6[%add3A_45, %dma_wait3A_51] : memref<10000x128xf32, #tpu.memory_space<hbm>> -> memref<320x128xf32, #tpu.memory_space<hbm>>
        %dma_wait3A_53 = arith.constant 4680 : i32
        %dma_wait3A_54 = arith.constant 0 : i32
        %dma_wait3A_55 = tpu.memref_slice %arg11[%dma_wait3A_53, %dma_wait3A_54] : memref<5016x128xf32, #tpu.memory_space<vmem_shared>> -> memref<320x128xf32, #tpu.memory_space<vmem_shared>>
        tpu.wait_dma2 semaphore(%run_scoped3A : memref<!tpu.dma_semaphore, #tpu.memory_space<semaphore_mem>>) src(%dma_wait3A_55 : memref<320x128xf32, #tpu.memory_space<vmem_shared>>) dst(%dma_wait3A_52 : memref<320x128xf32, #tpu.memory_space<hbm>>)
        tpu.yield
      }) : () -> ()
    } else {
    }
    return
  }
}

module attributes {stable_mosaic.version = 14 : i64} {
  func.func @body(%arg0: i32, %arg1: i32, %arg2: memref<1x1000x128xf32, #tpu.memory_space<vmem>>, %arg3: memref<1x1000x128xf32, #tpu.memory_space<vmem>>, %arg4: memref<1x128x128xf32, #tpu.memory_space<vmem>>, %arg5: memref<1x128x128xf32, #tpu.memory_space<vmem>>, %arg6: memref<1x1x128xf32, #tpu.memory_space<vmem>>, %arg7: memref<1x1000x128xf32, #tpu.memory_space<vmem>>) attributes {dimension_semantics = [#tpu.dimension_semantics<arbitrary>, #tpu.dimension_semantics<arbitrary>], iteration_bounds = array<i64: 10, 2>, scalar_prefetch = 0 : i64, scratch_operands = 0 : i64, tpu.core_type = #tpu.core_type<tc>, window_params = [{transform_indices = @transform_0, window_bounds = array<i64: 1, 1000, 128>}, {transform_indices = @transform_1, window_bounds = array<i64: 1, 1000, 128>}, {transform_indices = @transform_2, window_bounds = array<i64: 1, 128, 128>}, {transform_indices = @transform_3, window_bounds = array<i64: 1, 128, 128>}, {transform_indices = @transform_4, window_bounds = array<i64: 1, 1, 128>}, {transform_indices = @transform_5, window_bounds = array<i64: 1, 1000, 128>}]} {
    %get3A = arith.constant 0 : index
    %get3A_0 = arith.constant 0 : index
    %get3A_1 = arith.constant 0 : index
    %get3A_2 = vector.load %arg6[%get3A, %get3A_0, %get3A_1] : memref<1x1x128xf32, #tpu.memory_space<vmem>>, vector<1x1x128xf32>
    %get3A_3 = vector.shape_cast %get3A_2 : vector<1x1x128xf32> to vector<1x128xf32>
    %get3A_4 = arith.constant 0 : index
    %get3A_5 = arith.constant 0 : index
    %get3A_6 = arith.constant 0 : index
    %get3A_7 = vector.load %arg2[%get3A_4, %get3A_5, %get3A_6] : memref<1x1000x128xf32, #tpu.memory_space<vmem>>, vector<1x1000x128xf32>
    %get3A_8 = vector.shape_cast %get3A_7 : vector<1x1000x128xf32> to vector<1000x128xf32>
    %get3A_9 = arith.constant 0 : index
    %get3A_10 = arith.constant 0 : index
    %get3A_11 = arith.constant 0 : index
    %get3A_12 = vector.load %arg4[%get3A_9, %get3A_10, %get3A_11] : memref<1x128x128xf32, #tpu.memory_space<vmem>>, vector<1x128x128xf32>
    %get3A_13 = vector.shape_cast %get3A_12 : vector<1x128x128xf32> to vector<128x128xf32>
    %dot_general3A = arith.constant dense<0.000000e+00> : vector<1000x128xf32>
    %dot_general3A_14 = tpu.matmul %get3A_8, %get3A_13, %dot_general3A {dimension_numbers = #tpu.dot_dimension_numbers<[1], [0], [0], [1], [0, 0, 1, 1], [], []>, precision = #tpu.contract_precision<fp32>, transpose_lhs_hint = false} : vector<1000x128xf32>, vector<128x128xf32>, vector<1000x128xf32> -> vector<1000x128xf32>
    %add3A = vector.broadcast %get3A_3 : vector<1x128xf32> to vector<1000x128xf32>
    %add3A_15 = arith.addf %add3A, %dot_general3A_14 : vector<1000x128xf32>
    %get3A_16 = arith.constant 0 : index
    %get3A_17 = arith.constant 0 : index
    %get3A_18 = arith.constant 0 : index
    %get3A_19 = vector.load %arg3[%get3A_16, %get3A_17, %get3A_18] : memref<1x1000x128xf32, #tpu.memory_space<vmem>>, vector<1x1000x128xf32>
    %get3A_20 = vector.shape_cast %get3A_19 : vector<1x1000x128xf32> to vector<1000x128xf32>
    %get3A_21 = arith.constant 0 : index
    %get3A_22 = arith.constant 0 : index
    %get3A_23 = arith.constant 0 : index
    %get3A_24 = vector.load %arg5[%get3A_21, %get3A_22, %get3A_23] : memref<1x128x128xf32, #tpu.memory_space<vmem>>, vector<1x128x128xf32>
    %get3A_25 = vector.shape_cast %get3A_24 : vector<1x128x128xf32> to vector<128x128xf32>
    %dot_general3A_26 = arith.constant dense<0.000000e+00> : vector<1000x128xf32>
    %dot_general3A_27 = tpu.matmul %get3A_20, %get3A_25, %dot_general3A_26 {dimension_numbers = #tpu.dot_dimension_numbers<[1], [0], [0], [1], [0, 0, 1, 1], [], []>, precision = #tpu.contract_precision<fp32>, transpose_lhs_hint = false} : vector<1000x128xf32>, vector<128x128xf32>, vector<1000x128xf32> -> vector<1000x128xf32>
    %add3A_28 = arith.addf %add3A_15, %dot_general3A_27 : vector<1000x128xf32>
    %tanh3A = math.tanh %add3A_28 : vector<1000x128xf32>
    %swap3A = arith.constant 0 : index
    %swap3A_29 = arith.constant 0 : index
    %swap3A_30 = arith.constant 0 : index
    %swap3A_31 = vector.load %arg7[%swap3A, %swap3A_29, %swap3A_30] : memref<1x1000x128xf32, #tpu.memory_space<vmem>>, vector<1x1000x128xf32>
    %swap3A_32 = vector.shape_cast %swap3A_31 : vector<1x1000x128xf32> to vector<1000x128xf32>
    %swap3A_33 = vector.shape_cast %tanh3A : vector<1000x128xf32> to vector<1x1000x128xf32>
    tpu.vector_store %arg7[%swap3A, %swap3A_29, %swap3A_30], %swap3A_33 {strides = array<i32>} : memref<1x1000x128xf32, #tpu.memory_space<vmem>>, vector<1x1000x128xf32>,
    return
  }
  func.func @transform_0(%arg0: i32, %arg1: i32) -> (i32, i32, i32) {
    %c0_i32 = arith.constant 0 : i32
    %c0_i32_0 = arith.constant 0 : i32
    %c0_i32_1 = arith.constant 0 : i32
    return %c0_i32, %arg0, %c0_i32_0 : i32, i32, i32
  }
  func.func @transform_1(%arg0: i32, %arg1: i32) -> (i32, i32, i32) {
    %c0_i32 = arith.constant 0 : i32
    %c0_i32_0 = arith.constant 0 : i32
    %c0_i32_1 = arith.constant 0 : i32
    return %c0_i32, %arg0, %c0_i32_0 : i32, i32, i32
  }
  func.func @transform_2(%arg0: i32, %arg1: i32) -> (i32, i32, i32) {
    %c0_i32 = arith.constant 0 : i32
    %c0_i32_0 = arith.constant 0 : i32
    %c0_i32_1 = arith.constant 0 : i32
    return %arg1, %c0_i32, %c0_i32_0 : i32, i32, i32
  }
  func.func @transform_3(%arg0: i32, %arg1: i32) -> (i32, i32, i32) {
    %c0_i32 = arith.constant 0 : i32
    %c0_i32_0 = arith.constant 0 : i32
    %c0_i32_1 = arith.constant 0 : i32
    return %arg1, %c0_i32, %c0_i32_0 : i32, i32, i32
  }
  func.func @transform_4(%arg0: i32, %arg1: i32) -> (i32, i32, i32) {
    %c0_i32 = arith.constant 0 : i32
    %c0_i32_0 = arith.constant 0 : i32
    %c0_i32_1 = arith.constant 0 : i32
    return %arg1, %c0_i32, %c0_i32_0 : i32, i32, i32
  }
  func.func @transform_5(%arg0: i32, %arg1: i32) -> (i32, i32, i32) {
    %c0_i32 = arith.constant 0 : i32
    %c0_i32_0 = arith.constant 0 : i32
    return %arg1, %arg0, %c0_i32 : i32, i32, i32
  }
}

module attributes {stable_mosaic.version = 14 : i64} {
  func.func @body(%arg0: i32, %arg1: memref<2x1000x128xf32, #tpu.memory_space<vmem>>, %arg2: memref<256x128xf32, #tpu.memory_space<vmem>>, %arg3: memref<256x128xf32, #tpu.memory_space<vmem>>, %arg4: memref<1x128xf32, #tpu.memory_space<vmem>>, %arg5: memref<1000x128xf32, #tpu.memory_space<vmem>>, %arg6: memref<1000x128xf32, #tpu.memory_space<vmem>>) attributes {dimension_semantics = [#tpu.dimension_semantics<arbitrary>], iteration_bounds = array<i64: 10>, scalar_prefetch = 0 : i64, scratch_operands = 0 : i64, tpu.core_type = #tpu.core_type<tc>, window_params = [{transform_indices = @transform_0, window_bounds = array<i64: 2, 1000, 128>}, {pipeline_mode = #tpu.pipeline_mode<synchronous>, transform_indices = @transform_1, window_bounds = array<i64: 256, 128>}, {pipeline_mode = #tpu.pipeline_mode<synchronous>, transform_indices = @transform_2, window_bounds = array<i64: 256, 128>}, {pipeline_mode = #tpu.pipeline_mode<synchronous>, transform_indices = @transform_3, window_bounds = array<i64: 1, 128>}, {transform_indices = @transform_4, window_bounds = array<i64: 1000, 128>}, {transform_indices = @transform_5, window_bounds = array<i64: 1000, 128>}]} {
    %broadcast_in_dim3A = arith.constant 0.000000e+00 : f32
    %broadcast_in_dim3A_0 = vector.broadcast %broadcast_in_dim3A : f32 to vector<1000x128xf32>
    %get3A = arith.constant 0 : index
    %get3A_1 = arith.constant 0 : index
    %get3A_2 = vector.load %arg4[%get3A, %get3A_1] : memref<1x128xf32, #tpu.memory_space<vmem>>, vector<1x128xf32>
    %get3A_3 = arith.constant 0 : index
    %get3A_4 = arith.constant 0 : index
    %get3A_5 = arith.constant 0 : index
    %get3A_6 = vector.load %arg1[%get3A_3, %get3A_4, %get3A_5] : memref<2x1000x128xf32, #tpu.memory_space<vmem>>, vector<1x1000x128xf32>
    %get3A_7 = vector.shape_cast %get3A_6 : vector<1x1000x128xf32> to vector<1000x128xf32>
    %get3A_8 = arith.constant 0 : index
    %get3A_9 = arith.constant 0 : index
    %get3A_10 = vector.load %arg2[%get3A_8, %get3A_9] : memref<256x128xf32, #tpu.memory_space<vmem>>, vector<128x128xf32>
    %dot_general3A = arith.constant dense<0.000000e+00> : vector<1000x128xf32>
    %dot_general3A_11 = tpu.matmul %get3A_7, %get3A_10, %dot_general3A {dimension_numbers = #tpu.dot_dimension_numbers<[1], [0], [0], [1], [0, 0, 1, 1], [], []>, precision = #tpu.contract_precision<fp32>, transpose_lhs_hint = false} : vector<1000x128xf32>, vector<128x128xf32>, vector<1000x128xf32> -> vector<1000x128xf32>
    %add3A = arith.addf %broadcast_in_dim3A_0, %dot_general3A_11 : vector<1000x128xf32>
    %get3A_12 = arith.constant 0 : index
    %get3A_13 = arith.constant 0 : index
    %get3A_14 = arith.constant 0 : index
    %get3A_15 = vector.load %arg1[%get3A_12, %get3A_13, %get3A_14] : memref<2x1000x128xf32, #tpu.memory_space<vmem>>, vector<1x1000x128xf32>
    %get3A_16 = vector.shape_cast %get3A_15 : vector<1x1000x128xf32> to vector<1000x128xf32>
    %get3A_17 = arith.constant 0 : index
    %get3A_18 = arith.constant 0 : index
    %get3A_19 = vector.load %arg3[%get3A_17, %get3A_18] : memref<256x128xf32, #tpu.memory_space<vmem>>, vector<128x128xf32>
    %dot_general3A_20 = arith.constant dense<0.000000e+00> : vector<1000x128xf32>
    %dot_general3A_21 = tpu.matmul %get3A_16, %get3A_19, %dot_general3A_20 {dimension_numbers = #tpu.dot_dimension_numbers<[1], [0], [0], [1], [0, 0, 1, 1], [], []>, precision = #tpu.contract_precision<fp32>, transpose_lhs_hint = false} : vector<1000x128xf32>, vector<128x128xf32>, vector<1000x128xf32> -> vector<1000x128xf32>
    %add3A_22 = vector.broadcast %get3A_2 : vector<1x128xf32> to vector<1000x128xf32>
    %add3A_23 = arith.addf %add3A_22, %dot_general3A_21 : vector<1000x128xf32>
    %get3A_24 = arith.constant 1 : index
    %get3A_25 = arith.constant 0 : index
    %get3A_26 = arith.constant 0 : index
    %get3A_27 = vector.load %arg1[%get3A_24, %get3A_25, %get3A_26] : memref<2x1000x128xf32, #tpu.memory_space<vmem>>, vector<1x1000x128xf32>
    %get3A_28 = vector.shape_cast %get3A_27 : vector<1x1000x128xf32> to vector<1000x128xf32>
    %get3A_29 = arith.constant 128 : index
    %get3A_30 = arith.constant 0 : index
    %get3A_31 = vector.load %arg2[%get3A_29, %get3A_30] : memref<256x128xf32, #tpu.memory_space<vmem>>, vector<128x128xf32>
    %dot_general3A_32 = arith.constant dense<0.000000e+00> : vector<1000x128xf32>
    %dot_general3A_33 = tpu.matmul %get3A_28, %get3A_31, %dot_general3A_32 {dimension_numbers = #tpu.dot_dimension_numbers<[1], [0], [0], [1], [0, 0, 1, 1], [], []>, precision = #tpu.contract_precision<fp32>, transpose_lhs_hint = false} : vector<1000x128xf32>, vector<128x128xf32>, vector<1000x128xf32> -> vector<1000x128xf32>
    %add3A_34 = arith.addf %add3A, %dot_general3A_33 : vector<1000x128xf32>
    %get3A_35 = arith.constant 1 : index
    %get3A_36 = arith.constant 0 : index
    %get3A_37 = arith.constant 0 : index
    %get3A_38 = vector.load %arg1[%get3A_35, %get3A_36, %get3A_37] : memref<2x1000x128xf32, #tpu.memory_space<vmem>>, vector<1x1000x128xf32>
    %get3A_39 = vector.shape_cast %get3A_38 : vector<1x1000x128xf32> to vector<1000x128xf32>
    %get3A_40 = arith.constant 128 : index
    %get3A_41 = arith.constant 0 : index
    %get3A_42 = vector.load %arg3[%get3A_40, %get3A_41] : memref<256x128xf32, #tpu.memory_space<vmem>>, vector<128x128xf32>
    %dot_general3A_43 = arith.constant dense<0.000000e+00> : vector<1000x128xf32>
    %dot_general3A_44 = tpu.matmul %get3A_39, %get3A_42, %dot_general3A_43 {dimension_numbers = #tpu.dot_dimension_numbers<[1], [0], [0], [1], [0, 0, 1, 1], [], []>, precision = #tpu.contract_precision<fp32>, transpose_lhs_hint = false} : vector<1000x128xf32>, vector<128x128xf32>, vector<1000x128xf32> -> vector<1000x128xf32>
    %add3A_45 = arith.addf %add3A_23, %dot_general3A_44 : vector<1000x128xf32>
    %swap3A = arith.constant 0 : index
    %swap3A_46 = arith.constant 0 : index
    %swap3A_47 = vector.load %arg5[%swap3A, %swap3A_46] : memref<1000x128xf32, #tpu.memory_space<vmem>>, vector<1000x128xf32>
    tpu.vector_store %arg5[%swap3A, %swap3A_46], %add3A_34 {strides = array<i32>} : memref<1000x128xf32, #tpu.memory_space<vmem>>, vector<1000x128xf32>,
    %swap3A_48 = arith.constant 0 : index
    %swap3A_49 = arith.constant 0 : index
    %swap3A_50 = vector.load %arg6[%swap3A_48, %swap3A_49] : memref<1000x128xf32, #tpu.memory_space<vmem>>, vector<1000x128xf32>
    tpu.vector_store %arg6[%swap3A_48, %swap3A_49], %add3A_45 {strides = array<i32>} : memref<1000x128xf32, #tpu.memory_space<vmem>>, vector<1000x128xf32>,
    return
  }
  func.func @transform_0(%arg0: i32) -> (i32, i32, i32) {
    %c0_i32 = arith.constant 0 : i32
    %c0_i32_0 = arith.constant 0 : i32
    %c0_i32_1 = arith.constant 0 : i32
    return %c0_i32, %arg0, %c0_i32_0 : i32, i32, i32
  }
  func.func @transform_1(%arg0: i32) -> (i32, i32) {
    %c0_i32 = arith.constant 0 : i32
    %c0_i32_0 = arith.constant 0 : i32
    %c0_i32_1 = arith.constant 0 : i32
    return %c0_i32, %c0_i32_0 : i32, i32
  }
  func.func @transform_2(%arg0: i32) -> (i32, i32) {
    %c0_i32 = arith.constant 0 : i32
    %c0_i32_0 = arith.constant 0 : i32
    %c0_i32_1 = arith.constant 0 : i32
    return %c0_i32, %c0_i32_0 : i32, i32
  }
  func.func @transform_3(%arg0: i32) -> (i32, i32) {
    %c0_i32 = arith.constant 0 : i32
    %c0_i32_0 = arith.constant 0 : i32
    %c0_i32_1 = arith.constant 0 : i32
    return %c0_i32, %c0_i32_0 : i32, i32
  }
  func.func @transform_4(%arg0: i32) -> (i32, i32) {
    %c0_i32 = arith.constant 0 : i32
    %c0_i32_0 = arith.constant 0 : i32
    return %arg0, %c0_i32 : i32, i32
  }
  func.func @transform_5(%arg0: i32) -> (i32, i32) {
    %c0_i32 = arith.constant 0 : i32
    %c0_i32_0 = arith.constant 0 : i32
    return %arg0, %c0_i32 : i32, i32
  }
}

module attributes {stable_mosaic.version = 14 : i64} {
  func.func @body(%arg0: i32, %arg1: i32, %arg2: memref<2x1000x128xf32, #tpu.memory_space<vmem>>, %arg3: memref<2x1000x128xf32, #tpu.memory_space<vmem>>, %arg4: memref<1x256x128xf32, #tpu.memory_space<vmem>>, %arg5: memref<1x256x128xf32, #tpu.memory_space<vmem>>, %arg6: memref<1x1x128xf32, #tpu.memory_space<vmem>>, %arg7: memref<1x1000x128xf32, #tpu.memory_space<vmem>>) attributes {dimension_semantics = [#tpu.dimension_semantics<arbitrary>, #tpu.dimension_semantics<arbitrary>], iteration_bounds = array<i64: 10, 2>, scalar_prefetch = 0 : i64, scratch_operands = 0 : i64, tpu.core_type = #tpu.core_type<tc>, window_params = [{transform_indices = @transform_0, window_bounds = array<i64: 2, 1000, 128>}, {transform_indices = @transform_1, window_bounds = array<i64: 2, 1000, 128>}, {transform_indices = @transform_2, window_bounds = array<i64: 1, 256, 128>}, {transform_indices = @transform_3, window_bounds = array<i64: 1, 256, 128>}, {transform_indices = @transform_4, window_bounds = array<i64: 1, 1, 128>}, {transform_indices = @transform_5, window_bounds = array<i64: 1, 1000, 128>}]} {
    %get3A = arith.constant 0 : index
    %get3A_0 = arith.constant 0 : index
    %get3A_1 = arith.constant 0 : index
    %get3A_2 = vector.load %arg6[%get3A, %get3A_0, %get3A_1] : memref<1x1x128xf32, #tpu.memory_space<vmem>>, vector<1x1x128xf32>
    %get3A_3 = vector.shape_cast %get3A_2 : vector<1x1x128xf32> to vector<1x128xf32>
    %get3A_4 = arith.constant 0 : index
    %get3A_5 = arith.constant 0 : index
    %get3A_6 = arith.constant 0 : index
    %get3A_7 = vector.load %arg2[%get3A_4, %get3A_5, %get3A_6] : memref<2x1000x128xf32, #tpu.memory_space<vmem>>, vector<1x1000x128xf32>
    %get3A_8 = vector.shape_cast %get3A_7 : vector<1x1000x128xf32> to vector<1000x128xf32>
    %get3A_9 = arith.constant 0 : index
    %get3A_10 = arith.constant 0 : index
    %get3A_11 = arith.constant 0 : index
    %get3A_12 = vector.load %arg4[%get3A_9, %get3A_10, %get3A_11] : memref<1x256x128xf32, #tpu.memory_space<vmem>>, vector<1x128x128xf32>
    %get3A_13 = vector.shape_cast %get3A_12 : vector<1x128x128xf32> to vector<128x128xf32>
    %dot_general3A = arith.constant dense<0.000000e+00> : vector<1000x128xf32>
    %dot_general3A_14 = tpu.matmul %get3A_8, %get3A_13, %dot_general3A {dimension_numbers = #tpu.dot_dimension_numbers<[1], [0], [0], [1], [0, 0, 1, 1], [], []>, precision = #tpu.contract_precision<fp32>, transpose_lhs_hint = false} : vector<1000x128xf32>, vector<128x128xf32>, vector<1000x128xf32> -> vector<1000x128xf32>
    %add3A = vector.broadcast %get3A_3 : vector<1x128xf32> to vector<1000x128xf32>
    %add3A_15 = arith.addf %add3A, %dot_general3A_14 : vector<1000x128xf32>
    %get3A_16 = arith.constant 1 : index
    %get3A_17 = arith.constant 0 : index
    %get3A_18 = arith.constant 0 : index
    %get3A_19 = vector.load %arg2[%get3A_16, %get3A_17, %get3A_18] : memref<2x1000x128xf32, #tpu.memory_space<vmem>>, vector<1x1000x128xf32>
    %get3A_20 = vector.shape_cast %get3A_19 : vector<1x1000x128xf32> to vector<1000x128xf32>
    %get3A_21 = arith.constant 0 : index
    %get3A_22 = arith.constant 128 : index
    %get3A_23 = arith.constant 0 : index
    %get3A_24 = vector.load %arg4[%get3A_21, %get3A_22, %get3A_23] : memref<1x256x128xf32, #tpu.memory_space<vmem>>, vector<1x128x128xf32>
    %get3A_25 = vector.shape_cast %get3A_24 : vector<1x128x128xf32> to vector<128x128xf32>
    %dot_general3A_26 = arith.constant dense<0.000000e+00> : vector<1000x128xf32>
    %dot_general3A_27 = tpu.matmul %get3A_20, %get3A_25, %dot_general3A_26 {dimension_numbers = #tpu.dot_dimension_numbers<[1], [0], [0], [1], [0, 0, 1, 1], [], []>, precision = #tpu.contract_precision<fp32>, transpose_lhs_hint = false} : vector<1000x128xf32>, vector<128x128xf32>, vector<1000x128xf32> -> vector<1000x128xf32>
    %add3A_28 = arith.addf %add3A_15, %dot_general3A_27 : vector<1000x128xf32>
    %get3A_29 = arith.constant 0 : index
    %get3A_30 = arith.constant 0 : index
    %get3A_31 = arith.constant 0 : index
    %get3A_32 = vector.load %arg3[%get3A_29, %get3A_30, %get3A_31] : memref<2x1000x128xf32, #tpu.memory_space<vmem>>, vector<1x1000x128xf32>
    %get3A_33 = vector.shape_cast %get3A_32 : vector<1x1000x128xf32> to vector<1000x128xf32>
    %get3A_34 = arith.constant 0 : index
    %get3A_35 = arith.constant 0 : index
    %get3A_36 = arith.constant 0 : index
    %get3A_37 = vector.load %arg5[%get3A_34, %get3A_35, %get3A_36] : memref<1x256x128xf32, #tpu.memory_space<vmem>>, vector<1x128x128xf32>
    %get3A_38 = vector.shape_cast %get3A_37 : vector<1x128x128xf32> to vector<128x128xf32>
    %dot_general3A_39 = arith.constant dense<0.000000e+00> : vector<1000x128xf32>
    %dot_general3A_40 = tpu.matmul %get3A_33, %get3A_38, %dot_general3A_39 {dimension_numbers = #tpu.dot_dimension_numbers<[1], [0], [0], [1], [0, 0, 1, 1], [], []>, precision = #tpu.contract_precision<fp32>, transpose_lhs_hint = false} : vector<1000x128xf32>, vector<128x128xf32>, vector<1000x128xf32> -> vector<1000x128xf32>
    %add3A_41 = arith.addf %add3A_28, %dot_general3A_40 : vector<1000x128xf32>
    %get3A_42 = arith.constant 1 : index
    %get3A_43 = arith.constant 0 : index
    %get3A_44 = arith.constant 0 : index
    %get3A_45 = vector.load %arg3[%get3A_42, %get3A_43, %get3A_44] : memref<2x1000x128xf32, #tpu.memory_space<vmem>>, vector<1x1000x128xf32>
    %get3A_46 = vector.shape_cast %get3A_45 : vector<1x1000x128xf32> to vector<1000x128xf32>
    %get3A_47 = arith.constant 0 : index
    %get3A_48 = arith.constant 128 : index
    %get3A_49 = arith.constant 0 : index
    %get3A_50 = vector.load %arg5[%get3A_47, %get3A_48, %get3A_49] : memref<1x256x128xf32, #tpu.memory_space<vmem>>, vector<1x128x128xf32>
    %get3A_51 = vector.shape_cast %get3A_50 : vector<1x128x128xf32> to vector<128x128xf32>
    %dot_general3A_52 = arith.constant dense<0.000000e+00> : vector<1000x128xf32>
    %dot_general3A_53 = tpu.matmul %get3A_46, %get3A_51, %dot_general3A_52 {dimension_numbers = #tpu.dot_dimension_numbers<[1], [0], [0], [1], [0, 0, 1, 1], [], []>, precision = #tpu.contract_precision<fp32>, transpose_lhs_hint = false} : vector<1000x128xf32>, vector<128x128xf32>, vector<1000x128xf32> -> vector<1000x128xf32>
    %add3A_54 = arith.addf %add3A_41, %dot_general3A_53 : vector<1000x128xf32>
    %tanh3A = math.tanh %add3A_54 : vector<1000x128xf32>
    %swap3A = arith.constant 0 : index
    %swap3A_55 = arith.constant 0 : index
    %swap3A_56 = arith.constant 0 : index
    %swap3A_57 = vector.load %arg7[%swap3A, %swap3A_55, %swap3A_56] : memref<1x1000x128xf32, #tpu.memory_space<vmem>>, vector<1x1000x128xf32>
    %swap3A_58 = vector.shape_cast %swap3A_57 : vector<1x1000x128xf32> to vector<1000x128xf32>
    %swap3A_59 = vector.shape_cast %tanh3A : vector<1000x128xf32> to vector<1x1000x128xf32>
    tpu.vector_store %arg7[%swap3A, %swap3A_55, %swap3A_56], %swap3A_59 {strides = array<i32>} : memref<1x1000x128xf32, #tpu.memory_space<vmem>>, vector<1x1000x128xf32>,
    return
  }
  func.func @transform_0(%arg0: i32, %arg1: i32) -> (i32, i32, i32) {
    %c0_i32 = arith.constant 0 : i32
    %c0_i32_0 = arith.constant 0 : i32
    %c0_i32_1 = arith.constant 0 : i32
    return %c0_i32, %arg0, %c0_i32_0 : i32, i32, i32
  }
  func.func @transform_1(%arg0: i32, %arg1: i32) -> (i32, i32, i32) {
    %c0_i32 = arith.constant 0 : i32
    %c0_i32_0 = arith.constant 0 : i32
    %c0_i32_1 = arith.constant 0 : i32
    return %c0_i32, %arg0, %c0_i32_0 : i32, i32, i32
  }
  func.func @transform_2(%arg0: i32, %arg1: i32) -> (i32, i32, i32) {
    %c0_i32 = arith.constant 0 : i32
    %c0_i32_0 = arith.constant 0 : i32
    %c0_i32_1 = arith.constant 0 : i32
    return %arg1, %c0_i32, %c0_i32_0 : i32, i32, i32
  }
  func.func @transform_3(%arg0: i32, %arg1: i32) -> (i32, i32, i32) {
    %c0_i32 = arith.constant 0 : i32
    %c0_i32_0 = arith.constant 0 : i32
    %c0_i32_1 = arith.constant 0 : i32
    return %arg1, %c0_i32, %c0_i32_0 : i32, i32, i32
  }
  func.func @transform_4(%arg0: i32, %arg1: i32) -> (i32, i32, i32) {
    %c0_i32 = arith.constant 0 : i32
    %c0_i32_0 = arith.constant 0 : i32
    %c0_i32_1 = arith.constant 0 : i32
    return %arg1, %c0_i32, %c0_i32_0 : i32, i32, i32
  }
  func.func @transform_5(%arg0: i32, %arg1: i32) -> (i32, i32, i32) {
    %c0_i32 = arith.constant 0 : i32
    %c0_i32_0 = arith.constant 0 : i32
    return %arg1, %arg0, %c0_i32 : i32, i32, i32
  }
}

</mosaic_0001>

<sc_bundles>
// kernel: kernel.10.cloned.1.call-start
scs
__scs_entry_jumppad:
0x0: {  	(pc) =	sbr.rel $0x88, $3  }
0x1: {  	(tag) =	ssettag $0x0;
	lr =	simm.s32 $0x1  }
0x2: {  	[smem:$0x3F96] =	sst lr;
	_ =	strace $0xD0000000  }
0x3: {  	_ = 	snop  }
0x4: {  	_ = 	snop  }
0x5: {  	_ = 	snop  }
0x6: {  	_ = 	snop  }
0x7: {  	_ = 	snop  }
__scs_overlays_trampoline_lowered:
0x8: {  	[smem:$0x3FA5] =	sst s0  }
0x9: {  	[smem:$0x3FA6] =	sst s1  }
0xa: {  	[smem:$0x3FA7] =	sst s2  }
0xb: {  	[smem:$0x3FA8] =	sst s3  }
0xc: {  	[smem:$0x3FA9] =	sst s4  }
0xd: {  	[smem:$0x3FAA] =	sst s5  }
0xe: {  	[smem:$0x3FAB] =	sst s6  }
0xf: {  	[smem:$0x3FAC] =	sst s7  }
0x10: {  	[smem:$0x3FAD] =	sst s8  }
0x11: {  	[smem:$0x3FAE] =	sst s9;
	s0 =	simm.s32 @!p0 $0x0  }
0x12: {  	s1 =	sld [smem:$0x3F94];
	s0 =	simm.s32 @p0 $0x1  }
0x13: {  	[smem:$0x3FAF] =	sst s0;
	s0 =	simm.s32 @!p1 $0x0  }
0x14: {  	s2 =	sld [smem:$0x3F93];
	s0 =	simm.s32 @p1 $0x1  }
0x15: {  	[smem:$0x3FB0] =	sst s0;
	s0 =	simm.s32 @!p2 $0x0  }
0x16: {  	s3 =	sld [smem:$0x3FDB];
	s0 =	simm.s32 @p2 $0x1  }
0x17: {  	s4 =	simm.s32 $0x1BF5;
	[smem:$0x3FB2] =	sst s0  }
0x18: {  	s0 =	sld [smem:$0x3F95];
	_ =	swait.ge [sflag:s4], $0x0  }
0x19: {  	s7 =	sld [smem:$0x3F96]  }
0x1a: {  	s8 =	sadd.s32 $0xFFFFE003, lr  }
0x1b: {  	s9 =	sadd.s32 $0xFFFFFEF7, lr;
	s5 =	simm.s32 $0xFFFFFFFF;
	p2 =	slt.u32 s8, $0xFFFFF086  }
0x1c: {  	p1 =	slt.u32 s9, $0xF7A;
	s5 =	simm.s32 @!p2 $0x0  }
0x1d: {  	s5 =	simm.s32 @p1 $0x1;
	p0 =	seq.s32 s7, s2  }
0x1e: {  	s7 =	smul.u32 @!p0 $0xF7A, s2;
	p2 =	seq.s32 @!p0 s5, $0x0  }
0x1f: {  	s9 =	smul.u32 $0xF7A, s1;
	s8 =	simm.s32 @!p0 $0x1BF5;
	p2 =	por !p2, p0  }
0x20: {  	[sflag:s8] =	ssyncset.s32 @!p0 $0xFFFFF086;
	s6 =	sadd.s32 @!p0 s3, s7;
	s7 =	simm.s32 @!p0 $0x108  }
0x21: {  	s3 =	sadd.s32 s3, s9;
	s6 =	sadd.s32 @!p0 $0x88, s6;
	s7 =	simm.s32 @p2 $0x1082  }
0x22: {  	[simem:s7], [sflag:s8] =	dma.local @!p0 [hbm:s6], $0xF7A  }
0x23: {  	s9 =	sor.u32 $0xD0000000, s2;
	s6 =	simm.s32 $0x108;
	_ =	swait.ge @!p0 [sflag:s8], $0x0  }
0x24: {  	s3 =	sadd.s32 $0x88, s3;
	s6 =	simm.s32 @!p1 $0x1082;
	[sflag:s4] =	ssyncset.s32 $0xFFFFF086  }
0x25: {  	[simem:s6], [sflag:s4] =	dma.local [hbm:s3], $0xF7A  }
0x26: {  	[smem:$0x3F96] =	sst s1;
	(tag) =	ssettag s2;
	_ =	strace s9  }
0x27: {  	s1 =	sld [smem:$0x3FA6]  }
0x28: {  	s2 =	sld [smem:$0x3FA7]  }
0x29: {  	s4 =	sld [smem:$0x3FA9]  }
0x2a: {  	p0 =	seq.s32 s5, $0x0;
	s5 =	sld [smem:$0x3FAA]  }
0x2b: {  	s6 =	sld [smem:$0x3FAB]  }
0x2c: {  	s7 =	sld [smem:$0x3FAC]  }
0x2d: {  	s3 =	simm.s32 $0x108;
	s8 =	sld [smem:$0x3FAD]  }
0x2e: {  	s3 =	simm.s32 @!p0 $0x1082;
	s9 =	sld [smem:$0x3FAE]  }
0x2f: {  	lr =	sadd.s32 s0, s3;
	s0 =	sld [smem:$0x3FA5]  }
0x30: {  	s3 =	sld [smem:$0x3FA8]  }
0x31: {  	[smem:$0x3FB1] =	sst s10  }
0x32: {  	s10 =	sld [smem:$0x3FAF];
	_ =	sdelay $0x3  }
0x33: {  	p0 =	seq.s32 s10, $0x1;
	s10 =	sld [smem:$0x3FB1];
	_ =	sdelay $0x3  }
0x34: {  	[smem:$0x3FB1] =	sst s10  }
0x35: {  	s10 =	sld [smem:$0x3FB0];
	_ =	sdelay $0x3  }
0x36: {  	p1 =	seq.s32 s10, $0x1;
	s10 =	sld [smem:$0x3FB1];
	_ =	sdelay $0x3  }
0x37: {  	[smem:$0x3FB1] =	sst s10  }
0x38: {  	s10 =	sld [smem:$0x3FB2]  }
0x39: {  	_ = 	snop;
	(pc) =	sbr.ind lr, $3  }
0x3a: {  	_ = 	snop  }
0x3b: {  	_ = 	snop  }
0x3c: {  	p2 =	seq.s32 s10, $0x1;
	s10 =	sld [smem:$0x3FB1]  }
0x3d: {  	_ =	shalt  }
0x3e: {  	_ =	shalt  }
0x3f: {  	_ =	shalt  }
0x40: {  	_ =	shalt  }
0x41: {  	_ =	shalt  }
0x42: {  	_ =	shalt  }
0x43: {  	_ =	shalt  }
0x44: {  	_ =	shalt  }
0x45: {  	_ =	shalt  }
0x46: {  	_ =	shalt  }
0x47: {  	_ =	shalt  }
0x48: {  	_ =	shalt  }
0x49: {  	_ =	shalt  }
0x4a: {  	_ =	shalt  }
0x4b: {  	_ =	shalt  }
0x4c: {  	_ =	shalt  }
0x4d: {  	_ =	shalt  }
0x4e: {  	_ =	shalt  }
0x4f: {  	_ =	shalt  }
0x50: {  	_ =	shalt  }
0x51: {  	_ =	shalt  }
0x52: {  	_ =	shalt  }
0x53: {  	_ =	shalt  }
0x54: {  	_ =	shalt  }
0x55: {  	_ =	shalt  }
0x56: {  	_ =	shalt  }
0x57: {  	_ =	shalt  }
0x58: {  	_ =	shalt  }
0x59: {  	_ =	shalt  }
0x5a: {  	_ =	shalt  }
0x5b: {  	_ =	shalt  }
0x5c: {  	_ =	shalt  }
0x5d: {  	_ =	shalt  }
0x5e: {  	_ =	shalt  }
0x5f: {  	_ =	shalt  }
0x60: {  	_ =	shalt  }
0x61: {  	_ =	shalt  }
0x62: {  	_ =	shalt  }
0x63: {  	_ =	shalt  }
0x64: {  	_ =	shalt  }
0x65: {  	_ =	shalt  }
0x66: {  	_ =	shalt  }
0x67: {  	_ =	shalt  }
0x68: {  	_ =	shalt  }
0x69: {  	_ =	shalt  }
0x6a: {  	_ =	shalt  }
0x6b: {  	_ =	shalt  }
0x6c: {  	_ =	shalt  }
0x6d: {  	_ =	shalt  }
0x6e: {  	_ =	shalt  }
0x6f: {  	_ =	shalt  }
0x70: {  	_ =	shalt  }
0x71: {  	_ =	shalt  }
0x72: {  	_ =	shalt  }
0x73: {  	_ =	shalt  }
0x74: {  	_ =	shalt  }
0x75: {  	_ =	shalt  }
0x76: {  	_ =	shalt  }
0x77: {  	_ =	shalt  }
0x78: {  	_ =	shalt  }
0x79: {  	_ =	shalt  }
0x7a: {  	_ =	shalt  }
0x7b: {  	_ =	shalt  }
0x7c: {  	_ =	shalt  }
0x7d: {  	_ =	shalt  }
0x7e: {  	_ =	shalt  }
0x7f: {  	_ =	shalt  }
0x80: {  	_ =	shalt  }
0x81: {  	_ =	shalt  }
0x82: {  	_ =	shalt  }
0x83: {  	_ =	shalt  }
0x84: {  	_ =	shalt  }
0x85: {  	_ =	shalt  }
0x86: {  	_ =	shalt  }
0x87: {  	_ =	shalt  }
.Lfunc_end0:
.L_simem_size_0:
called_computation_lowered:
.L_overlay_start_0:
0x88: {  	s2 =	sld [smem:$0x3FD9]  }
0x89: {  	s3 =	sld [smem:$0x3FFE];
	_ =	sdelay $0x1  }
0x8a: {  	s1 =	srdreg.scid  }
0x8b: {  	s0 =	sand.u32 $0x1, s1  }
0x8c: {  	s17 =	sshll.u32 s0, $0xA;
	s2 =	sadd.s32 s3, s2  }
0x8d: {  	s2 =	sadd.s32 s2, s17  }
0x8e: {  	[smem:$0x3FBD] =	sst s2  }
0x8f: {  	_ = 	snop  }
0x90: {  	s2 =	sld [smem:$0x3FC9]  }
0x91: {  	s18 =	sld [smem:$0x3FD0];
	(tm) =	ssettm $0x1  }
0x92: {  	s4 =	sld [smem:$0x3FFB];
	_ =	sdelay $0x3  }
0x93: {  	_ =	strace s4  }
0x94: {  	s4 =	sld [smem:$0x3FFC];
	_ =	sdelay $0x3  }
0x95: {  	_ =	strace s4  }
0x96: {  	s4 =	sld [smem:$0x3FFD];
	_ =	sdelay $0x3  }
0x97: {  	_ =	strace s4  }
0x98: {  	_ =	strace $0x8FFFFFFF  }
0x99: {  	s19 =	sld [smem:$0x3FDB];
	_ =	sdelay $0x1  }
0x9a: {  	s5 =	simm.s32 $_scs_section_size  }
0x9b: {  	s6 =	simm.s32 $_size__tile_overlayer_lowered;
	s7 =	simm.s32 $_tile_overlayer_lowered  }
0x9c: {  	s22 =	simm.s32 $0x1BFF;
	s21 =	sshll.u32 s7, $0x1;
	s4 =	sadd.s32 s5, s19  }
0x9d: {  	s8 =	simm.s32 $0x0;
	s20 =	sshll.u32 s6, $0x1;
	s6 =	sadd.s32 s21, s4  }
0x9e: {  	[timem:s8], [sflag:s22] =	dma.local [hbm:s6], s20  }
0x9f: {  	_ =	swait.ge [sflag:s22], s20  }
0xa0: {  	s5 =	ssub.s32 $0x0, s20;
	[sflag:s22] =	ssyncset.done $0x0  }
0xa1: {  	[sflag:s22] =	ssyncadd.s32 s5;
	_ =	sdelay $0x1  }
0xa2: {  	s23 =	simm.s32 $0x1B8B  }
0xa3: {  	_ =	swait.ge [sflag:s23], $0x1  }
0xa4: {  	[sflag:s23] =	ssyncset.done $0x0  }
0xa5: {  	s25 =	simm.s32 $0x1B8E;
	s24 =	sld [smem:$0x3FFE];
	[sflag:s23] =	ssyncadd.s32 $0xFFFFFFFF  }
0xa6: {  	s26 =	simm.s32 $execute0_lowered;
	[smem:$0x3FD2] =	sst s25  }
0xa7: {  	s6 =	sshll.u32 s26, $0x1;
	_ =	strace $0x80000046;
	[dreg:$0x1] =	wrdreg $0xFFFFFFFF  }
0xa8: {  	s28 =	simm.s32 $_size_execute0_lowered;
	s4 =	sadd.s32 s4, s6;
	[dreg:$0x0] =	wrdreg $0x0  }
0xa9: {  	s6 =	sshll.u32 s28, $0x1;
	[dreg:$0x2] =	wrdreg s4  }
0xaa: {  	[dreg:$0x3] =	wrdreg s6  }
0xab: {  	[dreg:$0x4] =	wrdreg $0xC0  }
0xac: {  	_ =	task [dreg:s8], $0x5FFFF  }
0xad: {  	[dreg:$0x1] =	wrdreg $0xFFFFFFFF  }
0xae: {  	[dreg:$0x0] =	wrdreg $0x60  }
0xaf: {  	[dreg:$0x2] =	wrdreg s2  }
0xb0: {  	[dreg:$0x3] =	wrdreg s24  }
0xb1: {  	[dreg:$0x4] =	wrdreg s18  }
0xb2: {  	[dreg:$0x5] =	wrdreg $0x120000  }
0xb3: {  	[dreg:$0x6] =	wrdreg $0x9  }
0xb4: {  	_ =	task.clear_ibuf [dreg:s8], $0x7FFFF;
	_ =	strace $0x90000046  }
0xb5: {  	s29 =	simm.s32 $0x9;
	_ =	strace $0x80000048  }
0xb6: {  	_ =	swait.ge [sflag:s29], $0x1  }
0xb7: {  	[sflag:s29] =	ssyncadd.s32 $0xFFFFFFFF  }
0xb8: {  	_ =	strace $0x90000048  }
0xb9: {  	_ =	sfence  }
0xba: {  	s30 =	sld [smem:$0x0];
	_ =	sdelay $0x2  }
0xbb: {  	s31 =	sshll.u32 s1, $0xD;
	s1 =	sshrl.u32 s1, $0x2  }
0xbc: {  	s3 =	sand.u32 $0x4000, s31;
	s1 =	sadd.s32 s1, s30  }
0xbd: {  	s0 =	sor.u32 s3, s0;
	s1 =	sshll.u32 s1, $0x11  }
0xbe: {  	s0 =	sor.u32 s1, s0  }
0xbf: {  	s0 =	sadd.s32 $0x8F2B, s0  }
0xc0: {  	[sflag:s0] =	ssyncadd.remote.s32 $0x1  }
0xc1: {  	_ =	sfence.sel $0xFFFF  }
0xc2: {  	[dreg:$0x0] =	wrdreg $0xFFFFFFFF;
	(pc) =	sbr.abs _section_cstart, $3  }
0xc3: {  	[dreg:$0x1] =	wrdreg $0xFFFFFFFF  }
0xc4: {  	_ =	task.clear_ibuf [dreg:s8], $0x2FFFF;
	_ =	strace $0x9FFFFFFF  }
0xc5: {  	(tm) =	ssettm $0x7FFFFFFF  }
tec
execute0_lowered:
.L_overlay_start_1:
0x0: {  	(tag) =	ssettag $0x1  }
0x1: {  	s1 =	rddreg [dreg:$0x0]  }
0x2: {  	s5 =	rddreg [dreg:$0x1]  }
0x3: {  	s8 =	rddreg [dreg:$0x2]  }
0x4: {  	s3 =	rddreg [dreg:$0x3]  }
0x5: {  	s0 =	rddreg [dreg:$0x4]  }
0x6: {  	s2 =	stileid.u32;
	s6 =	srdreg.scid;
	s4 =	simm.s32 $0x0  }
0x7: {  	s17 =	simm.s32 $0x80;
	s18 =	simm.s32 $0xA000;
	s19 =	simm.s32 $0xE000  }
0x8: {  	s20 =	simm.s32 $0x1;
	s21 =	simm.s32 $0x2;
	s7 =	smul.u32 $0x5000, s2  }
0x9: {  	s22 =	simm.s32 $0x4F80;
	s23 =	simm.s32 $0x9F00;
	s12 =	smul.u32 $0x27000, s2  }
0xa: {  	s24 =	simm.s32 $0x9F80;
	s6 =	sand.u32 $0x1, s6;
	s14 =	smul.u32 $0x138, s2  }
0xb: {  	[smem:$0x7FF] =	sst s4;
	s15 =	sadd.s32 $0x2B800, s5;
	s9 =	smul.u32 $0x50000, s6  }
0xc: {  	p0 =	seq.s32 s2, $0xF;
	_ =	strace $0x80000047;
	s25 =	smul.u32 $0x1388, s6  }
0xd: {  	s11 =	ssub.s32 $0x2, s6;
	s26 =	smul.u32 $0x9C400, s6;
	s10 =	sshrl.u32 s7, $0x3  }
0xe: {  	s13 =	sshrl.u32 s11, $0x1;
	s29 =	sshrl.u32 s12, $0x2;
	s10 =	sadd.s32 s10, s5  }
0xf: {  	s7 =	sadd.s32 s7, s9;
	s11 =	ssub.s32 s11, s13;
	s28 =	sadd.s32 s14, s25  }
0x10: {  	s31 =	sshrl.u32 s26, $0x3;
	s16 =	sadd.s32 s29, s3;
	s14 =	sadd.s32 $0x92400, s3  }
0x11: {  	s13 =	simm.s32 $0x5000;
	s25 =	simm.s32 $0x0;
	s7 =	sshrl.u32 s7, $0x3  }
0x12: {  	s30 =	sshll.u32 s28, $0x4;
	s12 =	sadd.s32 $0x12480, s31;
	s11 =	smax.u32 s11, $0x1  }
0x13: {  	s14 =	sshrl.u32 @p0 s14, $0x3;
	s16 =	sshrl.u32 @!p0 s16, $0x3;
	s7 =	sadd.s32 s7, s5  }
0x14: {  	s5 =	sadd.s32 $0x3800, s10;
	s9 =	sadd.s32 s15, s30;
	s10 =	sadd.s32 s15, s12  }
0x15: {  	s15 =	sshll.u32 @!p0 s2, $0x6;
	s6 =	sadd.s32 $0x17800, s7;
	s7 =	sadd.s32 s8, s30  }
0x16: {  	s8 =	sadd.s32 s8, s12;
	s12 =	simm.s32 $0x3;
	s15 =	sor.u32 @!p0 $0x1C03, s15  }
.LBB2_1:
0x17: {  	[tilespmem:s4], [sflag:$0x3] =	stream.linear.gather [hbm4b:s5+s4], $0x5000, $0x38;
	[tilespmem:$0x1BCC0] =	vst v63  }
0x18: {  	_ =	swait.ge [sflag:s12], $0x5000  }
0x19: {  	[sflag:s12] =	ssyncset.done $0x0  }
0x1a: {  	[sflag:s12] =	ssyncadd.s32 $0xFFFFB000  }
0x1b: {  	[tilespmem:s13], [sflag:$0x3] =	stream.linear.gather [hbm4b:s6+s4], $0x5000, $0x38;
	[tilespmem:$0x1BCC0] =	vst v63  }
0x1c: {  	_ =	swait.ge [sflag:s12], $0x5000  }
0x1d: {  	[sflag:s12] =	ssyncset.done $0x0  }
0x1e: {  	s26 =	simm.s32 @p0 $0x1FC3;
	[sflag:s12] =	ssyncadd.s32 $0xFFFFB000  }
0x1f: {  	[spmem:s14], [sflag:s26] =	dma.local @p0 [hbm:s8], $0x1400  }
0x20: {  	s26 =	simm.s32 @p0 $0x3  }
0x21: {  	_ =	swait.ge @p0 [sflag:s26], $0x1400  }
0x22: {  	[sflag:s26] =	ssyncset.done @p0 $0x0  }
0x23: {  	[sflag:s26] =	ssyncadd.s32 @p0 $0xFFFFEC00;
	s26 =	simm.s32 @!p0 $0x3  }
0x24: {  	[spmem:s16], [sflag:s15] =	dma.local @!p0 [hbm:s7], $0x1380  }
0x25: {  	_ =	swait.ge @!p0 [sflag:s26], $0x1380  }
0x26: {  	[sflag:s26] =	ssyncset.done @!p0 $0x0  }
0x27: {  	[sflag:s26] =	ssyncadd.s32 @!p0 $0xFFFFEC80  }
0x28: {  	[bflag:$0x0] =	sbarrier.arrive $0xFFFF  }
0x29: {  	[tilespmem:s18], [sflag:$0x1] =	stream.indirect.gather [hbm4b:s1+s17], $0x80, s4, s17, $0xb8;
	[tilespmem:$0x1BCC0] =	vst v63  }
0x2a: {  	s31 =	simm.s32 $0x80  }
0x2b: {  	[tilespmem:s19], [sflag:$0x2] =	stream.indirect.gather [hbm4b:s1+s17], $0x80, s31, s17, $0xb8;
	[tilespmem:$0x1BCC0] =	vst v63  }
0x2c: {  	_ =	swait.ge [sflag:s20], $0x4000  }
0x2d: {  	[sflag:s20] =	ssyncset.done $0x0  }
0x2e: {  	s29 =	simm.s32 $0x5000;
	[sflag:s20] =	ssyncadd.s32 $0xFFFFC000  }
0x2f: {  	[spmem:s3] =	stream.indirect.scatter.add.f32 [tilespmem:s18], [sflag:$0x3], $0x80, s29, s17, $0xb8;
	[tilespmem:$0x1BCC0] =	vst v63  }
0x30: {  	_ =	swait.ge [sflag:s12], $0x4000  }
0x31: {  	[sflag:s12] =	ssyncset.done $0x0  }
0x32: {  	s30 =	simm.s32 $0x100;
	[sflag:s12] =	ssyncadd.s32 $0xFFFFC000  }
0x33: {  	[tilespmem:s18], [sflag:$0x1] =	stream.indirect.gather [hbm4b:s1+s17], $0x80, s30, s17, $0xb8;
	[tilespmem:$0x1BCC0] =	vst v63  }
0x34: {  	_ =	swait.ge [sflag:s21], $0x4000  }
0x35: {  	[sflag:s21] =	ssyncset.done $0x0  }
0x36: {  	s31 =	simm.s32 $0x5080;
	[sflag:s21] =	ssyncadd.s32 $0xFFFFC000  }
0x37: {  	[spmem:s3] =	stream.indirect.scatter.add.f32 [tilespmem:s19], [sflag:$0x3], $0x80, s31, s17, $0xb8;
	[tilespmem:$0x1BCC0] =	vst v63  }
0x38: {  	_ =	swait.ge [sflag:s12], $0x4000  }
0x39: {  	s28 =	simm.s32 $0x800;
	s26 =	simm.s32 $0x100;
	[sflag:s12] =	ssyncset.done $0x0  }
.LBB2_2:
0x3a: {  	s29 =	sadd.s32 $0x80, s26  }
0x3b: {  	[sflag:s12] =	ssyncadd.s32 $0xFFFFC000;
	s30 =	smov.u32 s28;
	s31 =	sadd.s32 $0x400, s28  }
0x3c: {  	[tilespmem:s19], [sflag:$0x2] =	stream.indirect.gather [hbm4b:s1+s17], $0x80, s29, s17, $0xb8;
	[tilespmem:$0x1BCC0] =	vst v63  }
0x3d: {  	p1 =	sne.s32 s28, $0x13800;
	_ =	swait.ge [sflag:s20], $0x4000  }
0x3e: {  	[sflag:s20] =	ssyncset.done $0x0  }
0x3f: {  	s28 =	sadd.s32 $0x5000, s26;
	[sflag:s20] =	ssyncadd.s32 $0xFFFFC000  }
0x40: {  	[spmem:s3] =	stream.indirect.scatter.add.f32 [tilespmem:s18], [sflag:$0x3], $0x80, s28, s17, $0xb8;
	[tilespmem:$0x1BCC0] =	vst v63  }
0x41: {  	_ =	swait.ge [sflag:s12], $0x4000  }
0x42: {  	[sflag:s12] =	ssyncset.done $0x0  }
0x43: {  	s28 =	sadd.s32 $0x100, s26;
	[sflag:s12] =	ssyncadd.s32 $0xFFFFC000  }
0x44: {  	[tilespmem:s18], [sflag:$0x1] =	stream.indirect.gather [hbm4b:s1+s17], $0x80, s28, s17, $0xb8;
	[tilespmem:$0x1BCC0] =	vst v63  }
0x45: {  	_ =	swait.ge [sflag:s21], $0x4000  }
.Ltmp0:
0x46: {  	[sflag:s21] =	ssyncset.done $0x0;
	(pc) =	sbr.rel @p1 .LBB2_2-.Ltmp0, $4  }
0x47: {  	s26 =	sadd.s32 $0x5080, s26;
	[sflag:s21] =	ssyncadd.s32 $0xFFFFC000  }
0x48: {  	[spmem:s3] =	stream.indirect.scatter.add.f32 [tilespmem:s19], [sflag:$0x3], $0x80, s26, s17, $0xb8;
	[tilespmem:$0x1BCC0] =	vst v63  }
0x49: {  	_ =	swait.ge [sflag:s12], $0x4000  }
0x4a: {  	s28 =	smov.u32 s31;
	s26 =	sshra.s32 s30, $0x2;
	[sflag:s12] =	ssyncset.done $0x0  }
0x4b: {  	s28 =	sadd.s32 $0x80, s26;
	[sflag:s12] =	ssyncadd.s32 $0xFFFFC000  }
0x4c: {  	[tilespmem:s19], [sflag:$0x2] =	stream.indirect.gather [hbm4b:s1+s17], $0x80, s28, s17, $0xb8;
	[tilespmem:$0x1BCC0] =	vst v63  }
0x4d: {  	_ =	swait.ge [sflag:s20], $0x4000  }
0x4e: {  	[sflag:s20] =	ssyncset.done $0x0  }
0x4f: {  	s29 =	sadd.s32 $0x5000, s26;
	[sflag:s20] =	ssyncadd.s32 $0xFFFFC000  }
0x50: {  	[spmem:s3] =	stream.indirect.scatter.add.f32 [tilespmem:s18], [sflag:$0x3], $0x80, s29, s17, $0xb8;
	[tilespmem:$0x1BCC0] =	vst v63  }
0x51: {  	_ =	swait.ge [sflag:s12], $0x4000  }
0x52: {  	[sflag:s12] =	ssyncset.done $0x0  }
0x53: {  	s30 =	sadd.s32 $0x100, s26;
	[sflag:s12] =	ssyncadd.s32 $0xFFFFC000  }
0x54: {  	[tilespmem:s18], [sflag:$0x1] =	stream.indirect.gather [hbm4b:s1+s17], $0x80, s30, s17, $0xb8;
	[tilespmem:$0x1BCC0] =	vst v63  }
0x55: {  	_ =	swait.ge [sflag:s21], $0x4000  }
0x56: {  	[sflag:s21] =	ssyncset.done $0x0  }
0x57: {  	s31 =	sadd.s32 $0x5080, s26;
	[sflag:s21] =	ssyncadd.s32 $0xFFFFC000  }
0x58: {  	[spmem:s3] =	stream.indirect.scatter.add.f32 [tilespmem:s19], [sflag:$0x3], $0x80, s31, s17, $0xb8;
	[tilespmem:$0x1BCC0] =	vst v63  }
0x59: {  	_ =	swait.ge [sflag:s12], $0x4000  }
0x5a: {  	[sflag:s12] =	ssyncset.done $0x0  }
0x5b: {  	[sflag:s12] =	ssyncadd.s32 $0xFFFFC000  }
0x5c: {  	[tilespmem:s19], [sflag:$0x2] =	stream.indirect.gather [hbm4b:s1+s17], $0x80, s22, s17, $0xb8;
	[tilespmem:$0x1BCC0] =	vst v63  }
0x5d: {  	_ =	swait.ge [sflag:s20], $0x4000  }
0x5e: {  	[sflag:s20] =	ssyncset.done $0x0  }
0x5f: {  	[sflag:s20] =	ssyncadd.s32 $0xFFFFC000  }
0x60: {  	[spmem:s3] =	stream.indirect.scatter.add.f32 [tilespmem:s18], [sflag:$0x3], $0x80, s23, s17, $0xb8;
	[tilespmem:$0x1BCC0] =	vst v63  }
0x61: {  	_ =	swait.ge [sflag:s12], $0x4000  }
0x62: {  	[sflag:s12] =	ssyncset.done $0x0  }
0x63: {  	[sflag:s12] =	ssyncadd.s32 $0xFFFFC000  }
0x64: {  	[tilespmem:s18], [sflag:$0x1] =	stream.indirect.gather [hbm4b:s1+s17], $0x80, s22, s17, $0xb8;
	[tilespmem:$0x1BCC0] =	vst v63  }
0x65: {  	_ =	swait.ge [sflag:s21], $0x4000  }
0x66: {  	[sflag:s21] =	ssyncset.done $0x0  }
0x67: {  	[sflag:s21] =	ssyncadd.s32 $0xFFFFC000  }
0x68: {  	[spmem:s3] =	stream.indirect.scatter.add.f32 [tilespmem:s19], [sflag:$0x3], $0x80, s24, s17, $0xb8;
	[tilespmem:$0x1BCC0] =	vst v63  }
0x69: {  	_ =	swait.ge [sflag:s12], $0x4000  }
0x6a: {  	[sflag:s12] =	ssyncset.done $0x0  }
0x6b: {  	[sflag:s12] =	ssyncadd.s32 $0xFFFFC000  }
0x6c: {  	_ =	swait.ge [sflag:s20], $0x4000  }
0x6d: {  	[sflag:s20] =	ssyncset.done $0x0  }
0x6e: {  	[sflag:s20] =	ssyncadd.s32 $0xFFFFC000  }
0x6f: {  	s26 =	simm.s32 @p0 $0x1FC3;
	[bflag:$0x0] =	sbarrier.arrive $0xFFFF  }
0x70: {  	[hbm:s10], [sflag:s26] =	dma.local @p0 [spmem:s14], $0x1400  }
0x71: {  	s26 =	simm.s32 @p0 $0x3  }
0x72: {  	s25 =	sadd.s32 $0x1, s25;
	_ =	swait.ge @p0 [sflag:s26], $0x1400  }
0x73: {  	p1 =	sne.s32 s25, s11;
	[sflag:s26] =	ssyncset.done @p0 $0x0  }
.Ltmp1:
0x74: {  	[sflag:s26] =	ssyncadd.s32 @p0 $0xFFFFEC00;
	s26 =	simm.s32 @!p0 $0x3;
	(pc) =	sbr.rel @p1 .LBB2_1-.Ltmp1, $4  }
0x75: {  	[hbm:s9], [sflag:s15] =	dma.local @!p0 [spmem:s16], $0x1380  }
0x76: {  	_ =	swait.ge @!p0 [sflag:s26], $0x1380  }
0x77: {  	[sflag:s26] =	ssyncset.done @!p0 $0x0  }
0x78: {  	[sflag:s26] =	ssyncadd.s32 @!p0 $0xFFFFEC80  }
0x79: {  	_ =	sfence.sel $0x180000  }
0x7a: {  	[bflag:$0x0] =	sbarrier.arrive $0xFFFF  }
0x7b: {  	p0 =	sne.s32 s2, $0x0;
	_ =	strace $0x90000047  }
0x7c: {  	s0 =	sadd.s32 @!p0 $0x100000, s0;
	[bflag:$0x2] =	sbarrier.arrive $0xFFFF  }
0x7d: {  	[sflag:s0] =	ssyncadd.tile.s32 @!p0 $0x1;
	_ =	shalt  }
.Lfunc_end2:
_tile_overlayer_lowered:
.L_overlay_start_2:
0x7e: {  	(tag) =	ssettag $0x2  }
0x7f: {  	s0 =	rddreg [dreg:$0x0];
	s2 =	stileid.u32  }
0x80: {  	s1 =	rddreg [dreg:$0x1];
	p0 =	sne.s32 s2, $0x0  }
0x81: {  	s3 =	rddreg [dreg:$0x2];
	[bflag:$0x3] =	sbarrier.arrive $0xFFFF;
	s2 =	simm.s32 @!p0 $0x1C03  }
0x82: {  	[timem:s3], [sflag:s2] =	dma.local @!p0 [hbm:s0], s1  }
0x83: {  	s0 =	simm.s32 @!p0 $0x3  }
0x84: {  	_ =	swait.ge @!p0 [sflag:s0], s1  }
0x85: {  	s1 =	ssub.s32 @!p0 $0x0, s1;
	[sflag:s0] =	ssyncset.done @!p0 $0x0  }
0x86: {  	[sflag:s0] =	ssyncadd.s32 @!p0 s1  }
0x87: {  	[bflag:$0x3] =	sbarrier.arrive $0xFFFF  }
0x88: {  	_ =	shalt  }

// kernel: kernel.13.cloned.1.call-start
scs
__scs_entry_jumppad:
0x0: {  	(pc) =	sbr.rel $0x88, $3  }
0x1: {  	(tag) =	ssettag $0x0;
	lr =	simm.s32 $0x1  }
0x2: {  	[smem:$0x3F96] =	sst lr;
	_ =	strace $0xD0000000  }
0x3: {  	_ = 	snop  }
0x4: {  	_ = 	snop  }
0x5: {  	_ = 	snop  }
0x6: {  	_ = 	snop  }
0x7: {  	_ = 	snop  }
__scs_overlays_trampoline_lowered:
0x8: {  	[smem:$0x3FA5] =	sst s0  }
0x9: {  	[smem:$0x3FA6] =	sst s1  }
0xa: {  	[smem:$0x3FA7] =	sst s2  }
0xb: {  	[smem:$0x3FA8] =	sst s3  }
0xc: {  	[smem:$0x3FA9] =	sst s4  }
0xd: {  	[smem:$0x3FAA] =	sst s5  }
0xe: {  	[smem:$0x3FAB] =	sst s6  }
0xf: {  	[smem:$0x3FAC] =	sst s7  }
0x10: {  	[smem:$0x3FAD] =	sst s8  }
0x11: {  	[smem:$0x3FAE] =	sst s9;
	s0 =	simm.s32 @!p0 $0x0  }
0x12: {  	s1 =	sld [smem:$0x3F94];
	s0 =	simm.s32 @p0 $0x1  }
0x13: {  	[smem:$0x3FAF] =	sst s0;
	s0 =	simm.s32 @!p1 $0x0  }
0x14: {  	s2 =	sld [smem:$0x3F93];
	s0 =	simm.s32 @p1 $0x1  }
0x15: {  	[smem:$0x3FB0] =	sst s0;
	s0 =	simm.s32 @!p2 $0x0  }
0x16: {  	s3 =	sld [smem:$0x3FDB];
	s0 =	simm.s32 @p2 $0x1  }
0x17: {  	s4 =	simm.s32 $0x1BF5;
	[smem:$0x3FB2] =	sst s0  }
0x18: {  	s0 =	sld [smem:$0x3F95];
	_ =	swait.ge [sflag:s4], $0x0  }
0x19: {  	s7 =	sld [smem:$0x3F96]  }
0x1a: {  	s8 =	sadd.s32 $0xFFFFE003, lr  }
0x1b: {  	s9 =	sadd.s32 $0xFFFFFEF7, lr;
	s5 =	simm.s32 $0xFFFFFFFF;
	p2 =	slt.u32 s8, $0xFFFFF086  }
0x1c: {  	p1 =	slt.u32 s9, $0xF7A;
	s5 =	simm.s32 @!p2 $0x0  }
0x1d: {  	s5 =	simm.s32 @p1 $0x1;
	p0 =	seq.s32 s7, s2  }
0x1e: {  	s7 =	smul.u32 @!p0 $0xF7A, s2;
	p2 =	seq.s32 @!p0 s5, $0x0  }
0x1f: {  	s9 =	smul.u32 $0xF7A, s1;
	s8 =	simm.s32 @!p0 $0x1BF5;
	p2 =	por !p2, p0  }
0x20: {  	[sflag:s8] =	ssyncset.s32 @!p0 $0xFFFFF086;
	s6 =	sadd.s32 @!p0 s3, s7;
	s7 =	simm.s32 @!p0 $0x108  }
0x21: {  	s3 =	sadd.s32 s3, s9;
	s6 =	sadd.s32 @!p0 $0x88, s6;
	s7 =	simm.s32 @p2 $0x1082  }
0x22: {  	[simem:s7], [sflag:s8] =	dma.local @!p0 [hbm:s6], $0xF7A  }
0x23: {  	s9 =	sor.u32 $0xD0000000, s2;
	s6 =	simm.s32 $0x108;
	_ =	swait.ge @!p0 [sflag:s8], $0x0  }
0x24: {  	s3 =	sadd.s32 $0x88, s3;
	s6 =	simm.s32 @!p1 $0x1082;
	[sflag:s4] =	ssyncset.s32 $0xFFFFF086  }
0x25: {  	[simem:s6], [sflag:s4] =	dma.local [hbm:s3], $0xF7A  }
0x26: {  	[smem:$0x3F96] =	sst s1;
	(tag) =	ssettag s2;
	_ =	strace s9  }
0x27: {  	s1 =	sld [smem:$0x3FA6]  }
0x28: {  	s2 =	sld [smem:$0x3FA7]  }
0x29: {  	s4 =	sld [smem:$0x3FA9]  }
0x2a: {  	p0 =	seq.s32 s5, $0x0;
	s5 =	sld [smem:$0x3FAA]  }
0x2b: {  	s6 =	sld [smem:$0x3FAB]  }
0x2c: {  	s7 =	sld [smem:$0x3FAC]  }
0x2d: {  	s3 =	simm.s32 $0x108;
	s8 =	sld [smem:$0x3FAD]  }
0x2e: {  	s3 =	simm.s32 @!p0 $0x1082;
	s9 =	sld [smem:$0x3FAE]  }
0x2f: {  	lr =	sadd.s32 s0, s3;
	s0 =	sld [smem:$0x3FA5]  }
0x30: {  	s3 =	sld [smem:$0x3FA8]  }
0x31: {  	[smem:$0x3FB1] =	sst s10  }
0x32: {  	s10 =	sld [smem:$0x3FAF];
	_ =	sdelay $0x3  }
0x33: {  	p0 =	seq.s32 s10, $0x1;
	s10 =	sld [smem:$0x3FB1];
	_ =	sdelay $0x3  }
0x34: {  	[smem:$0x3FB1] =	sst s10  }
0x35: {  	s10 =	sld [smem:$0x3FB0];
	_ =	sdelay $0x3  }
0x36: {  	p1 =	seq.s32 s10, $0x1;
	s10 =	sld [smem:$0x3FB1];
	_ =	sdelay $0x3  }
0x37: {  	[smem:$0x3FB1] =	sst s10  }
0x38: {  	s10 =	sld [smem:$0x3FB2]  }
0x39: {  	_ = 	snop;
	(pc) =	sbr.ind lr, $3  }
0x3a: {  	_ = 	snop  }
0x3b: {  	_ = 	snop  }
0x3c: {  	p2 =	seq.s32 s10, $0x1;
	s10 =	sld [smem:$0x3FB1]  }
0x3d: {  	_ =	shalt  }
0x3e: {  	_ =	shalt  }
0x3f: {  	_ =	shalt  }
0x40: {  	_ =	shalt  }
0x41: {  	_ =	shalt  }
0x42: {  	_ =	shalt  }
0x43: {  	_ =	shalt  }
0x44: {  	_ =	shalt  }
0x45: {  	_ =	shalt  }
0x46: {  	_ =	shalt  }
0x47: {  	_ =	shalt  }
0x48: {  	_ =	shalt  }
0x49: {  	_ =	shalt  }
0x4a: {  	_ =	shalt  }
0x4b: {  	_ =	shalt  }
0x4c: {  	_ =	shalt  }
0x4d: {  	_ =	shalt  }
0x4e: {  	_ =	shalt  }
0x4f: {  	_ =	shalt  }
0x50: {  	_ =	shalt  }
0x51: {  	_ =	shalt  }
0x52: {  	_ =	shalt  }
0x53: {  	_ =	shalt  }
0x54: {  	_ =	shalt  }
0x55: {  	_ =	shalt  }
0x56: {  	_ =	shalt  }
0x57: {  	_ =	shalt  }
0x58: {  	_ =	shalt  }
0x59: {  	_ =	shalt  }
0x5a: {  	_ =	shalt  }
0x5b: {  	_ =	shalt  }
0x5c: {  	_ =	shalt  }
0x5d: {  	_ =	shalt  }
0x5e: {  	_ =	shalt  }
0x5f: {  	_ =	shalt  }
0x60: {  	_ =	shalt  }
0x61: {  	_ =	shalt  }
0x62: {  	_ =	shalt  }
0x63: {  	_ =	shalt  }
0x64: {  	_ =	shalt  }
0x65: {  	_ =	shalt  }
0x66: {  	_ =	shalt  }
0x67: {  	_ =	shalt  }
0x68: {  	_ =	shalt  }
0x69: {  	_ =	shalt  }
0x6a: {  	_ =	shalt  }
0x6b: {  	_ =	shalt  }
0x6c: {  	_ =	shalt  }
0x6d: {  	_ =	shalt  }
0x6e: {  	_ =	shalt  }
0x6f: {  	_ =	shalt  }
0x70: {  	_ =	shalt  }
0x71: {  	_ =	shalt  }
0x72: {  	_ =	shalt  }
0x73: {  	_ =	shalt  }
0x74: {  	_ =	shalt  }
0x75: {  	_ =	shalt  }
0x76: {  	_ =	shalt  }
0x77: {  	_ =	shalt  }
0x78: {  	_ =	shalt  }
0x79: {  	_ =	shalt  }
0x7a: {  	_ =	shalt  }
0x7b: {  	_ =	shalt  }
0x7c: {  	_ =	shalt  }
0x7d: {  	_ =	shalt  }
0x7e: {  	_ =	shalt  }
0x7f: {  	_ =	shalt  }
0x80: {  	_ =	shalt  }
0x81: {  	_ =	shalt  }
0x82: {  	_ =	shalt  }
0x83: {  	_ =	shalt  }
0x84: {  	_ =	shalt  }
0x85: {  	_ =	shalt  }
0x86: {  	_ =	shalt  }
0x87: {  	_ =	shalt  }
.Lfunc_end0:
.L_simem_size_0:
called_computation.1_lowered:
.L_overlay_start_0:
0x88: {  	s2 =	sld [smem:$0x3FD9]  }
0x89: {  	s3 =	sld [smem:$0x3FFE];
	_ =	sdelay $0x1  }
0x8a: {  	s1 =	srdreg.scid  }
0x8b: {  	s0 =	sand.u32 $0x1, s1  }
0x8c: {  	s16 =	sshll.u32 s0, $0xA;
	s2 =	sadd.s32 s3, s2  }
0x8d: {  	s2 =	sadd.s32 s2, s16  }
0x8e: {  	[smem:$0x3FBD] =	sst s2  }
0x8f: {  	_ = 	snop  }
0x90: {  	(tm) =	ssettm $0x1  }
0x91: {  	s17 =	sld [smem:$0x3FFB];
	_ =	sdelay $0x3  }
0x92: {  	_ =	strace s17  }
0x93: {  	s2 =	sld [smem:$0x3FFC];
	_ =	sdelay $0x3  }
0x94: {  	_ =	strace s2  }
0x95: {  	s2 =	sld [smem:$0x3FFD];
	_ =	sdelay $0x3  }
0x96: {  	_ =	strace s2  }
0x97: {  	_ =	strace $0x8FFFFFFF  }
0x98: {  	s18 =	sld [smem:$0x3FDB];
	_ =	sdelay $0x1  }
0x99: {  	s19 =	simm.s32 $_scs_section_size  }
0x9a: {  	s4 =	simm.s32 $_size__tile_overlayer_lowered;
	s5 =	simm.s32 $_tile_overlayer_lowered  }
0x9b: {  	s22 =	simm.s32 $0x1BFF;
	s21 =	sshll.u32 s5, $0x1;
	s2 =	sadd.s32 s19, s18  }
0x9c: {  	s6 =	simm.s32 $0x0;
	s20 =	sshll.u32 s4, $0x1;
	s4 =	sadd.s32 s21, s2  }
0x9d: {  	[timem:s6], [sflag:s22] =	dma.local [hbm:s4], s20  }
0x9e: {  	_ =	swait.ge [sflag:s22], s20  }
0x9f: {  	s3 =	ssub.s32 $0x0, s20;
	[sflag:s22] =	ssyncset.done $0x0  }
0xa0: {  	[sflag:s22] =	ssyncadd.s32 s3;
	_ =	sdelay $0x1  }
0xa1: {  	s23 =	simm.s32 $0x1B8B  }
0xa2: {  	_ =	swait.ge [sflag:s23], $0x1  }
0xa3: {  	[sflag:s23] =	ssyncset.done $0x0  }
0xa4: {  	s25 =	simm.s32 $0x1B8E;
	s24 =	sld [smem:$0x3FFE];
	[sflag:s23] =	ssyncadd.s32 $0xFFFFFFFF  }
0xa5: {  	s26 =	simm.s32 $execute0_lowered;
	[smem:$0x3FD2] =	sst s25  }
0xa6: {  	s4 =	sshll.u32 s26, $0x1;
	_ =	strace $0x80000049;
	[dreg:$0x1] =	wrdreg $0xFFFFFFFF  }
0xa7: {  	s28 =	simm.s32 $_size_execute0_lowered;
	s2 =	sadd.s32 s2, s4;
	[dreg:$0x0] =	wrdreg $0x0  }
0xa8: {  	s4 =	sshll.u32 s28, $0x1;
	[dreg:$0x2] =	wrdreg s2  }
0xa9: {  	[dreg:$0x3] =	wrdreg s4  }
0xaa: {  	[dreg:$0x4] =	wrdreg $0xC0  }
0xab: {  	_ =	task [dreg:s6], $0x5FFFF  }
0xac: {  	[dreg:$0x1] =	wrdreg $0xFFFFFFFF  }
0xad: {  	[dreg:$0x0] =	wrdreg $0x60  }
0xae: {  	[dreg:$0x2] =	wrdreg s24  }
0xaf: {  	[dreg:$0x3] =	wrdreg $0x120000  }
0xb0: {  	[dreg:$0x4] =	wrdreg $0x9  }
0xb1: {  	_ =	task.clear_ibuf [dreg:s6], $0x5FFFF;
	_ =	strace $0x90000049  }
0xb2: {  	s29 =	simm.s32 $0x9;
	_ =	strace $0x8000004B  }
0xb3: {  	_ =	swait.ge [sflag:s29], $0x1  }
0xb4: {  	[sflag:s29] =	ssyncadd.s32 $0xFFFFFFFF  }
0xb5: {  	_ =	strace $0x9000004B  }
0xb6: {  	_ =	sfence  }
0xb7: {  	s30 =	sld [smem:$0x0];
	_ =	sdelay $0x2  }
0xb8: {  	s31 =	sshll.u32 s1, $0xD;
	s1 =	sshrl.u32 s1, $0x2  }
0xb9: {  	s3 =	sand.u32 $0x4000, s31;
	s1 =	sadd.s32 s1, s30  }
0xba: {  	s0 =	sor.u32 s3, s0;
	s1 =	sshll.u32 s1, $0x11  }
0xbb: {  	s0 =	sor.u32 s1, s0  }
0xbc: {  	s0 =	sadd.s32 $0x8F2B, s0  }
0xbd: {  	[sflag:s0] =	ssyncadd.remote.s32 $0x1  }
0xbe: {  	_ =	sfence.sel $0xFFFF  }
0xbf: {  	[dreg:$0x0] =	wrdreg $0xFFFFFFFF;
	(pc) =	sbr.abs _section_cstart, $3  }
0xc0: {  	[dreg:$0x1] =	wrdreg $0xFFFFFFFF  }
0xc1: {  	_ =	task.clear_ibuf [dreg:s6], $0x2FFFF;
	_ =	strace $0x9FFFFFFF  }
0xc2: {  	(tm) =	ssettm $0x7FFFFFFF  }
0xc3: {  	_ =	shalt  }
tec
execute0_lowered:
.L_overlay_start_1:
0x0: {  	(tag) =	ssettag $0x1  }
0x1: {  	s0 =	srdreg.scid  }
0x2: {  	s19 =	stileid.u32;
	s1 =	rddreg [dreg:$0x0]  }
0x3: {  	s2 =	rddreg [dreg:$0x1];
	s3 =	simm.s32 $0x0;
	s20 =	simm.s32 $0x5000  }
0x4: {  	s21 =	simm.s32 $0x80;
	s22 =	simm.s32 $0xA000;
	s28 =	simm.s32 $0x9F00  }
0x5: {  	s29 =	simm.s32 $0x9F80;
	s30 =	simm.s32 $0x0;
	s5 =	smul.u32 $0x5000, s19  }
0x6: {  	s0 =	sand.u32 $0x1, s0;
	[smem:$0x7FF] =	sst s3;
	s9 =	smul.u32 $0x27000, s19  }
0x7: {  	s15 =	sadd.s32 $0x79A00, s1;
	s11 =	smul.u32 $0x138, s19;
	s31 =	sadd.s32 $0x92400, s2  }
0x8: {  	p0 =	seq.s32 s19, $0xF;
	s19 =	simm.s32 $0x3;
	s4 =	smul.u32 $0x50000, s0  }
0x9: {  	_ =	strace $0x8000004A;
	s7 =	smul.u32 $0x2710, s0;
	s8 =	ssub.s32 $0x2, s0  }
0xa: {  	s0 =	smul.u32 $0x138800, s0;
	[dreg:$0x7] =	wrdreg s31;
	s10 =	sshrl.u32 s8, $0x1  }
0xb: {  	s25 =	sshrl.u32 s9, $0x2;
	s6 =	sadd.s32 s5, s4;
	s4 =	sadd.s32 $0x2B800, s1  }
0xc: {  	s5 =	sshrl.u32 s5, $0x3;
	s18 =	ssub.s32 s8, s10;
	s24 =	sadd.s32 s11, s7  }
0xd: {  	s0 =	sshrl.u32 s0, $0x3;
	s7 =	sadd.s32 s25, s2;
	s25 =	simm.s32 $0x2  }
0xe: {  	s6 =	sshrl.u32 s6, $0x3;
	s5 =	sadd.s32 s5, s1;
	[dreg:$0x5] =	wrdreg s7  }
0xf: {  	s12 =	sadd.s32 $0x12480, s0;
	s0 =	sadd.s32 $0x25D00, s0;
	s18 =	smax.u32 s18, $0x1  }
0x10: {  	s6 =	sadd.s32 s6, s1;
	s1 =	sadd.s32 $0xC7C00, s1;
	s23 =	sadd.s32 $0x17800, s5  }
0x11: {  	s10 =	sadd.s32 s15, s12;
	s13 =	sadd.s32 $0x21800, s5;
	s6 =	sadd.s32 $0x3800, s6  }
0x12: {  	[dreg:$0x4] =	wrdreg s23;
	s12 =	sadd.s32 s1, s12;
	s17 =	sadd.s32 s1, s0  }
0x13: {  	s23 =	simm.s32 $0xE000;
	[dreg:$0x3] =	wrdreg s6;
	s6 =	sshll.u32 s24, $0x4  }
0x14: {  	s26 =	sadd.s32 s15, s6;
	s11 =	sadd.s32 s1, s6;
	s6 =	sadd.s32 $0x13880, s6  }
0x15: {  	s24 =	simm.s32 $0x1;
	[dreg:$0x6] =	wrdreg s26;
	s14 =	sadd.s32 s15, s6  }
0x16: {  	s15 =	sadd.s32 s15, s0;
	s16 =	sadd.s32 s1, s6;
	s26 =	simm.s32 $0x4F80  }
.LBB2_1:
0x17: {  	s0 =	rddreg [dreg:$0x3]  }
0x18: {  	[tilespmem:s3], [sflag:$0x3] =	stream.linear.gather [hbm4b:s0+s3], $0x5000, $0x38;
	[tilespmem:$0x1BCC0] =	vst v63  }
0x19: {  	_ =	swait.ge [sflag:s19], $0x5000  }
0x1a: {  	[sflag:s19] =	ssyncset.done $0x0  }
0x1b: {  	s5 =	rddreg [dreg:$0x4];
	[sflag:s19] =	ssyncadd.s32 $0xFFFFB000  }
0x1c: {  	[tilespmem:s20], [sflag:$0x3] =	stream.linear.gather [hbm4b:s5+s3], $0x5000, $0x38;
	[tilespmem:$0x1BCC0] =	vst v63  }
0x1d: {  	_ =	swait.ge [sflag:s19], $0x5000  }
0x1e: {  	[sflag:s19] =	ssyncset.done $0x0;
	s0 =	rddreg [dreg:$0x7]  }
0x1f: {  	[sflag:s19] =	ssyncadd.s32 $0xFFFFB000;
	s31 =	sshrl.u32 @p0 s0, $0x3;
	s0 =	simm.s32 @p0 $0x1FC3  }
0x20: {  	[spmem:s31], [sflag:s0] =	dma.local @p0 [hbm:s10], $0x1400  }
0x21: {  	s0 =	simm.s32 @p0 $0x3  }
0x22: {  	_ =	swait.ge @p0 [sflag:s0], $0x1400  }
0x23: {  	s1 =	stileid.u32;
	[sflag:s0] =	ssyncset.done @p0 $0x0  }
0x24: {  	s1 =	sshll.u32 @!p0 s1, $0x6;
	[sflag:s0] =	ssyncadd.s32 @p0 $0xFFFFEC00;
	s0 =	rddreg [dreg:$0x5]  }
0x25: {  	s1 =	sor.u32 @!p0 $0x1C03, s1;
	s5 =	rddreg [dreg:$0x6];
	s0 =	sshrl.u32 @!p0 s0, $0x3  }
0x26: {  	[spmem:s0], [sflag:s1] =	dma.local @!p0 [hbm:s5], $0x1380  }
0x27: {  	s5 =	simm.s32 @!p0 $0x3  }
0x28: {  	_ =	swait.ge @!p0 [sflag:s5], $0x1380  }
0x29: {  	[sflag:s5] =	ssyncset.done @!p0 $0x0  }
0x2a: {  	[sflag:s5] =	ssyncadd.s32 @!p0 $0xFFFFEC80  }
0x2b: {  	[bflag:$0x0] =	sbarrier.arrive $0xFFFF  }
0x2c: {  	[tilespmem:s22], [sflag:$0x1] =	stream.indirect.gather [hbm4b:s4+s21], $0x80, s3, s21, $0xb8;
	[tilespmem:$0x1BCC0] =	vst v63  }
0x2d: {  	s6 =	simm.s32 $0x80  }
0x2e: {  	[tilespmem:s23], [sflag:$0x2] =	stream.indirect.gather [hbm4b:s4+s21], $0x80, s6, s21, $0xb8;
	[tilespmem:$0x1BCC0] =	vst v63  }
0x2f: {  	_ =	swait.ge [sflag:s24], $0x4000  }
0x30: {  	[sflag:s24] =	ssyncset.done $0x0  }
0x31: {  	s7 =	simm.s32 $0x5000;
	[sflag:s24] =	ssyncadd.s32 $0xFFFFC000  }
0x32: {  	[spmem:s2] =	stream.indirect.scatter.add.f32 [tilespmem:s22], [sflag:$0x3], $0x80, s7, s21, $0xb8;
	[tilespmem:$0x1BCC0] =	vst v63  }
0x33: {  	_ =	swait.ge [sflag:s19], $0x4000  }
0x34: {  	[sflag:s19] =	ssyncset.done $0x0  }
0x35: {  	s8 =	simm.s32 $0x100;
	[sflag:s19] =	ssyncadd.s32 $0xFFFFC000  }
0x36: {  	[tilespmem:s22], [sflag:$0x1] =	stream.indirect.gather [hbm4b:s4+s21], $0x80, s8, s21, $0xb8;
	[tilespmem:$0x1BCC0] =	vst v63  }
0x37: {  	_ =	swait.ge [sflag:s25], $0x4000  }
0x38: {  	[sflag:s25] =	ssyncset.done $0x0  }
0x39: {  	s9 =	simm.s32 $0x5080;
	[sflag:s25] =	ssyncadd.s32 $0xFFFFC000  }
0x3a: {  	[spmem:s2] =	stream.indirect.scatter.add.f32 [tilespmem:s23], [sflag:$0x3], $0x80, s9, s21, $0xb8;
	[tilespmem:$0x1BCC0] =	vst v63  }
0x3b: {  	_ =	swait.ge [sflag:s19], $0x4000  }
0x3c: {  	s5 =	simm.s32 $0x100;
	s6 =	simm.s32 $0x800;
	[sflag:s19] =	ssyncset.done $0x0  }
.LBB2_2:
0x3d: {  	s7 =	sadd.s32 $0x80, s5  }
0x3e: {  	[sflag:s19] =	ssyncadd.s32 $0xFFFFC000;
	s8 =	smov.u32 s6;
	s9 =	sadd.s32 $0x400, s6  }
0x3f: {  	[tilespmem:s23], [sflag:$0x2] =	stream.indirect.gather [hbm4b:s4+s21], $0x80, s7, s21, $0xb8;
	[tilespmem:$0x1BCC0] =	vst v63  }
0x40: {  	p1 =	sne.s32 s6, $0x13800;
	_ =	swait.ge [sflag:s24], $0x4000  }
0x41: {  	[sflag:s24] =	ssyncset.done $0x0  }
0x42: {  	s6 =	sadd.s32 $0x5000, s5;
	[sflag:s24] =	ssyncadd.s32 $0xFFFFC000  }
0x43: {  	[spmem:s2] =	stream.indirect.scatter.add.f32 [tilespmem:s22], [sflag:$0x3], $0x80, s6, s21, $0xb8;
	[tilespmem:$0x1BCC0] =	vst v63  }
0x44: {  	_ =	swait.ge [sflag:s19], $0x4000  }
0x45: {  	[sflag:s19] =	ssyncset.done $0x0  }
0x46: {  	s6 =	sadd.s32 $0x100, s5;
	[sflag:s19] =	ssyncadd.s32 $0xFFFFC000  }
0x47: {  	[tilespmem:s22], [sflag:$0x1] =	stream.indirect.gather [hbm4b:s4+s21], $0x80, s6, s21, $0xb8;
	[tilespmem:$0x1BCC0] =	vst v63  }
0x48: {  	_ =	swait.ge [sflag:s25], $0x4000  }
.Ltmp0:
0x49: {  	[sflag:s25] =	ssyncset.done $0x0;
	(pc) =	sbr.rel @p1 .LBB2_2-.Ltmp0, $4  }
0x4a: {  	s5 =	sadd.s32 $0x5080, s5;
	[sflag:s25] =	ssyncadd.s32 $0xFFFFC000  }
0x4b: {  	[spmem:s2] =	stream.indirect.scatter.add.f32 [tilespmem:s23], [sflag:$0x3], $0x80, s5, s21, $0xb8;
	[tilespmem:$0x1BCC0] =	vst v63  }
0x4c: {  	_ =	swait.ge [sflag:s19], $0x4000  }
0x4d: {  	s6 =	smov.u32 s9;
	s5 =	sshra.s32 s8, $0x2;
	[sflag:s19] =	ssyncset.done $0x0  }
0x4e: {  	s6 =	sadd.s32 $0x80, s5;
	[sflag:s19] =	ssyncadd.s32 $0xFFFFC000  }
0x4f: {  	[tilespmem:s23], [sflag:$0x2] =	stream.indirect.gather [hbm4b:s4+s21], $0x80, s6, s21, $0xb8;
	[tilespmem:$0x1BCC0] =	vst v63  }
0x50: {  	_ =	swait.ge [sflag:s24], $0x4000  }
0x51: {  	[sflag:s24] =	ssyncset.done $0x0  }
0x52: {  	s9 =	sadd.s32 $0x5000, s5;
	[sflag:s24] =	ssyncadd.s32 $0xFFFFC000  }
0x53: {  	[spmem:s2] =	stream.indirect.scatter.add.f32 [tilespmem:s22], [sflag:$0x3], $0x80, s9, s21, $0xb8;
	[tilespmem:$0x1BCC0] =	vst v63  }
0x54: {  	_ =	swait.ge [sflag:s19], $0x4000  }
0x55: {  	[sflag:s19] =	ssyncset.done $0x0  }
0x56: {  	s7 =	sadd.s32 $0x100, s5;
	[sflag:s19] =	ssyncadd.s32 $0xFFFFC000  }
0x57: {  	[tilespmem:s22], [sflag:$0x1] =	stream.indirect.gather [hbm4b:s4+s21], $0x80, s7, s21, $0xb8;
	[tilespmem:$0x1BCC0] =	vst v63  }
0x58: {  	_ =	swait.ge [sflag:s25], $0x4000  }
0x59: {  	[sflag:s25] =	ssyncset.done $0x0  }
0x5a: {  	s8 =	sadd.s32 $0x5080, s5;
	[sflag:s25] =	ssyncadd.s32 $0xFFFFC000  }
0x5b: {  	[spmem:s2] =	stream.indirect.scatter.add.f32 [tilespmem:s23], [sflag:$0x3], $0x80, s8, s21, $0xb8;
	[tilespmem:$0x1BCC0] =	vst v63  }
0x5c: {  	_ =	swait.ge [sflag:s19], $0x4000  }
0x5d: {  	[sflag:s19] =	ssyncset.done $0x0  }
0x5e: {  	[sflag:s19] =	ssyncadd.s32 $0xFFFFC000  }
0x5f: {  	[tilespmem:s23], [sflag:$0x2] =	stream.indirect.gather [hbm4b:s4+s21], $0x80, s26, s21, $0xb8;
	[tilespmem:$0x1BCC0] =	vst v63  }
0x60: {  	_ =	swait.ge [sflag:s24], $0x4000  }
0x61: {  	[sflag:s24] =	ssyncset.done $0x0  }
0x62: {  	[sflag:s24] =	ssyncadd.s32 $0xFFFFC000  }
0x63: {  	[spmem:s2] =	stream.indirect.scatter.add.f32 [tilespmem:s22], [sflag:$0x3], $0x80, s28, s21, $0xb8;
	[tilespmem:$0x1BCC0] =	vst v63  }
0x64: {  	_ =	swait.ge [sflag:s19], $0x4000  }
0x65: {  	[sflag:s19] =	ssyncset.done $0x0  }
0x66: {  	[sflag:s19] =	ssyncadd.s32 $0xFFFFC000  }
0x67: {  	[tilespmem:s22], [sflag:$0x1] =	stream.indirect.gather [hbm4b:s4+s21], $0x80, s26, s21, $0xb8;
	[tilespmem:$0x1BCC0] =	vst v63  }
0x68: {  	_ =	swait.ge [sflag:s25], $0x4000  }
0x69: {  	[sflag:s25] =	ssyncset.done $0x0  }
0x6a: {  	[sflag:s25] =	ssyncadd.s32 $0xFFFFC000  }
0x6b: {  	[spmem:s2] =	stream.indirect.scatter.add.f32 [tilespmem:s23], [sflag:$0x3], $0x80, s29, s21, $0xb8;
	[tilespmem:$0x1BCC0] =	vst v63  }
0x6c: {  	_ =	swait.ge [sflag:s19], $0x4000  }
0x6d: {  	[sflag:s19] =	ssyncset.done $0x0  }
0x6e: {  	[sflag:s19] =	ssyncadd.s32 $0xFFFFC000  }
0x6f: {  	_ =	swait.ge [sflag:s24], $0x4000  }
0x70: {  	[sflag:s24] =	ssyncset.done $0x0  }
0x71: {  	[sflag:s24] =	ssyncadd.s32 $0xFFFFC000  }
0x72: {  	s5 =	simm.s32 @p0 $0x1FC3;
	s6 =	simm.s32 @p0 $0x3;
	[bflag:$0x0] =	sbarrier.arrive $0xFFFF  }
0x73: {  	[hbm:s12], [sflag:s5] =	dma.local @p0 [spmem:s31], $0x1400  }
0x74: {  	_ =	swait.ge @p0 [sflag:s6], $0x1400  }
0x75: {  	[sflag:s6] =	ssyncset.done @p0 $0x0  }
0x76: {  	s7 =	simm.s32 @!p0 $0x3;
	[sflag:s6] =	ssyncadd.s32 @p0 $0xFFFFEC00  }
0x77: {  	[hbm:s11], [sflag:s1] =	dma.local @!p0 [spmem:s0], $0x1380  }
0x78: {  	_ =	swait.ge @!p0 [sflag:s7], $0x1380  }
0x79: {  	[sflag:s7] =	ssyncset.done @!p0 $0x0  }
0x7a: {  	[sflag:s7] =	ssyncadd.s32 @!p0 $0xFFFFEC80  }
0x7b: {  	[tilespmem:s20], [sflag:$0x3] =	stream.linear.gather [hbm4b:s13+s3], $0x5000, $0x38;
	[tilespmem:$0x1BCC0] =	vst v63  }
0x7c: {  	_ =	swait.ge [sflag:s19], $0x5000  }
0x7d: {  	[sflag:s19] =	ssyncset.done $0x0  }
0x7e: {  	[sflag:s19] =	ssyncadd.s32 $0xFFFFB000  }
0x7f: {  	[spmem:s31], [sflag:s5] =	dma.local @p0 [hbm:s15], $0x1400  }
0x80: {  	_ =	swait.ge @p0 [sflag:s6], $0x1400  }
0x81: {  	[sflag:s6] =	ssyncset.done @p0 $0x0  }
0x82: {  	[sflag:s6] =	ssyncadd.s32 @p0 $0xFFFFEC00  }
0x83: {  	[spmem:s0], [sflag:s1] =	dma.local @!p0 [hbm:s14], $0x1380  }
0x84: {  	_ =	swait.ge @!p0 [sflag:s7], $0x1380  }
0x85: {  	[sflag:s7] =	ssyncset.done @!p0 $0x0  }
0x86: {  	[sflag:s7] =	ssyncadd.s32 @!p0 $0xFFFFEC80  }
0x87: {  	s9 =	simm.s32 $0x0;
	[bflag:$0x0] =	sbarrier.arrive $0xFFFF  }
0x88: {  	[tilespmem:s22], [sflag:$0x1] =	stream.indirect.gather [hbm4b:s4+s21], $0x80, s9, s21, $0xb8;
	[tilespmem:$0x1BCC0] =	vst v63  }
0x89: {  	s6 =	simm.s32 $0x80  }
0x8a: {  	[tilespmem:s23], [sflag:$0x2] =	stream.indirect.gather [hbm4b:s4+s21], $0x80, s6, s21, $0xb8;
	[tilespmem:$0x1BCC0] =	vst v63  }
0x8b: {  	_ =	swait.ge [sflag:s24], $0x4000  }
0x8c: {  	[sflag:s24] =	ssyncset.done $0x0  }
0x8d: {  	s7 =	simm.s32 $0x5000;
	[sflag:s24] =	ssyncadd.s32 $0xFFFFC000  }
0x8e: {  	[spmem:s2] =	stream.indirect.scatter.add.f32 [tilespmem:s22], [sflag:$0x3], $0x80, s7, s21, $0xb8;
	[tilespmem:$0x1BCC0] =	vst v63  }
0x8f: {  	_ =	swait.ge [sflag:s19], $0x4000  }
0x90: {  	[sflag:s19] =	ssyncset.done $0x0  }
0x91: {  	s8 =	simm.s32 $0x100;
	[sflag:s19] =	ssyncadd.s32 $0xFFFFC000  }
0x92: {  	[tilespmem:s22], [sflag:$0x1] =	stream.indirect.gather [hbm4b:s4+s21], $0x80, s8, s21, $0xb8;
	[tilespmem:$0x1BCC0] =	vst v63  }
0x93: {  	_ =	swait.ge [sflag:s25], $0x4000  }
0x94: {  	[sflag:s25] =	ssyncset.done $0x0  }
0x95: {  	s9 =	simm.s32 $0x5080;
	[sflag:s25] =	ssyncadd.s32 $0xFFFFC000  }
0x96: {  	[spmem:s2] =	stream.indirect.scatter.add.f32 [tilespmem:s23], [sflag:$0x3], $0x80, s9, s21, $0xb8;
	[tilespmem:$0x1BCC0] =	vst v63  }
0x97: {  	_ =	swait.ge [sflag:s19], $0x4000  }
0x98: {  	s5 =	simm.s32 $0x100;
	s6 =	simm.s32 $0x800;
	[sflag:s19] =	ssyncset.done $0x0  }
.LBB2_4:
0x99: {  	s7 =	sadd.s32 $0x80, s5  }
0x9a: {  	[sflag:s19] =	ssyncadd.s32 $0xFFFFC000;
	s8 =	smov.u32 s6;
	s9 =	sadd.s32 $0x400, s6  }
0x9b: {  	[tilespmem:s23], [sflag:$0x2] =	stream.indirect.gather [hbm4b:s4+s21], $0x80, s7, s21, $0xb8;
	[tilespmem:$0x1BCC0] =	vst v63  }
0x9c: {  	p1 =	sne.s32 s6, $0x13800;
	_ =	swait.ge [sflag:s24], $0x4000  }
0x9d: {  	[sflag:s24] =	ssyncset.done $0x0  }
0x9e: {  	s6 =	sadd.s32 $0x5000, s5;
	[sflag:s24] =	ssyncadd.s32 $0xFFFFC000  }
0x9f: {  	[spmem:s2] =	stream.indirect.scatter.add.f32 [tilespmem:s22], [sflag:$0x3], $0x80, s6, s21, $0xb8;
	[tilespmem:$0x1BCC0] =	vst v63  }
0xa0: {  	_ =	swait.ge [sflag:s19], $0x4000  }
0xa1: {  	[sflag:s19] =	ssyncset.done $0x0  }
0xa2: {  	s6 =	sadd.s32 $0x100, s5;
	[sflag:s19] =	ssyncadd.s32 $0xFFFFC000  }
0xa3: {  	[tilespmem:s22], [sflag:$0x1] =	stream.indirect.gather [hbm4b:s4+s21], $0x80, s6, s21, $0xb8;
	[tilespmem:$0x1BCC0] =	vst v63  }
0xa4: {  	_ =	swait.ge [sflag:s25], $0x4000  }
.Ltmp1:
0xa5: {  	[sflag:s25] =	ssyncset.done $0x0;
	(pc) =	sbr.rel @p1 .LBB2_4-.Ltmp1, $4  }
0xa6: {  	s5 =	sadd.s32 $0x5080, s5;
	[sflag:s25] =	ssyncadd.s32 $0xFFFFC000  }
0xa7: {  	[spmem:s2] =	stream.indirect.scatter.add.f32 [tilespmem:s23], [sflag:$0x3], $0x80, s5, s21, $0xb8;
	[tilespmem:$0x1BCC0] =	vst v63  }
0xa8: {  	_ =	swait.ge [sflag:s19], $0x4000  }
0xa9: {  	s6 =	smov.u32 s9;
	s5 =	sshra.s32 s8, $0x2;
	[sflag:s19] =	ssyncset.done $0x0  }
0xaa: {  	s6 =	sadd.s32 $0x80, s5;
	[sflag:s19] =	ssyncadd.s32 $0xFFFFC000  }
0xab: {  	[tilespmem:s23], [sflag:$0x2] =	stream.indirect.gather [hbm4b:s4+s21], $0x80, s6, s21, $0xb8;
	[tilespmem:$0x1BCC0] =	vst v63  }
0xac: {  	_ =	swait.ge [sflag:s24], $0x4000  }
0xad: {  	[sflag:s24] =	ssyncset.done $0x0  }
0xae: {  	s7 =	sadd.s32 $0x5000, s5;
	[sflag:s24] =	ssyncadd.s32 $0xFFFFC000  }
0xaf: {  	[spmem:s2] =	stream.indirect.scatter.add.f32 [tilespmem:s22], [sflag:$0x3], $0x80, s7, s21, $0xb8;
	[tilespmem:$0x1BCC0] =	vst v63  }
0xb0: {  	_ =	swait.ge [sflag:s19], $0x4000  }
0xb1: {  	[sflag:s19] =	ssyncset.done $0x0  }
0xb2: {  	s8 =	sadd.s32 $0x100, s5;
	[sflag:s19] =	ssyncadd.s32 $0xFFFFC000  }
0xb3: {  	[tilespmem:s22], [sflag:$0x1] =	stream.indirect.gather [hbm4b:s4+s21], $0x80, s8, s21, $0xb8;
	[tilespmem:$0x1BCC0] =	vst v63  }
0xb4: {  	_ =	swait.ge [sflag:s25], $0x4000  }
0xb5: {  	[sflag:s25] =	ssyncset.done $0x0  }
0xb6: {  	s9 =	sadd.s32 $0x5080, s5;
	[sflag:s25] =	ssyncadd.s32 $0xFFFFC000  }
0xb7: {  	[spmem:s2] =	stream.indirect.scatter.add.f32 [tilespmem:s23], [sflag:$0x3], $0x80, s9, s21, $0xb8;
	[tilespmem:$0x1BCC0] =	vst v63  }
0xb8: {  	_ =	swait.ge [sflag:s19], $0x4000  }
0xb9: {  	[sflag:s19] =	ssyncset.done $0x0  }
0xba: {  	[sflag:s19] =	ssyncadd.s32 $0xFFFFC000  }
0xbb: {  	[tilespmem:s23], [sflag:$0x2] =	stream.indirect.gather [hbm4b:s4+s21], $0x80, s26, s21, $0xb8;
	[tilespmem:$0x1BCC0] =	vst v63  }
0xbc: {  	_ =	swait.ge [sflag:s24], $0x4000  }
0xbd: {  	[sflag:s24] =	ssyncset.done $0x0  }
0xbe: {  	[sflag:s24] =	ssyncadd.s32 $0xFFFFC000  }
0xbf: {  	[spmem:s2] =	stream.indirect.scatter.add.f32 [tilespmem:s22], [sflag:$0x3], $0x80, s28, s21, $0xb8;
	[tilespmem:$0x1BCC0] =	vst v63  }
0xc0: {  	_ =	swait.ge [sflag:s19], $0x4000  }
0xc1: {  	[sflag:s19] =	ssyncset.done $0x0  }
0xc2: {  	[sflag:s19] =	ssyncadd.s32 $0xFFFFC000  }
0xc3: {  	[tilespmem:s22], [sflag:$0x1] =	stream.indirect.gather [hbm4b:s4+s21], $0x80, s26, s21, $0xb8;
	[tilespmem:$0x1BCC0] =	vst v63  }
0xc4: {  	_ =	swait.ge [sflag:s25], $0x4000  }
0xc5: {  	[sflag:s25] =	ssyncset.done $0x0  }
0xc6: {  	[sflag:s25] =	ssyncadd.s32 $0xFFFFC000  }
0xc7: {  	[spmem:s2] =	stream.indirect.scatter.add.f32 [tilespmem:s23], [sflag:$0x3], $0x80, s29, s21, $0xb8;
	[tilespmem:$0x1BCC0] =	vst v63  }
0xc8: {  	_ =	swait.ge [sflag:s19], $0x4000  }
0xc9: {  	[sflag:s19] =	ssyncset.done $0x0  }
0xca: {  	[sflag:s19] =	ssyncadd.s32 $0xFFFFC000  }
0xcb: {  	_ =	swait.ge [sflag:s24], $0x4000  }
0xcc: {  	[sflag:s24] =	ssyncset.done $0x0  }
0xcd: {  	[sflag:s24] =	ssyncadd.s32 $0xFFFFC000  }
0xce: {  	s5 =	simm.s32 @p0 $0x1FC3;
	[bflag:$0x0] =	sbarrier.arrive $0xFFFF  }
0xcf: {  	[hbm:s17], [sflag:s5] =	dma.local @p0 [spmem:s31], $0x1400  }
0xd0: {  	s5 =	simm.s32 @p0 $0x3  }
0xd1: {  	_ =	swait.ge @p0 [sflag:s5], $0x1400  }
0xd2: {  	s30 =	sadd.s32 $0x1, s30;
	[sflag:s5] =	ssyncset.done @p0 $0x0  }
0xd3: {  	p1 =	sne.s32 s30, s18;
	[sflag:s5] =	ssyncadd.s32 @p0 $0xFFFFEC00  }
0xd4: {  	[hbm:s16], [sflag:s1] =	dma.local @!p0 [spmem:s0], $0x1380  }
.Ltmp2:
0xd5: {  	_ = 	snop;
	(pc) =	sbr.rel @p1 .LBB2_1-.Ltmp2, $4  }
0xd6: {  	s0 =	simm.s32 @!p0 $0x3  }
0xd7: {  	_ =	swait.ge @!p0 [sflag:s0], $0x1380  }
0xd8: {  	[sflag:s0] =	ssyncset.done @!p0 $0x0  }
0xd9: {  	[sflag:s0] =	ssyncadd.s32 @!p0 $0xFFFFEC80  }
0xda: {  	_ =	sfence.sel $0x180000  }
0xdb: {  	[bflag:$0x0] =	sbarrier.arrive $0xFFFF  }
0xdc: {  	_ =	strace $0x9000004A  }
0xdd: {  	s0 =	stileid.u32;
	[bflag:$0x2] =	sbarrier.arrive $0xFFFF  }
0xde: {  	p0 =	sne.s32 s0, $0x0;
	s0 =	rddreg [dreg:$0x2]  }
0xdf: {  	s0 =	sadd.s32 @!p0 $0x100000, s0  }
0xe0: {  	[sflag:s0] =	ssyncadd.tile.s32 @!p0 $0x1;
	_ =	shalt  }
.Lfunc_end2:
_tile_overlayer_lowered:
.L_overlay_start_2:
0xe1: {  	(tag) =	ssettag $0x2  }
0xe2: {  	s0 =	rddreg [dreg:$0x0];
	s2 =	stileid.u32  }
0xe3: {  	s1 =	rddreg [dreg:$0x1];
	p0 =	sne.s32 s2, $0x0  }
0xe4: {  	s3 =	rddreg [dreg:$0x2];
	[bflag:$0x3] =	sbarrier.arrive $0xFFFF;
	s2 =	simm.s32 @!p0 $0x1C03  }
0xe5: {  	[timem:s3], [sflag:s2] =	dma.local @!p0 [hbm:s0], s1  }
0xe6: {  	s0 =	simm.s32 @!p0 $0x3  }
0xe7: {  	_ =	swait.ge @!p0 [sflag:s0], s1  }
0xe8: {  	s1 =	ssub.s32 @!p0 $0x0, s1;
	[sflag:s0] =	ssyncset.done @!p0 $0x0  }
0xe9: {  	[sflag:s0] =	ssyncadd.s32 @!p0 s1  }
0xea: {  	[bflag:$0x3] =	sbarrier.arrive $0xFFFF  }
0xeb: {  	_ =	shalt  }

// kernel: kernel.16.cloned.1.call-start
scs
__scs_entry_jumppad:
0x0: {  	(pc) =	sbr.rel $0x88, $3  }
0x1: {  	(tag) =	ssettag $0x0;
	lr =	simm.s32 $0x1  }
0x2: {  	[smem:$0x3F96] =	sst lr;
	_ =	strace $0xD0000000  }
0x3: {  	_ = 	snop  }
0x4: {  	_ = 	snop  }
0x5: {  	_ = 	snop  }
0x6: {  	_ = 	snop  }
0x7: {  	_ = 	snop  }
__scs_overlays_trampoline_lowered:
0x8: {  	[smem:$0x3FA5] =	sst s0  }
0x9: {  	[smem:$0x3FA6] =	sst s1  }
0xa: {  	[smem:$0x3FA7] =	sst s2  }
0xb: {  	[smem:$0x3FA8] =	sst s3  }
0xc: {  	[smem:$0x3FA9] =	sst s4  }
0xd: {  	[smem:$0x3FAA] =	sst s5  }
0xe: {  	[smem:$0x3FAB] =	sst s6  }
0xf: {  	[smem:$0x3FAC] =	sst s7  }
0x10: {  	[smem:$0x3FAD] =	sst s8  }
0x11: {  	[smem:$0x3FAE] =	sst s9;
	s0 =	simm.s32 @!p0 $0x0  }
0x12: {  	s1 =	sld [smem:$0x3F94];
	s0 =	simm.s32 @p0 $0x1  }
0x13: {  	[smem:$0x3FAF] =	sst s0;
	s0 =	simm.s32 @!p1 $0x0  }
0x14: {  	s2 =	sld [smem:$0x3F93];
	s0 =	simm.s32 @p1 $0x1  }
0x15: {  	[smem:$0x3FB0] =	sst s0;
	s0 =	simm.s32 @!p2 $0x0  }
0x16: {  	s3 =	sld [smem:$0x3FDB];
	s0 =	simm.s32 @p2 $0x1  }
0x17: {  	s4 =	simm.s32 $0x1BF5;
	[smem:$0x3FB2] =	sst s0  }
0x18: {  	s0 =	sld [smem:$0x3F95];
	_ =	swait.ge [sflag:s4], $0x0  }
0x19: {  	s7 =	sld [smem:$0x3F96]  }
0x1a: {  	s8 =	sadd.s32 $0xFFFFE003, lr  }
0x1b: {  	s9 =	sadd.s32 $0xFFFFFEF7, lr;
	s5 =	simm.s32 $0xFFFFFFFF;
	p2 =	slt.u32 s8, $0xFFFFF086  }
0x1c: {  	p1 =	slt.u32 s9, $0xF7A;
	s5 =	simm.s32 @!p2 $0x0  }
0x1d: {  	s5 =	simm.s32 @p1 $0x1;
	p0 =	seq.s32 s7, s2  }
0x1e: {  	s7 =	smul.u32 @!p0 $0xF7A, s2;
	p2 =	seq.s32 @!p0 s5, $0x0  }
0x1f: {  	s9 =	smul.u32 $0xF7A, s1;
	s8 =	simm.s32 @!p0 $0x1BF5;
	p2 =	por !p2, p0  }
0x20: {  	[sflag:s8] =	ssyncset.s32 @!p0 $0xFFFFF086;
	s6 =	sadd.s32 @!p0 s3, s7;
	s7 =	simm.s32 @!p0 $0x108  }
0x21: {  	s3 =	sadd.s32 s3, s9;
	s6 =	sadd.s32 @!p0 $0x88, s6;
	s7 =	simm.s32 @p2 $0x1082  }
0x22: {  	[simem:s7], [sflag:s8] =	dma.local @!p0 [hbm:s6], $0xF7A  }
0x23: {  	s9 =	sor.u32 $0xD0000000, s2;
	s6 =	simm.s32 $0x108;
	_ =	swait.ge @!p0 [sflag:s8], $0x0  }
0x24: {  	s3 =	sadd.s32 $0x88, s3;
	s6 =	simm.s32 @!p1 $0x1082;
	[sflag:s4] =	ssyncset.s32 $0xFFFFF086  }
0x25: {  	[simem:s6], [sflag:s4] =	dma.local [hbm:s3], $0xF7A  }
0x26: {  	[smem:$0x3F96] =	sst s1;
	(tag) =	ssettag s2;
	_ =	strace s9  }
0x27: {  	s1 =	sld [smem:$0x3FA6]  }
0x28: {  	s2 =	sld [smem:$0x3FA7]  }
0x29: {  	s4 =	sld [smem:$0x3FA9]  }
0x2a: {  	p0 =	seq.s32 s5, $0x0;
	s5 =	sld [smem:$0x3FAA]  }
0x2b: {  	s6 =	sld [smem:$0x3FAB]  }
0x2c: {  	s7 =	sld [smem:$0x3FAC]  }
0x2d: {  	s3 =	simm.s32 $0x108;
	s8 =	sld [smem:$0x3FAD]  }
0x2e: {  	s3 =	simm.s32 @!p0 $0x1082;
	s9 =	sld [smem:$0x3FAE]  }
0x2f: {  	lr =	sadd.s32 s0, s3;
	s0 =	sld [smem:$0x3FA5]  }
0x30: {  	s3 =	sld [smem:$0x3FA8]  }
0x31: {  	[smem:$0x3FB1] =	sst s10  }
0x32: {  	s10 =	sld [smem:$0x3FAF];
	_ =	sdelay $0x3  }
0x33: {  	p0 =	seq.s32 s10, $0x1;
	s10 =	sld [smem:$0x3FB1];
	_ =	sdelay $0x3  }
0x34: {  	[smem:$0x3FB1] =	sst s10  }
0x35: {  	s10 =	sld [smem:$0x3FB0];
	_ =	sdelay $0x3  }
0x36: {  	p1 =	seq.s32 s10, $0x1;
	s10 =	sld [smem:$0x3FB1];
	_ =	sdelay $0x3  }
0x37: {  	[smem:$0x3FB1] =	sst s10  }
0x38: {  	s10 =	sld [smem:$0x3FB2]  }
0x39: {  	_ = 	snop;
	(pc) =	sbr.ind lr, $3  }
0x3a: {  	_ = 	snop  }
0x3b: {  	_ = 	snop  }
0x3c: {  	p2 =	seq.s32 s10, $0x1;
	s10 =	sld [smem:$0x3FB1]  }
0x3d: {  	_ =	shalt  }
0x3e: {  	_ =	shalt  }
0x3f: {  	_ =	shalt  }
0x40: {  	_ =	shalt  }
0x41: {  	_ =	shalt  }
0x42: {  	_ =	shalt  }
0x43: {  	_ =	shalt  }
0x44: {  	_ =	shalt  }
0x45: {  	_ =	shalt  }
0x46: {  	_ =	shalt  }
0x47: {  	_ =	shalt  }
0x48: {  	_ =	shalt  }
0x49: {  	_ =	shalt  }
0x4a: {  	_ =	shalt  }
0x4b: {  	_ =	shalt  }
0x4c: {  	_ =	shalt  }
0x4d: {  	_ =	shalt  }
0x4e: {  	_ =	shalt  }
0x4f: {  	_ =	shalt  }
0x50: {  	_ =	shalt  }
0x51: {  	_ =	shalt  }
0x52: {  	_ =	shalt  }
0x53: {  	_ =	shalt  }
0x54: {  	_ =	shalt  }
0x55: {  	_ =	shalt  }
0x56: {  	_ =	shalt  }
0x57: {  	_ =	shalt  }
0x58: {  	_ =	shalt  }
0x59: {  	_ =	shalt  }
0x5a: {  	_ =	shalt  }
0x5b: {  	_ =	shalt  }
0x5c: {  	_ =	shalt  }
0x5d: {  	_ =	shalt  }
0x5e: {  	_ =	shalt  }
0x5f: {  	_ =	shalt  }
0x60: {  	_ =	shalt  }
0x61: {  	_ =	shalt  }
0x62: {  	_ =	shalt  }
0x63: {  	_ =	shalt  }
0x64: {  	_ =	shalt  }
0x65: {  	_ =	shalt  }
0x66: {  	_ =	shalt  }
0x67: {  	_ =	shalt  }
0x68: {  	_ =	shalt  }
0x69: {  	_ =	shalt  }
0x6a: {  	_ =	shalt  }
0x6b: {  	_ =	shalt  }
0x6c: {  	_ =	shalt  }
0x6d: {  	_ =	shalt  }
0x6e: {  	_ =	shalt  }
0x6f: {  	_ =	shalt  }
0x70: {  	_ =	shalt  }
0x71: {  	_ =	shalt  }
0x72: {  	_ =	shalt  }
0x73: {  	_ =	shalt  }
0x74: {  	_ =	shalt  }
0x75: {  	_ =	shalt  }
0x76: {  	_ =	shalt  }
0x77: {  	_ =	shalt  }
0x78: {  	_ =	shalt  }
0x79: {  	_ =	shalt  }
0x7a: {  	_ =	shalt  }
0x7b: {  	_ =	shalt  }
0x7c: {  	_ =	shalt  }
0x7d: {  	_ =	shalt  }
0x7e: {  	_ =	shalt  }
0x7f: {  	_ =	shalt  }
0x80: {  	_ =	shalt  }
0x81: {  	_ =	shalt  }
0x82: {  	_ =	shalt  }
0x83: {  	_ =	shalt  }
0x84: {  	_ =	shalt  }
0x85: {  	_ =	shalt  }
0x86: {  	_ =	shalt  }
0x87: {  	_ =	shalt  }
.Lfunc_end0:
.L_simem_size_0:
called_computation.2_lowered:
.L_overlay_start_0:
0x88: {  	s2 =	sld [smem:$0x3FD9]  }
0x89: {  	s3 =	sld [smem:$0x3FFE];
	_ =	sdelay $0x1  }
0x8a: {  	s1 =	srdreg.scid  }
0x8b: {  	s0 =	sand.u32 $0x1, s1  }
0x8c: {  	s16 =	sshll.u32 s0, $0xA;
	s2 =	sadd.s32 s3, s2  }
0x8d: {  	s2 =	sadd.s32 s2, s16  }
0x8e: {  	[smem:$0x3FBD] =	sst s2  }
0x8f: {  	_ = 	snop  }
0x90: {  	(tm) =	ssettm $0x1  }
0x91: {  	s17 =	sld [smem:$0x3FFB];
	_ =	sdelay $0x3  }
0x92: {  	_ =	strace s17  }
0x93: {  	s2 =	sld [smem:$0x3FFC];
	_ =	sdelay $0x3  }
0x94: {  	_ =	strace s2  }
0x95: {  	s2 =	sld [smem:$0x3FFD];
	_ =	sdelay $0x3  }
0x96: {  	_ =	strace s2  }
0x97: {  	_ =	strace $0x8FFFFFFF  }
0x98: {  	s18 =	sld [smem:$0x3FDB];
	_ =	sdelay $0x1  }
0x99: {  	s19 =	simm.s32 $_scs_section_size  }
0x9a: {  	s4 =	simm.s32 $_size__tile_overlayer_lowered;
	s5 =	simm.s32 $_tile_overlayer_lowered  }
0x9b: {  	s22 =	simm.s32 $0x1BFF;
	s21 =	sshll.u32 s5, $0x1;
	s2 =	sadd.s32 s19, s18  }
0x9c: {  	s6 =	simm.s32 $0x0;
	s20 =	sshll.u32 s4, $0x1;
	s4 =	sadd.s32 s21, s2  }
0x9d: {  	[timem:s6], [sflag:s22] =	dma.local [hbm:s4], s20  }
0x9e: {  	_ =	swait.ge [sflag:s22], s20  }
0x9f: {  	s3 =	ssub.s32 $0x0, s20;
	[sflag:s22] =	ssyncset.done $0x0  }
0xa0: {  	[sflag:s22] =	ssyncadd.s32 s3;
	_ =	sdelay $0x1  }
0xa1: {  	s23 =	simm.s32 $0x1B8B  }
0xa2: {  	_ =	swait.ge [sflag:s23], $0x1  }
0xa3: {  	[sflag:s23] =	ssyncset.done $0x0  }
0xa4: {  	s25 =	simm.s32 $0x1B8E;
	s24 =	sld [smem:$0x3FFE];
	[sflag:s23] =	ssyncadd.s32 $0xFFFFFFFF  }
0xa5: {  	s26 =	simm.s32 $execute0_lowered;
	[smem:$0x3FD2] =	sst s25  }
0xa6: {  	s4 =	sshll.u32 s26, $0x1;
	_ =	strace $0x8000004C;
	[dreg:$0x1] =	wrdreg $0xFFFFFFFF  }
0xa7: {  	s28 =	simm.s32 $_size_execute0_lowered;
	s2 =	sadd.s32 s2, s4;
	[dreg:$0x0] =	wrdreg $0x0  }
0xa8: {  	s4 =	sshll.u32 s28, $0x1;
	[dreg:$0x2] =	wrdreg s2  }
0xa9: {  	[dreg:$0x3] =	wrdreg s4  }
0xaa: {  	[dreg:$0x4] =	wrdreg $0xC0  }
0xab: {  	_ =	task [dreg:s6], $0x5FFFF  }
0xac: {  	[dreg:$0x1] =	wrdreg $0xFFFFFFFF  }
0xad: {  	[dreg:$0x0] =	wrdreg $0x60  }
0xae: {  	[dreg:$0x2] =	wrdreg s24  }
0xaf: {  	[dreg:$0x3] =	wrdreg $0x120000  }
0xb0: {  	[dreg:$0x4] =	wrdreg $0x9  }
0xb1: {  	_ =	task.clear_ibuf [dreg:s6], $0x5FFFF;
	_ =	strace $0x9000004C  }
0xb2: {  	s29 =	simm.s32 $0x9;
	_ =	strace $0x8000004E  }
0xb3: {  	_ =	swait.ge [sflag:s29], $0x1  }
0xb4: {  	[sflag:s29] =	ssyncadd.s32 $0xFFFFFFFF  }
0xb5: {  	_ =	strace $0x9000004E  }
0xb6: {  	_ =	sfence  }
0xb7: {  	s30 =	sld [smem:$0x0];
	_ =	sdelay $0x2  }
0xb8: {  	s31 =	sshll.u32 s1, $0xD;
	s1 =	sshrl.u32 s1, $0x2  }
0xb9: {  	s3 =	sand.u32 $0x4000, s31;
	s1 =	sadd.s32 s1, s30  }
0xba: {  	s0 =	sor.u32 s3, s0;
	s1 =	sshll.u32 s1, $0x11  }
0xbb: {  	s0 =	sor.u32 s1, s0  }
0xbc: {  	s0 =	sadd.s32 $0x8F2B, s0  }
0xbd: {  	[sflag:s0] =	ssyncadd.remote.s32 $0x1  }
0xbe: {  	_ =	sfence.sel $0xFFFF  }
0xbf: {  	[dreg:$0x0] =	wrdreg $0xFFFFFFFF;
	(pc) =	sbr.abs _section_cstart, $3  }
0xc0: {  	[dreg:$0x1] =	wrdreg $0xFFFFFFFF  }
0xc1: {  	_ =	task.clear_ibuf [dreg:s6], $0x2FFFF;
	_ =	strace $0x9FFFFFFF  }
0xc2: {  	(tm) =	ssettm $0x7FFFFFFF  }
0xc3: {  	_ =	shalt  }
tec
execute0_lowered:
.L_overlay_start_1:
0x0: {  	(tag) =	ssettag $0x1  }
0x1: {  	s0 =	srdreg.scid  }
0x2: {  	s19 =	stileid.u32;
	s1 =	rddreg [dreg:$0x0]  }
0x3: {  	s2 =	rddreg [dreg:$0x1];
	s3 =	simm.s32 $0x0;
	s20 =	simm.s32 $0x5000  }
0x4: {  	s21 =	simm.s32 $0x80;
	s22 =	simm.s32 $0xA000;
	s28 =	simm.s32 $0x9F00  }
0x5: {  	s29 =	simm.s32 $0x9F80;
	s30 =	simm.s32 $0x0;
	s5 =	smul.u32 $0x5000, s19  }
0x6: {  	s0 =	sand.u32 $0x1, s0;
	[smem:$0x7FF] =	sst s3;
	s9 =	smul.u32 $0x27000, s19  }
0x7: {  	s15 =	sadd.s32 $0x79A00, s1;
	s11 =	smul.u32 $0x138, s19;
	s31 =	sadd.s32 $0x92400, s2  }
0x8: {  	p0 =	seq.s32 s19, $0xF;
	s19 =	simm.s32 $0x3;
	s4 =	smul.u32 $0x50000, s0  }
0x9: {  	_ =	strace $0x8000004D;
	s7 =	smul.u32 $0x2710, s0;
	s8 =	ssub.s32 $0x2, s0  }
0xa: {  	s0 =	smul.u32 $0x138800, s0;
	[dreg:$0x7] =	wrdreg s31;
	s10 =	sshrl.u32 s8, $0x1  }
0xb: {  	s25 =	sshrl.u32 s9, $0x2;
	s6 =	sadd.s32 s5, s4;
	s4 =	sadd.s32 $0x2B800, s1  }
0xc: {  	s5 =	sshrl.u32 s5, $0x3;
	s18 =	ssub.s32 s8, s10;
	s24 =	sadd.s32 s11, s7  }
0xd: {  	s0 =	sshrl.u32 s0, $0x3;
	s7 =	sadd.s32 s25, s2;
	s25 =	simm.s32 $0x2  }
0xe: {  	s6 =	sshrl.u32 s6, $0x3;
	s5 =	sadd.s32 s5, s1;
	[dreg:$0x5] =	wrdreg s7  }
0xf: {  	s12 =	sadd.s32 $0x12480, s0;
	s0 =	sadd.s32 $0x25D00, s0;
	s18 =	smax.u32 s18, $0x1  }
0x10: {  	s6 =	sadd.s32 s6, s1;
	s1 =	sadd.s32 $0xC7C00, s1;
	s23 =	sadd.s32 $0x17800, s5  }
0x11: {  	s10 =	sadd.s32 s15, s12;
	s13 =	sadd.s32 $0x21800, s5;
	s6 =	sadd.s32 $0x3800, s6  }
0x12: {  	[dreg:$0x4] =	wrdreg s23;
	s12 =	sadd.s32 s1, s12;
	s17 =	sadd.s32 s1, s0  }
0x13: {  	s23 =	simm.s32 $0xE000;
	[dreg:$0x3] =	wrdreg s6;
	s6 =	sshll.u32 s24, $0x4  }
0x14: {  	s26 =	sadd.s32 s15, s6;
	s11 =	sadd.s32 s1, s6;
	s6 =	sadd.s32 $0x13880, s6  }
0x15: {  	s24 =	simm.s32 $0x1;
	[dreg:$0x6] =	wrdreg s26;
	s14 =	sadd.s32 s15, s6  }
0x16: {  	s15 =	sadd.s32 s15, s0;
	s16 =	sadd.s32 s1, s6;
	s26 =	simm.s32 $0x4F80  }
.LBB2_1:
0x17: {  	s0 =	rddreg [dreg:$0x3]  }
0x18: {  	[tilespmem:s3], [sflag:$0x3] =	stream.linear.gather [hbm4b:s0+s3], $0x5000, $0x38;
	[tilespmem:$0x1BCC0] =	vst v63  }
0x19: {  	_ =	swait.ge [sflag:s19], $0x5000  }
0x1a: {  	[sflag:s19] =	ssyncset.done $0x0  }
0x1b: {  	s5 =	rddreg [dreg:$0x4];
	[sflag:s19] =	ssyncadd.s32 $0xFFFFB000  }
0x1c: {  	[tilespmem:s20], [sflag:$0x3] =	stream.linear.gather [hbm4b:s5+s3], $0x5000, $0x38;
	[tilespmem:$0x1BCC0] =	vst v63  }
0x1d: {  	_ =	swait.ge [sflag:s19], $0x5000  }
0x1e: {  	[sflag:s19] =	ssyncset.done $0x0;
	s0 =	rddreg [dreg:$0x7]  }
0x1f: {  	[sflag:s19] =	ssyncadd.s32 $0xFFFFB000;
	s31 =	sshrl.u32 @p0 s0, $0x3;
	s0 =	simm.s32 @p0 $0x1FC3  }
0x20: {  	[spmem:s31], [sflag:s0] =	dma.local @p0 [hbm:s10], $0x1400  }
0x21: {  	s0 =	simm.s32 @p0 $0x3  }
0x22: {  	_ =	swait.ge @p0 [sflag:s0], $0x1400  }
0x23: {  	s1 =	stileid.u32;
	[sflag:s0] =	ssyncset.done @p0 $0x0  }
0x24: {  	s1 =	sshll.u32 @!p0 s1, $0x6;
	[sflag:s0] =	ssyncadd.s32 @p0 $0xFFFFEC00;
	s0 =	rddreg [dreg:$0x5]  }
0x25: {  	s1 =	sor.u32 @!p0 $0x1C03, s1;
	s5 =	rddreg [dreg:$0x6];
	s0 =	sshrl.u32 @!p0 s0, $0x3  }
0x26: {  	[spmem:s0], [sflag:s1] =	dma.local @!p0 [hbm:s5], $0x1380  }
0x27: {  	s5 =	simm.s32 @!p0 $0x3  }
0x28: {  	_ =	swait.ge @!p0 [sflag:s5], $0x1380  }
0x29: {  	[sflag:s5] =	ssyncset.done @!p0 $0x0  }
0x2a: {  	[sflag:s5] =	ssyncadd.s32 @!p0 $0xFFFFEC80  }
0x2b: {  	[bflag:$0x0] =	sbarrier.arrive $0xFFFF  }
0x2c: {  	[tilespmem:s22], [sflag:$0x1] =	stream.indirect.gather [hbm4b:s4+s21], $0x80, s3, s21, $0xb8;
	[tilespmem:$0x1BCC0] =	vst v63  }
0x2d: {  	s6 =	simm.s32 $0x80  }
0x2e: {  	[tilespmem:s23], [sflag:$0x2] =	stream.indirect.gather [hbm4b:s4+s21], $0x80, s6, s21, $0xb8;
	[tilespmem:$0x1BCC0] =	vst v63  }
0x2f: {  	_ =	swait.ge [sflag:s24], $0x4000  }
0x30: {  	[sflag:s24] =	ssyncset.done $0x0  }
0x31: {  	s7 =	simm.s32 $0x5000;
	[sflag:s24] =	ssyncadd.s32 $0xFFFFC000  }
0x32: {  	[spmem:s2] =	stream.indirect.scatter.add.f32 [tilespmem:s22], [sflag:$0x3], $0x80, s7, s21, $0xb8;
	[tilespmem:$0x1BCC0] =	vst v63  }
0x33: {  	_ =	swait.ge [sflag:s19], $0x4000  }
0x34: {  	[sflag:s19] =	ssyncset.done $0x0  }
0x35: {  	s8 =	simm.s32 $0x100;
	[sflag:s19] =	ssyncadd.s32 $0xFFFFC000  }
0x36: {  	[tilespmem:s22], [sflag:$0x1] =	stream.indirect.gather [hbm4b:s4+s21], $0x80, s8, s21, $0xb8;
	[tilespmem:$0x1BCC0] =	vst v63  }
0x37: {  	_ =	swait.ge [sflag:s25], $0x4000  }
0x38: {  	[sflag:s25] =	ssyncset.done $0x0  }
0x39: {  	s9 =	simm.s32 $0x5080;
	[sflag:s25] =	ssyncadd.s32 $0xFFFFC000  }
0x3a: {  	[spmem:s2] =	stream.indirect.scatter.add.f32 [tilespmem:s23], [sflag:$0x3], $0x80, s9, s21, $0xb8;
	[tilespmem:$0x1BCC0] =	vst v63  }
0x3b: {  	_ =	swait.ge [sflag:s19], $0x4000  }
0x3c: {  	s5 =	simm.s32 $0x100;
	s6 =	simm.s32 $0x800;
	[sflag:s19] =	ssyncset.done $0x0  }
.LBB2_2:
0x3d: {  	s7 =	sadd.s32 $0x80, s5  }
0x3e: {  	[sflag:s19] =	ssyncadd.s32 $0xFFFFC000;
	s8 =	smov.u32 s6;
	s9 =	sadd.s32 $0x400, s6  }
0x3f: {  	[tilespmem:s23], [sflag:$0x2] =	stream.indirect.gather [hbm4b:s4+s21], $0x80, s7, s21, $0xb8;
	[tilespmem:$0x1BCC0] =	vst v63  }
0x40: {  	p1 =	sne.s32 s6, $0x13800;
	_ =	swait.ge [sflag:s24], $0x4000  }
0x41: {  	[sflag:s24] =	ssyncset.done $0x0  }
0x42: {  	s6 =	sadd.s32 $0x5000, s5;
	[sflag:s24] =	ssyncadd.s32 $0xFFFFC000  }
0x43: {  	[spmem:s2] =	stream.indirect.scatter.add.f32 [tilespmem:s22], [sflag:$0x3], $0x80, s6, s21, $0xb8;
	[tilespmem:$0x1BCC0] =	vst v63  }
0x44: {  	_ =	swait.ge [sflag:s19], $0x4000  }
0x45: {  	[sflag:s19] =	ssyncset.done $0x0  }
0x46: {  	s6 =	sadd.s32 $0x100, s5;
	[sflag:s19] =	ssyncadd.s32 $0xFFFFC000  }
0x47: {  	[tilespmem:s22], [sflag:$0x1] =	stream.indirect.gather [hbm4b:s4+s21], $0x80, s6, s21, $0xb8;
	[tilespmem:$0x1BCC0] =	vst v63  }
0x48: {  	_ =	swait.ge [sflag:s25], $0x4000  }
.Ltmp0:
0x49: {  	[sflag:s25] =	ssyncset.done $0x0;
	(pc) =	sbr.rel @p1 .LBB2_2-.Ltmp0, $4  }
0x4a: {  	s5 =	sadd.s32 $0x5080, s5;
	[sflag:s25] =	ssyncadd.s32 $0xFFFFC000  }
0x4b: {  	[spmem:s2] =	stream.indirect.scatter.add.f32 [tilespmem:s23], [sflag:$0x3], $0x80, s5, s21, $0xb8;
	[tilespmem:$0x1BCC0] =	vst v63  }
0x4c: {  	_ =	swait.ge [sflag:s19], $0x4000  }
0x4d: {  	s6 =	smov.u32 s9;
	s5 =	sshra.s32 s8, $0x2;
	[sflag:s19] =	ssyncset.done $0x0  }
0x4e: {  	s6 =	sadd.s32 $0x80, s5;
	[sflag:s19] =	ssyncadd.s32 $0xFFFFC000  }
0x4f: {  	[tilespmem:s23], [sflag:$0x2] =	stream.indirect.gather [hbm4b:s4+s21], $0x80, s6, s21, $0xb8;
	[tilespmem:$0x1BCC0] =	vst v63  }
0x50: {  	_ =	swait.ge [sflag:s24], $0x4000  }
0x51: {  	[sflag:s24] =	ssyncset.done $0x0  }
0x52: {  	s9 =	sadd.s32 $0x5000, s5;
	[sflag:s24] =	ssyncadd.s32 $0xFFFFC000  }
0x53: {  	[spmem:s2] =	stream.indirect.scatter.add.f32 [tilespmem:s22], [sflag:$0x3], $0x80, s9, s21, $0xb8;
	[tilespmem:$0x1BCC0] =	vst v63  }
0x54: {  	_ =	swait.ge [sflag:s19], $0x4000  }
0x55: {  	[sflag:s19] =	ssyncset.done $0x0  }
0x56: {  	s7 =	sadd.s32 $0x100, s5;
	[sflag:s19] =	ssyncadd.s32 $0xFFFFC000  }
0x57: {  	[tilespmem:s22], [sflag:$0x1] =	stream.indirect.gather [hbm4b:s4+s21], $0x80, s7, s21, $0xb8;
	[tilespmem:$0x1BCC0] =	vst v63  }
0x58: {  	_ =	swait.ge [sflag:s25], $0x4000  }
0x59: {  	[sflag:s25] =	ssyncset.done $0x0  }
0x5a: {  	s8 =	sadd.s32 $0x5080, s5;
	[sflag:s25] =	ssyncadd.s32 $0xFFFFC000  }
0x5b: {  	[spmem:s2] =	stream.indirect.scatter.add.f32 [tilespmem:s23], [sflag:$0x3], $0x80, s8, s21, $0xb8;
	[tilespmem:$0x1BCC0] =	vst v63  }
0x5c: {  	_ =	swait.ge [sflag:s19], $0x4000  }
0x5d: {  	[sflag:s19] =	ssyncset.done $0x0  }
0x5e: {  	[sflag:s19] =	ssyncadd.s32 $0xFFFFC000  }
0x5f: {  	[tilespmem:s23], [sflag:$0x2] =	stream.indirect.gather [hbm4b:s4+s21], $0x80, s26, s21, $0xb8;
	[tilespmem:$0x1BCC0] =	vst v63  }
0x60: {  	_ =	swait.ge [sflag:s24], $0x4000  }
0x61: {  	[sflag:s24] =	ssyncset.done $0x0  }
0x62: {  	[sflag:s24] =	ssyncadd.s32 $0xFFFFC000  }
0x63: {  	[spmem:s2] =	stream.indirect.scatter.add.f32 [tilespmem:s22], [sflag:$0x3], $0x80, s28, s21, $0xb8;
	[tilespmem:$0x1BCC0] =	vst v63  }
0x64: {  	_ =	swait.ge [sflag:s19], $0x4000  }
0x65: {  	[sflag:s19] =	ssyncset.done $0x0  }
0x66: {  	[sflag:s19] =	ssyncadd.s32 $0xFFFFC000  }
0x67: {  	[tilespmem:s22], [sflag:$0x1] =	stream.indirect.gather [hbm4b:s4+s21], $0x80, s26, s21, $0xb8;
	[tilespmem:$0x1BCC0] =	vst v63  }
0x68: {  	_ =	swait.ge [sflag:s25], $0x4000  }
0x69: {  	[sflag:s25] =	ssyncset.done $0x0  }
0x6a: {  	[sflag:s25] =	ssyncadd.s32 $0xFFFFC000  }
0x6b: {  	[spmem:s2] =	stream.indirect.scatter.add.f32 [tilespmem:s23], [sflag:$0x3], $0x80, s29, s21, $0xb8;
	[tilespmem:$0x1BCC0] =	vst v63  }
0x6c: {  	_ =	swait.ge [sflag:s19], $0x4000  }
0x6d: {  	[sflag:s19] =	ssyncset.done $0x0  }
0x6e: {  	[sflag:s19] =	ssyncadd.s32 $0xFFFFC000  }
0x6f: {  	_ =	swait.ge [sflag:s24], $0x4000  }
0x70: {  	[sflag:s24] =	ssyncset.done $0x0  }
0x71: {  	[sflag:s24] =	ssyncadd.s32 $0xFFFFC000  }
0x72: {  	s5 =	simm.s32 @p0 $0x1FC3;
	s6 =	simm.s32 @p0 $0x3;
	[bflag:$0x0] =	sbarrier.arrive $0xFFFF  }
0x73: {  	[hbm:s12], [sflag:s5] =	dma.local @p0 [spmem:s31], $0x1400  }
0x74: {  	_ =	swait.ge @p0 [sflag:s6], $0x1400  }
0x75: {  	[sflag:s6] =	ssyncset.done @p0 $0x0  }
0x76: {  	s7 =	simm.s32 @!p0 $0x3;
	[sflag:s6] =	ssyncadd.s32 @p0 $0xFFFFEC00  }
0x77: {  	[hbm:s11], [sflag:s1] =	dma.local @!p0 [spmem:s0], $0x1380  }
0x78: {  	_ =	swait.ge @!p0 [sflag:s7], $0x1380  }
0x79: {  	[sflag:s7] =	ssyncset.done @!p0 $0x0  }
0x7a: {  	[sflag:s7] =	ssyncadd.s32 @!p0 $0xFFFFEC80  }
0x7b: {  	[tilespmem:s20], [sflag:$0x3] =	stream.linear.gather [hbm4b:s13+s3], $0x5000, $0x38;
	[tilespmem:$0x1BCC0] =	vst v63  }
0x7c: {  	_ =	swait.ge [sflag:s19], $0x5000  }
0x7d: {  	[sflag:s19] =	ssyncset.done $0x0  }
0x7e: {  	[sflag:s19] =	ssyncadd.s32 $0xFFFFB000  }
0x7f: {  	[spmem:s31], [sflag:s5] =	dma.local @p0 [hbm:s15], $0x1400  }
0x80: {  	_ =	swait.ge @p0 [sflag:s6], $0x1400  }
0x81: {  	[sflag:s6] =	ssyncset.done @p0 $0x0  }
0x82: {  	[sflag:s6] =	ssyncadd.s32 @p0 $0xFFFFEC00  }
0x83: {  	[spmem:s0], [sflag:s1] =	dma.local @!p0 [hbm:s14], $0x1380  }
0x84: {  	_ =	swait.ge @!p0 [sflag:s7], $0x1380  }
0x85: {  	[sflag:s7] =	ssyncset.done @!p0 $0x0  }
0x86: {  	[sflag:s7] =	ssyncadd.s32 @!p0 $0xFFFFEC80  }
0x87: {  	s9 =	simm.s32 $0x0;
	[bflag:$0x0] =	sbarrier.arrive $0xFFFF  }
0x88: {  	[tilespmem:s22], [sflag:$0x1] =	stream.indirect.gather [hbm4b:s4+s21], $0x80, s9, s21, $0xb8;
	[tilespmem:$0x1BCC0] =	vst v63  }
0x89: {  	s6 =	simm.s32 $0x80  }
0x8a: {  	[tilespmem:s23], [sflag:$0x2] =	stream.indirect.gather [hbm4b:s4+s21], $0x80, s6, s21, $0xb8;
	[tilespmem:$0x1BCC0] =	vst v63  }
0x8b: {  	_ =	swait.ge [sflag:s24], $0x4000  }
0x8c: {  	[sflag:s24] =	ssyncset.done $0x0  }
0x8d: {  	s7 =	simm.s32 $0x5000;
	[sflag:s24] =	ssyncadd.s32 $0xFFFFC000  }
0x8e: {  	[spmem:s2] =	stream.indirect.scatter.add.f32 [tilespmem:s22], [sflag:$0x3], $0x80, s7, s21, $0xb8;
	[tilespmem:$0x1BCC0] =	vst v63  }
0x8f: {  	_ =	swait.ge [sflag:s19], $0x4000  }
0x90: {  	[sflag:s19] =	ssyncset.done $0x0  }
0x91: {  	s8 =	simm.s32 $0x100;
	[sflag:s19] =	ssyncadd.s32 $0xFFFFC000  }
0x92: {  	[tilespmem:s22], [sflag:$0x1] =	stream.indirect.gather [hbm4b:s4+s21], $0x80, s8, s21, $0xb8;
	[tilespmem:$0x1BCC0] =	vst v63  }
0x93: {  	_ =	swait.ge [sflag:s25], $0x4000  }
0x94: {  	[sflag:s25] =	ssyncset.done $0x0  }
0x95: {  	s9 =	simm.s32 $0x5080;
	[sflag:s25] =	ssyncadd.s32 $0xFFFFC000  }
0x96: {  	[spmem:s2] =	stream.indirect.scatter.add.f32 [tilespmem:s23], [sflag:$0x3], $0x80, s9, s21, $0xb8;
	[tilespmem:$0x1BCC0] =	vst v63  }
0x97: {  	_ =	swait.ge [sflag:s19], $0x4000  }
0x98: {  	s5 =	simm.s32 $0x100;
	s6 =	simm.s32 $0x800;
	[sflag:s19] =	ssyncset.done $0x0  }
.LBB2_4:
0x99: {  	s7 =	sadd.s32 $0x80, s5  }
0x9a: {  	[sflag:s19] =	ssyncadd.s32 $0xFFFFC000;
	s8 =	smov.u32 s6;
	s9 =	sadd.s32 $0x400, s6  }
0x9b: {  	[tilespmem:s23], [sflag:$0x2] =	stream.indirect.gather [hbm4b:s4+s21], $0x80, s7, s21, $0xb8;
	[tilespmem:$0x1BCC0] =	vst v63  }
0x9c: {  	p1 =	sne.s32 s6, $0x13800;
	_ =	swait.ge [sflag:s24], $0x4000  }
0x9d: {  	[sflag:s24] =	ssyncset.done $0x0  }
0x9e: {  	s6 =	sadd.s32 $0x5000, s5;
	[sflag:s24] =	ssyncadd.s32 $0xFFFFC000  }
0x9f: {  	[spmem:s2] =	stream.indirect.scatter.add.f32 [tilespmem:s22], [sflag:$0x3], $0x80, s6, s21, $0xb8;
	[tilespmem:$0x1BCC0] =	vst v63  }
0xa0: {  	_ =	swait.ge [sflag:s19], $0x4000  }
0xa1: {  	[sflag:s19] =	ssyncset.done $0x0  }
0xa2: {  	s6 =	sadd.s32 $0x100, s5;
	[sflag:s19] =	ssyncadd.s32 $0xFFFFC000  }
0xa3: {  	[tilespmem:s22], [sflag:$0x1] =	stream.indirect.gather [hbm4b:s4+s21], $0x80, s6, s21, $0xb8;
	[tilespmem:$0x1BCC0] =	vst v63  }
0xa4: {  	_ =	swait.ge [sflag:s25], $0x4000  }
.Ltmp1:
0xa5: {  	[sflag:s25] =	ssyncset.done $0x0;
	(pc) =	sbr.rel @p1 .LBB2_4-.Ltmp1, $4  }
0xa6: {  	s5 =	sadd.s32 $0x5080, s5;
	[sflag:s25] =	ssyncadd.s32 $0xFFFFC000  }
0xa7: {  	[spmem:s2] =	stream.indirect.scatter.add.f32 [tilespmem:s23], [sflag:$0x3], $0x80, s5, s21, $0xb8;
	[tilespmem:$0x1BCC0] =	vst v63  }
0xa8: {  	_ =	swait.ge [sflag:s19], $0x4000  }
0xa9: {  	s6 =	smov.u32 s9;
	s5 =	sshra.s32 s8, $0x2;
	[sflag:s19] =	ssyncset.done $0x0  }
0xaa: {  	s6 =	sadd.s32 $0x80, s5;
	[sflag:s19] =	ssyncadd.s32 $0xFFFFC000  }
0xab: {  	[tilespmem:s23], [sflag:$0x2] =	stream.indirect.gather [hbm4b:s4+s21], $0x80, s6, s21, $0xb8;
	[tilespmem:$0x1BCC0] =	vst v63  }
0xac: {  	_ =	swait.ge [sflag:s24], $0x4000  }
0xad: {  	[sflag:s24] =	ssyncset.done $0x0  }
0xae: {  	s7 =	sadd.s32 $0x5000, s5;
	[sflag:s24] =	ssyncadd.s32 $0xFFFFC000  }
0xaf: {  	[spmem:s2] =	stream.indirect.scatter.add.f32 [tilespmem:s22], [sflag:$0x3], $0x80, s7, s21, $0xb8;
	[tilespmem:$0x1BCC0] =	vst v63  }
0xb0: {  	_ =	swait.ge [sflag:s19], $0x4000  }
0xb1: {  	[sflag:s19] =	ssyncset.done $0x0  }
0xb2: {  	s8 =	sadd.s32 $0x100, s5;
	[sflag:s19] =	ssyncadd.s32 $0xFFFFC000  }
0xb3: {  	[tilespmem:s22], [sflag:$0x1] =	stream.indirect.gather [hbm4b:s4+s21], $0x80, s8, s21, $0xb8;
	[tilespmem:$0x1BCC0] =	vst v63  }
0xb4: {  	_ =	swait.ge [sflag:s25], $0x4000  }
0xb5: {  	[sflag:s25] =	ssyncset.done $0x0  }
0xb6: {  	s9 =	sadd.s32 $0x5080, s5;
	[sflag:s25] =	ssyncadd.s32 $0xFFFFC000  }
0xb7: {  	[spmem:s2] =	stream.indirect.scatter.add.f32 [tilespmem:s23], [sflag:$0x3], $0x80, s9, s21, $0xb8;
	[tilespmem:$0x1BCC0] =	vst v63  }
0xb8: {  	_ =	swait.ge [sflag:s19], $0x4000  }
0xb9: {  	[sflag:s19] =	ssyncset.done $0x0  }
0xba: {  	[sflag:s19] =	ssyncadd.s32 $0xFFFFC000  }
0xbb: {  	[tilespmem:s23], [sflag:$0x2] =	stream.indirect.gather [hbm4b:s4+s21], $0x80, s26, s21, $0xb8;
	[tilespmem:$0x1BCC0] =	vst v63  }
0xbc: {  	_ =	swait.ge [sflag:s24], $0x4000  }
0xbd: {  	[sflag:s24] =	ssyncset.done $0x0  }
0xbe: {  	[sflag:s24] =	ssyncadd.s32 $0xFFFFC000  }
0xbf: {  	[spmem:s2] =	stream.indirect.scatter.add.f32 [tilespmem:s22], [sflag:$0x3], $0x80, s28, s21, $0xb8;
	[tilespmem:$0x1BCC0] =	vst v63  }
0xc0: {  	_ =	swait.ge [sflag:s19], $0x4000  }
0xc1: {  	[sflag:s19] =	ssyncset.done $0x0  }
0xc2: {  	[sflag:s19] =	ssyncadd.s32 $0xFFFFC000  }
0xc3: {  	[tilespmem:s22], [sflag:$0x1] =	stream.indirect.gather [hbm4b:s4+s21], $0x80, s26, s21, $0xb8;
	[tilespmem:$0x1BCC0] =	vst v63  }
0xc4: {  	_ =	swait.ge [sflag:s25], $0x4000  }
0xc5: {  	[sflag:s25] =	ssyncset.done $0x0  }
0xc6: {  	[sflag:s25] =	ssyncadd.s32 $0xFFFFC000  }
0xc7: {  	[spmem:s2] =	stream.indirect.scatter.add.f32 [tilespmem:s23], [sflag:$0x3], $0x80, s29, s21, $0xb8;
	[tilespmem:$0x1BCC0] =	vst v63  }
0xc8: {  	_ =	swait.ge [sflag:s19], $0x4000  }
0xc9: {  	[sflag:s19] =	ssyncset.done $0x0  }
0xca: {  	[sflag:s19] =	ssyncadd.s32 $0xFFFFC000  }
0xcb: {  	_ =	swait.ge [sflag:s24], $0x4000  }
0xcc: {  	[sflag:s24] =	ssyncset.done $0x0  }
0xcd: {  	[sflag:s24] =	ssyncadd.s32 $0xFFFFC000  }
0xce: {  	s5 =	simm.s32 @p0 $0x1FC3;
	[bflag:$0x0] =	sbarrier.arrive $0xFFFF  }
0xcf: {  	[hbm:s17], [sflag:s5] =	dma.local @p0 [spmem:s31], $0x1400  }
0xd0: {  	s5 =	simm.s32 @p0 $0x3  }
0xd1: {  	_ =	swait.ge @p0 [sflag:s5], $0x1400  }
0xd2: {  	s30 =	sadd.s32 $0x1, s30;
	[sflag:s5] =	ssyncset.done @p0 $0x0  }
0xd3: {  	p1 =	sne.s32 s30, s18;
	[sflag:s5] =	ssyncadd.s32 @p0 $0xFFFFEC00  }
0xd4: {  	[hbm:s16], [sflag:s1] =	dma.local @!p0 [spmem:s0], $0x1380  }
.Ltmp2:
0xd5: {  	_ = 	snop;
	(pc) =	sbr.rel @p1 .LBB2_1-.Ltmp2, $4  }
0xd6: {  	s0 =	simm.s32 @!p0 $0x3  }
0xd7: {  	_ =	swait.ge @!p0 [sflag:s0], $0x1380  }
0xd8: {  	[sflag:s0] =	ssyncset.done @!p0 $0x0  }
0xd9: {  	[sflag:s0] =	ssyncadd.s32 @!p0 $0xFFFFEC80  }
0xda: {  	_ =	sfence.sel $0x180000  }
0xdb: {  	[bflag:$0x0] =	sbarrier.arrive $0xFFFF  }
0xdc: {  	_ =	strace $0x9000004D  }
0xdd: {  	s0 =	stileid.u32;
	[bflag:$0x2] =	sbarrier.arrive $0xFFFF  }
0xde: {  	p0 =	sne.s32 s0, $0x0;
	s0 =	rddreg [dreg:$0x2]  }
0xdf: {  	s0 =	sadd.s32 @!p0 $0x100000, s0  }
0xe0: {  	[sflag:s0] =	ssyncadd.tile.s32 @!p0 $0x1;
	_ =	shalt  }
.Lfunc_end2:
_tile_overlayer_lowered:
.L_overlay_start_2:
0xe1: {  	(tag) =	ssettag $0x2  }
0xe2: {  	s0 =	rddreg [dreg:$0x0];
	s2 =	stileid.u32  }
0xe3: {  	s1 =	rddreg [dreg:$0x1];
	p0 =	sne.s32 s2, $0x0  }
0xe4: {  	s3 =	rddreg [dreg:$0x2];
	[bflag:$0x3] =	sbarrier.arrive $0xFFFF;
	s2 =	simm.s32 @!p0 $0x1C03  }
0xe5: {  	[timem:s3], [sflag:s2] =	dma.local @!p0 [hbm:s0], s1  }
0xe6: {  	s0 =	simm.s32 @!p0 $0x3  }
0xe7: {  	_ =	swait.ge @!p0 [sflag:s0], s1  }
0xe8: {  	s1 =	ssub.s32 @!p0 $0x0, s1;
	[sflag:s0] =	ssyncset.done @!p0 $0x0  }
0xe9: {  	[sflag:s0] =	ssyncadd.s32 @!p0 s1  }
0xea: {  	[bflag:$0x3] =	sbarrier.arrive $0xFFFF  }
0xeb: {  	_ =	shalt  }

// kernel: kernel.19.cloned.1.call-start
scs
__scs_entry_jumppad:
0x0: {  	(pc) =	sbr.rel $0x88, $3  }
0x1: {  	(tag) =	ssettag $0x0;
	lr =	simm.s32 $0x1  }
0x2: {  	[smem:$0x3F96] =	sst lr;
	_ =	strace $0xD0000000  }
0x3: {  	_ = 	snop  }
0x4: {  	_ = 	snop  }
0x5: {  	_ = 	snop  }
0x6: {  	_ = 	snop  }
0x7: {  	_ = 	snop  }
__scs_overlays_trampoline_lowered:
0x8: {  	[smem:$0x3FA5] =	sst s0  }
0x9: {  	[smem:$0x3FA6] =	sst s1  }
0xa: {  	[smem:$0x3FA7] =	sst s2  }
0xb: {  	[smem:$0x3FA8] =	sst s3  }
0xc: {  	[smem:$0x3FA9] =	sst s4  }
0xd: {  	[smem:$0x3FAA] =	sst s5  }
0xe: {  	[smem:$0x3FAB] =	sst s6  }
0xf: {  	[smem:$0x3FAC] =	sst s7  }
0x10: {  	[smem:$0x3FAD] =	sst s8  }
0x11: {  	[smem:$0x3FAE] =	sst s9;
	s0 =	simm.s32 @!p0 $0x0  }
0x12: {  	s1 =	sld [smem:$0x3F94];
	s0 =	simm.s32 @p0 $0x1  }
0x13: {  	[smem:$0x3FAF] =	sst s0;
	s0 =	simm.s32 @!p1 $0x0  }
0x14: {  	s2 =	sld [smem:$0x3F93];
	s0 =	simm.s32 @p1 $0x1  }
0x15: {  	[smem:$0x3FB0] =	sst s0;
	s0 =	simm.s32 @!p2 $0x0  }
0x16: {  	s3 =	sld [smem:$0x3FDB];
	s0 =	simm.s32 @p2 $0x1  }
0x17: {  	s4 =	simm.s32 $0x1BF5;
	[smem:$0x3FB2] =	sst s0  }
0x18: {  	s0 =	sld [smem:$0x3F95];
	_ =	swait.ge [sflag:s4], $0x0  }
0x19: {  	s7 =	sld [smem:$0x3F96]  }
0x1a: {  	s8 =	sadd.s32 $0xFFFFE003, lr  }
0x1b: {  	s9 =	sadd.s32 $0xFFFFFEF7, lr;
	s5 =	simm.s32 $0xFFFFFFFF;
	p2 =	slt.u32 s8, $0xFFFFF086  }
0x1c: {  	p1 =	slt.u32 s9, $0xF7A;
	s5 =	simm.s32 @!p2 $0x0  }
0x1d: {  	s5 =	simm.s32 @p1 $0x1;
	p0 =	seq.s32 s7, s2  }
0x1e: {  	s7 =	smul.u32 @!p0 $0xF7A, s2;
	p2 =	seq.s32 @!p0 s5, $0x0  }
0x1f: {  	s9 =	smul.u32 $0xF7A, s1;
	s8 =	simm.s32 @!p0 $0x1BF5;
	p2 =	por !p2, p0  }
0x20: {  	[sflag:s8] =	ssyncset.s32 @!p0 $0xFFFFF086;
	s6 =	sadd.s32 @!p0 s3, s7;
	s7 =	simm.s32 @!p0 $0x108  }
0x21: {  	s3 =	sadd.s32 s3, s9;
	s6 =	sadd.s32 @!p0 $0x88, s6;
	s7 =	simm.s32 @p2 $0x1082  }
0x22: {  	[simem:s7], [sflag:s8] =	dma.local @!p0 [hbm:s6], $0xF7A  }
0x23: {  	s9 =	sor.u32 $0xD0000000, s2;
	s6 =	simm.s32 $0x108;
	_ =	swait.ge @!p0 [sflag:s8], $0x0  }
0x24: {  	s3 =	sadd.s32 $0x88, s3;
	s6 =	simm.s32 @!p1 $0x1082;
	[sflag:s4] =	ssyncset.s32 $0xFFFFF086  }
0x25: {  	[simem:s6], [sflag:s4] =	dma.local [hbm:s3], $0xF7A  }
0x26: {  	[smem:$0x3F96] =	sst s1;
	(tag) =	ssettag s2;
	_ =	strace s9  }
0x27: {  	s1 =	sld [smem:$0x3FA6]  }
0x28: {  	s2 =	sld [smem:$0x3FA7]  }
0x29: {  	s4 =	sld [smem:$0x3FA9]  }
0x2a: {  	p0 =	seq.s32 s5, $0x0;
	s5 =	sld [smem:$0x3FAA]  }
0x2b: {  	s6 =	sld [smem:$0x3FAB]  }
0x2c: {  	s7 =	sld [smem:$0x3FAC]  }
0x2d: {  	s3 =	simm.s32 $0x108;
	s8 =	sld [smem:$0x3FAD]  }
0x2e: {  	s3 =	simm.s32 @!p0 $0x1082;
	s9 =	sld [smem:$0x3FAE]  }
0x2f: {  	lr =	sadd.s32 s0, s3;
	s0 =	sld [smem:$0x3FA5]  }
0x30: {  	s3 =	sld [smem:$0x3FA8]  }
0x31: {  	[smem:$0x3FB1] =	sst s10  }
0x32: {  	s10 =	sld [smem:$0x3FAF];
	_ =	sdelay $0x3  }
0x33: {  	p0 =	seq.s32 s10, $0x1;
	s10 =	sld [smem:$0x3FB1];
	_ =	sdelay $0x3  }
0x34: {  	[smem:$0x3FB1] =	sst s10  }
0x35: {  	s10 =	sld [smem:$0x3FB0];
	_ =	sdelay $0x3  }
0x36: {  	p1 =	seq.s32 s10, $0x1;
	s10 =	sld [smem:$0x3FB1];
	_ =	sdelay $0x3  }
0x37: {  	[smem:$0x3FB1] =	sst s10  }
0x38: {  	s10 =	sld [smem:$0x3FB2]  }
0x39: {  	_ = 	snop;
	(pc) =	sbr.ind lr, $3  }
0x3a: {  	_ = 	snop  }
0x3b: {  	_ = 	snop  }
0x3c: {  	p2 =	seq.s32 s10, $0x1;
	s10 =	sld [smem:$0x3FB1]  }
0x3d: {  	_ =	shalt  }
0x3e: {  	_ =	shalt  }
0x3f: {  	_ =	shalt  }
0x40: {  	_ =	shalt  }
0x41: {  	_ =	shalt  }
0x42: {  	_ =	shalt  }
0x43: {  	_ =	shalt  }
0x44: {  	_ =	shalt  }
0x45: {  	_ =	shalt  }
0x46: {  	_ =	shalt  }
0x47: {  	_ =	shalt  }
0x48: {  	_ =	shalt  }
0x49: {  	_ =	shalt  }
0x4a: {  	_ =	shalt  }
0x4b: {  	_ =	shalt  }
0x4c: {  	_ =	shalt  }
0x4d: {  	_ =	shalt  }
0x4e: {  	_ =	shalt  }
0x4f: {  	_ =	shalt  }
0x50: {  	_ =	shalt  }
0x51: {  	_ =	shalt  }
0x52: {  	_ =	shalt  }
0x53: {  	_ =	shalt  }
0x54: {  	_ =	shalt  }
0x55: {  	_ =	shalt  }
0x56: {  	_ =	shalt  }
0x57: {  	_ =	shalt  }
0x58: {  	_ =	shalt  }
0x59: {  	_ =	shalt  }
0x5a: {  	_ =	shalt  }
0x5b: {  	_ =	shalt  }
0x5c: {  	_ =	shalt  }
0x5d: {  	_ =	shalt  }
0x5e: {  	_ =	shalt  }
0x5f: {  	_ =	shalt  }
0x60: {  	_ =	shalt  }
0x61: {  	_ =	shalt  }
0x62: {  	_ =	shalt  }
0x63: {  	_ =	shalt  }
0x64: {  	_ =	shalt  }
0x65: {  	_ =	shalt  }
0x66: {  	_ =	shalt  }
0x67: {  	_ =	shalt  }
0x68: {  	_ =	shalt  }
0x69: {  	_ =	shalt  }
0x6a: {  	_ =	shalt  }
0x6b: {  	_ =	shalt  }
0x6c: {  	_ =	shalt  }
0x6d: {  	_ =	shalt  }
0x6e: {  	_ =	shalt  }
0x6f: {  	_ =	shalt  }
0x70: {  	_ =	shalt  }
0x71: {  	_ =	shalt  }
0x72: {  	_ =	shalt  }
0x73: {  	_ =	shalt  }
0x74: {  	_ =	shalt  }
0x75: {  	_ =	shalt  }
0x76: {  	_ =	shalt  }
0x77: {  	_ =	shalt  }
0x78: {  	_ =	shalt  }
0x79: {  	_ =	shalt  }
0x7a: {  	_ =	shalt  }
0x7b: {  	_ =	shalt  }
0x7c: {  	_ =	shalt  }
0x7d: {  	_ =	shalt  }
0x7e: {  	_ =	shalt  }
0x7f: {  	_ =	shalt  }
0x80: {  	_ =	shalt  }
0x81: {  	_ =	shalt  }
0x82: {  	_ =	shalt  }
0x83: {  	_ =	shalt  }
0x84: {  	_ =	shalt  }
0x85: {  	_ =	shalt  }
0x86: {  	_ =	shalt  }
0x87: {  	_ =	shalt  }
.Lfunc_end0:
.L_simem_size_0:
called_computation.3_lowered:
.L_overlay_start_0:
0x88: {  	s2 =	sld [smem:$0x3FD9]  }
0x89: {  	s3 =	sld [smem:$0x3FFE];
	_ =	sdelay $0x1  }
0x8a: {  	s1 =	srdreg.scid  }
0x8b: {  	s0 =	sand.u32 $0x1, s1  }
0x8c: {  	s17 =	sshll.u32 s0, $0xA;
	s2 =	sadd.s32 s3, s2  }
0x8d: {  	s2 =	sadd.s32 s2, s17  }
0x8e: {  	[smem:$0x3FBD] =	sst s2  }
0x8f: {  	_ = 	snop  }
0x90: {  	s2 =	sld [smem:$0x3FD0];
	(tm) =	ssettm $0x1  }
0x91: {  	s18 =	sld [smem:$0x3FFB];
	_ =	sdelay $0x3  }
0x92: {  	_ =	strace s18  }
0x93: {  	s3 =	sld [smem:$0x3FFC];
	_ =	sdelay $0x3  }
0x94: {  	_ =	strace s3  }
0x95: {  	s3 =	sld [smem:$0x3FFD];
	_ =	sdelay $0x3  }
0x96: {  	_ =	strace s3  }
0x97: {  	_ =	strace $0x8FFFFFFF  }
0x98: {  	s19 =	sld [smem:$0x3FDB];
	_ =	sdelay $0x1  }
0x99: {  	s4 =	simm.s32 $_scs_section_size  }
0x9a: {  	s5 =	simm.s32 $_size__tile_overlayer_lowered;
	s6 =	simm.s32 $_tile_overlayer_lowered  }
0x9b: {  	s22 =	simm.s32 $0x1BFF;
	s21 =	sshll.u32 s6, $0x1;
	s3 =	sadd.s32 s4, s19  }
0x9c: {  	s7 =	simm.s32 $0x0;
	s20 =	sshll.u32 s5, $0x1;
	s5 =	sadd.s32 s21, s3  }
0x9d: {  	[timem:s7], [sflag:s22] =	dma.local [hbm:s5], s20  }
0x9e: {  	_ =	swait.ge [sflag:s22], s20  }
0x9f: {  	s4 =	ssub.s32 $0x0, s20;
	[sflag:s22] =	ssyncset.done $0x0  }
0xa0: {  	[sflag:s22] =	ssyncadd.s32 s4;
	_ =	sdelay $0x1  }
0xa1: {  	s23 =	simm.s32 $0x1B8B  }
0xa2: {  	_ =	swait.ge [sflag:s23], $0x1  }
0xa3: {  	[sflag:s23] =	ssyncset.done $0x0  }
0xa4: {  	s25 =	simm.s32 $0x1B8E;
	s24 =	sld [smem:$0x3FFE];
	[sflag:s23] =	ssyncadd.s32 $0xFFFFFFFF  }
0xa5: {  	s26 =	simm.s32 $execute0_lowered;
	[smem:$0x3FD2] =	sst s25  }
0xa6: {  	s5 =	sshll.u32 s26, $0x1;
	_ =	strace $0x8000004F;
	[dreg:$0x1] =	wrdreg $0xFFFFFFFF  }
0xa7: {  	s28 =	simm.s32 $_size_execute0_lowered;
	s3 =	sadd.s32 s3, s5;
	[dreg:$0x0] =	wrdreg $0x0  }
0xa8: {  	s5 =	sshll.u32 s28, $0x1;
	[dreg:$0x2] =	wrdreg s3  }
0xa9: {  	[dreg:$0x3] =	wrdreg s5  }
0xaa: {  	[dreg:$0x4] =	wrdreg $0xC0  }
0xab: {  	_ =	task [dreg:s7], $0x5FFFF  }
0xac: {  	[dreg:$0x1] =	wrdreg $0xFFFFFFFF  }
0xad: {  	[dreg:$0x0] =	wrdreg $0x60  }
0xae: {  	[dreg:$0x2] =	wrdreg s24  }
0xaf: {  	[dreg:$0x3] =	wrdreg s2  }
0xb0: {  	[dreg:$0x4] =	wrdreg $0x120000  }
0xb1: {  	[dreg:$0x5] =	wrdreg $0x9  }
0xb2: {  	_ =	task.clear_ibuf [dreg:s7], $0x6FFFF;
	_ =	strace $0x9000004F  }
0xb3: {  	s29 =	simm.s32 $0x9;
	_ =	strace $0x80000051  }
0xb4: {  	_ =	swait.ge [sflag:s29], $0x1  }
0xb5: {  	[sflag:s29] =	ssyncadd.s32 $0xFFFFFFFF  }
0xb6: {  	_ =	strace $0x90000051  }
0xb7: {  	_ =	sfence  }
0xb8: {  	s30 =	sld [smem:$0x0];
	_ =	sdelay $0x2  }
0xb9: {  	s31 =	sshll.u32 s1, $0xD;
	s1 =	sshrl.u32 s1, $0x2  }
0xba: {  	s3 =	sand.u32 $0x4000, s31;
	s1 =	sadd.s32 s1, s30  }
0xbb: {  	s0 =	sor.u32 s3, s0;
	s1 =	sshll.u32 s1, $0x11  }
0xbc: {  	s0 =	sor.u32 s1, s0  }
0xbd: {  	s0 =	sadd.s32 $0x8F2B, s0  }
0xbe: {  	[sflag:s0] =	ssyncadd.remote.s32 $0x1  }
0xbf: {  	_ =	sfence.sel $0xFFFF  }
0xc0: {  	[dreg:$0x0] =	wrdreg $0xFFFFFFFF;
	(pc) =	sbr.abs _section_cstart, $3  }
0xc1: {  	[dreg:$0x1] =	wrdreg $0xFFFFFFFF  }
0xc2: {  	_ =	task.clear_ibuf [dreg:s7], $0x2FFFF;
	_ =	strace $0x9FFFFFFF  }
0xc3: {  	(tm) =	ssettm $0x7FFFFFFF  }
tec
execute0_lowered:
.L_overlay_start_1:
0x0: {  	(tag) =	ssettag $0x1  }
0x1: {  	s5 =	rddreg [dreg:$0x0]  }
0x2: {  	s10 =	rddreg [dreg:$0x1]  }
0x3: {  	s2 =	rddreg [dreg:$0x2]  }
0x4: {  	s0 =	rddreg [dreg:$0x3];
	s1 =	stileid.u32  }
0x5: {  	s4 =	srdreg.scid;
	s3 =	simm.s32 $0x0;
	s17 =	simm.s32 $0x80  }
0x6: {  	s18 =	simm.s32 $0xA000;
	s19 =	simm.s32 $0xE000;
	s20 =	simm.s32 $0x1  }
0x7: {  	s21 =	simm.s32 $0x2;
	s22 =	simm.s32 $0x4F80;
	s6 =	smul.u32 $0x5000, s1  }
0x8: {  	s23 =	simm.s32 $0x9F00;
	s24 =	simm.s32 $0x9F80;
	s12 =	smul.u32 $0x27000, s1  }
0x9: {  	s25 =	simm.s32 $0x0;
	s7 =	sand.u32 $0x1, s4;
	s14 =	smul.u32 $0x138, s1  }
0xa: {  	[smem:$0x7FF] =	sst s3;
	s4 =	sadd.s32 $0x2B800, s5;
	s8 =	smul.u32 $0x50000, s7  }
0xb: {  	s15 =	sadd.s32 $0x52A00, s5;
	p0 =	seq.s32 s1, $0xF;
	s26 =	smul.u32 $0x1388, s7  }
0xc: {  	_ =	strace $0x80000050;
	s11 =	ssub.s32 $0x2, s7;
	s7 =	smul.u32 $0x9C400, s7  }
0xd: {  	s9 =	sshrl.u32 s6, $0x3;
	s13 =	sshrl.u32 s11, $0x1;
	s28 =	sshrl.u32 s12, $0x2  }
0xe: {  	s12 =	simm.s32 $0x3;
	s9 =	sadd.s32 s9, s5;
	s6 =	sadd.s32 s6, s8  }
0xf: {  	s11 =	ssub.s32 s11, s13;
	s8 =	sadd.s32 s14, s26;
	s30 =	sshrl.u32 s7, $0x3  }
0x10: {  	s16 =	sadd.s32 s28, s2;
	s14 =	sadd.s32 $0x92400, s2;
	s13 =	simm.s32 $0x5000  }
0x11: {  	s6 =	sshrl.u32 s6, $0x3;
	s29 =	sshll.u32 s8, $0x4;
	s31 =	sadd.s32 $0x12480, s30  }
0x12: {  	s11 =	smax.u32 s11, $0x1;
	s14 =	sshrl.u32 @p0 s14, $0x3;
	s16 =	sshrl.u32 @!p0 s16, $0x3  }
0x13: {  	s6 =	sadd.s32 s6, s5;
	s5 =	sadd.s32 $0x3800, s9;
	s7 =	sadd.s32 s15, s29  }
0x14: {  	s8 =	sadd.s32 s15, s31;
	s9 =	sadd.s32 s10, s29;
	s15 =	sshll.u32 @!p0 s1, $0x6  }
0x15: {  	s10 =	sadd.s32 s10, s31;
	s6 =	sadd.s32 $0x17800, s6;
	s15 =	sor.u32 @!p0 $0x1C03, s15  }
.LBB2_1:
0x16: {  	[tilespmem:s3], [sflag:$0x3] =	stream.linear.gather [hbm4b:s5+s3], $0x5000, $0x38;
	[tilespmem:$0x1BCC0] =	vst v63  }
0x17: {  	_ =	swait.ge [sflag:s12], $0x5000  }
0x18: {  	[sflag:s12] =	ssyncset.done $0x0  }
0x19: {  	[sflag:s12] =	ssyncadd.s32 $0xFFFFB000  }
0x1a: {  	[tilespmem:s13], [sflag:$0x3] =	stream.linear.gather [hbm4b:s6+s3], $0x5000, $0x38;
	[tilespmem:$0x1BCC0] =	vst v63  }
0x1b: {  	_ =	swait.ge [sflag:s12], $0x5000  }
0x1c: {  	[sflag:s12] =	ssyncset.done $0x0  }
0x1d: {  	s26 =	simm.s32 @p0 $0x1FC3;
	[sflag:s12] =	ssyncadd.s32 $0xFFFFB000  }
0x1e: {  	[spmem:s14], [sflag:s26] =	dma.local @p0 [hbm:s8], $0x1400  }
0x1f: {  	s26 =	simm.s32 @p0 $0x3  }
0x20: {  	_ =	swait.ge @p0 [sflag:s26], $0x1400  }
0x21: {  	[sflag:s26] =	ssyncset.done @p0 $0x0  }
0x22: {  	[sflag:s26] =	ssyncadd.s32 @p0 $0xFFFFEC00;
	s26 =	simm.s32 @!p0 $0x3  }
0x23: {  	[spmem:s16], [sflag:s15] =	dma.local @!p0 [hbm:s7], $0x1380  }
0x24: {  	_ =	swait.ge @!p0 [sflag:s26], $0x1380  }
0x25: {  	[sflag:s26] =	ssyncset.done @!p0 $0x0  }
0x26: {  	[sflag:s26] =	ssyncadd.s32 @!p0 $0xFFFFEC80  }
0x27: {  	[bflag:$0x0] =	sbarrier.arrive $0xFFFF  }
0x28: {  	[tilespmem:s18], [sflag:$0x1] =	stream.indirect.gather [hbm4b:s4+s17], $0x80, s3, s17, $0xb8;
	[tilespmem:$0x1BCC0] =	vst v63  }
0x29: {  	s31 =	simm.s32 $0x80  }
0x2a: {  	[tilespmem:s19], [sflag:$0x2] =	stream.indirect.gather [hbm4b:s4+s17], $0x80, s31, s17, $0xb8;
	[tilespmem:$0x1BCC0] =	vst v63  }
0x2b: {  	_ =	swait.ge [sflag:s20], $0x4000  }
0x2c: {  	[sflag:s20] =	ssyncset.done $0x0  }
0x2d: {  	s29 =	simm.s32 $0x5000;
	[sflag:s20] =	ssyncadd.s32 $0xFFFFC000  }
0x2e: {  	[spmem:s2] =	stream.indirect.scatter.add.f32 [tilespmem:s18], [sflag:$0x3], $0x80, s29, s17, $0xb8;
	[tilespmem:$0x1BCC0] =	vst v63  }
0x2f: {  	_ =	swait.ge [sflag:s12], $0x4000  }
0x30: {  	[sflag:s12] =	ssyncset.done $0x0  }
0x31: {  	s30 =	simm.s32 $0x100;
	[sflag:s12] =	ssyncadd.s32 $0xFFFFC000  }
0x32: {  	[tilespmem:s18], [sflag:$0x1] =	stream.indirect.gather [hbm4b:s4+s17], $0x80, s30, s17, $0xb8;
	[tilespmem:$0x1BCC0] =	vst v63  }
0x33: {  	_ =	swait.ge [sflag:s21], $0x4000  }
0x34: {  	[sflag:s21] =	ssyncset.done $0x0  }
0x35: {  	s31 =	simm.s32 $0x5080;
	[sflag:s21] =	ssyncadd.s32 $0xFFFFC000  }
0x36: {  	[spmem:s2] =	stream.indirect.scatter.add.f32 [tilespmem:s19], [sflag:$0x3], $0x80, s31, s17, $0xb8;
	[tilespmem:$0x1BCC0] =	vst v63  }
0x37: {  	_ =	swait.ge [sflag:s12], $0x4000  }
0x38: {  	s28 =	simm.s32 $0x800;
	s26 =	simm.s32 $0x100;
	[sflag:s12] =	ssyncset.done $0x0  }
.LBB2_2:
0x39: {  	s29 =	sadd.s32 $0x80, s26  }
0x3a: {  	[sflag:s12] =	ssyncadd.s32 $0xFFFFC000;
	s30 =	smov.u32 s28;
	s31 =	sadd.s32 $0x400, s28  }
0x3b: {  	[tilespmem:s19], [sflag:$0x2] =	stream.indirect.gather [hbm4b:s4+s17], $0x80, s29, s17, $0xb8;
	[tilespmem:$0x1BCC0] =	vst v63  }
0x3c: {  	p1 =	sne.s32 s28, $0x13800;
	_ =	swait.ge [sflag:s20], $0x4000  }
0x3d: {  	[sflag:s20] =	ssyncset.done $0x0  }
0x3e: {  	s28 =	sadd.s32 $0x5000, s26;
	[sflag:s20] =	ssyncadd.s32 $0xFFFFC000  }
0x3f: {  	[spmem:s2] =	stream.indirect.scatter.add.f32 [tilespmem:s18], [sflag:$0x3], $0x80, s28, s17, $0xb8;
	[tilespmem:$0x1BCC0] =	vst v63  }
0x40: {  	_ =	swait.ge [sflag:s12], $0x4000  }
0x41: {  	[sflag:s12] =	ssyncset.done $0x0  }
0x42: {  	s28 =	sadd.s32 $0x100, s26;
	[sflag:s12] =	ssyncadd.s32 $0xFFFFC000  }
0x43: {  	[tilespmem:s18], [sflag:$0x1] =	stream.indirect.gather [hbm4b:s4+s17], $0x80, s28, s17, $0xb8;
	[tilespmem:$0x1BCC0] =	vst v63  }
0x44: {  	_ =	swait.ge [sflag:s21], $0x4000  }
.Ltmp0:
0x45: {  	[sflag:s21] =	ssyncset.done $0x0;
	(pc) =	sbr.rel @p1 .LBB2_2-.Ltmp0, $4  }
0x46: {  	s26 =	sadd.s32 $0x5080, s26;
	[sflag:s21] =	ssyncadd.s32 $0xFFFFC000  }
0x47: {  	[spmem:s2] =	stream.indirect.scatter.add.f32 [tilespmem:s19], [sflag:$0x3], $0x80, s26, s17, $0xb8;
	[tilespmem:$0x1BCC0] =	vst v63  }
0x48: {  	_ =	swait.ge [sflag:s12], $0x4000  }
0x49: {  	s28 =	smov.u32 s31;
	s26 =	sshra.s32 s30, $0x2;
	[sflag:s12] =	ssyncset.done $0x0  }
0x4a: {  	s28 =	sadd.s32 $0x80, s26;
	[sflag:s12] =	ssyncadd.s32 $0xFFFFC000  }
0x4b: {  	[tilespmem:s19], [sflag:$0x2] =	stream.indirect.gather [hbm4b:s4+s17], $0x80, s28, s17, $0xb8;
	[tilespmem:$0x1BCC0] =	vst v63  }
0x4c: {  	_ =	swait.ge [sflag:s20], $0x4000  }
0x4d: {  	[sflag:s20] =	ssyncset.done $0x0  }
0x4e: {  	s29 =	sadd.s32 $0x5000, s26;
	[sflag:s20] =	ssyncadd.s32 $0xFFFFC000  }
0x4f: {  	[spmem:s2] =	stream.indirect.scatter.add.f32 [tilespmem:s18], [sflag:$0x3], $0x80, s29, s17, $0xb8;
	[tilespmem:$0x1BCC0] =	vst v63  }
0x50: {  	_ =	swait.ge [sflag:s12], $0x4000  }
0x51: {  	[sflag:s12] =	ssyncset.done $0x0  }
0x52: {  	s30 =	sadd.s32 $0x100, s26;
	[sflag:s12] =	ssyncadd.s32 $0xFFFFC000  }
0x53: {  	[tilespmem:s18], [sflag:$0x1] =	stream.indirect.gather [hbm4b:s4+s17], $0x80, s30, s17, $0xb8;
	[tilespmem:$0x1BCC0] =	vst v63  }
0x54: {  	_ =	swait.ge [sflag:s21], $0x4000  }
0x55: {  	[sflag:s21] =	ssyncset.done $0x0  }
0x56: {  	s31 =	sadd.s32 $0x5080, s26;
	[sflag:s21] =	ssyncadd.s32 $0xFFFFC000  }
0x57: {  	[spmem:s2] =	stream.indirect.scatter.add.f32 [tilespmem:s19], [sflag:$0x3], $0x80, s31, s17, $0xb8;
	[tilespmem:$0x1BCC0] =	vst v63  }
0x58: {  	_ =	swait.ge [sflag:s12], $0x4000  }
0x59: {  	[sflag:s12] =	ssyncset.done $0x0  }
0x5a: {  	[sflag:s12] =	ssyncadd.s32 $0xFFFFC000  }
0x5b: {  	[tilespmem:s19], [sflag:$0x2] =	stream.indirect.gather [hbm4b:s4+s17], $0x80, s22, s17, $0xb8;
	[tilespmem:$0x1BCC0] =	vst v63  }
0x5c: {  	_ =	swait.ge [sflag:s20], $0x4000  }
0x5d: {  	[sflag:s20] =	ssyncset.done $0x0  }
0x5e: {  	[sflag:s20] =	ssyncadd.s32 $0xFFFFC000  }
0x5f: {  	[spmem:s2] =	stream.indirect.scatter.add.f32 [tilespmem:s18], [sflag:$0x3], $0x80, s23, s17, $0xb8;
	[tilespmem:$0x1BCC0] =	vst v63  }
0x60: {  	_ =	swait.ge [sflag:s12], $0x4000  }
0x61: {  	[sflag:s12] =	ssyncset.done $0x0  }
0x62: {  	[sflag:s12] =	ssyncadd.s32 $0xFFFFC000  }
0x63: {  	[tilespmem:s18], [sflag:$0x1] =	stream.indirect.gather [hbm4b:s4+s17], $0x80, s22, s17, $0xb8;
	[tilespmem:$0x1BCC0] =	vst v63  }
0x64: {  	_ =	swait.ge [sflag:s21], $0x4000  }
0x65: {  	[sflag:s21] =	ssyncset.done $0x0  }
0x66: {  	[sflag:s21] =	ssyncadd.s32 $0xFFFFC000  }
0x67: {  	[spmem:s2] =	stream.indirect.scatter.add.f32 [tilespmem:s19], [sflag:$0x3], $0x80, s24, s17, $0xb8;
	[tilespmem:$0x1BCC0] =	vst v63  }
0x68: {  	_ =	swait.ge [sflag:s12], $0x4000  }
0x69: {  	[sflag:s12] =	ssyncset.done $0x0  }
0x6a: {  	[sflag:s12] =	ssyncadd.s32 $0xFFFFC000  }
0x6b: {  	_ =	swait.ge [sflag:s20], $0x4000  }
0x6c: {  	[sflag:s20] =	ssyncset.done $0x0  }
0x6d: {  	[sflag:s20] =	ssyncadd.s32 $0xFFFFC000  }
0x6e: {  	s26 =	simm.s32 @p0 $0x1FC3;
	[bflag:$0x0] =	sbarrier.arrive $0xFFFF  }
0x6f: {  	[hbm:s10], [sflag:s26] =	dma.local @p0 [spmem:s14], $0x1400  }
0x70: {  	s26 =	simm.s32 @p0 $0x3  }
0x71: {  	s25 =	sadd.s32 $0x1, s25;
	_ =	swait.ge @p0 [sflag:s26], $0x1400  }
0x72: {  	p1 =	sne.s32 s25, s11;
	[sflag:s26] =	ssyncset.done @p0 $0x0  }
.Ltmp1:
0x73: {  	[sflag:s26] =	ssyncadd.s32 @p0 $0xFFFFEC00;
	s26 =	simm.s32 @!p0 $0x3;
	(pc) =	sbr.rel @p1 .LBB2_1-.Ltmp1, $4  }
0x74: {  	[hbm:s9], [sflag:s15] =	dma.local @!p0 [spmem:s16], $0x1380  }
0x75: {  	_ =	swait.ge @!p0 [sflag:s26], $0x1380  }
0x76: {  	[sflag:s26] =	ssyncset.done @!p0 $0x0  }
0x77: {  	[sflag:s26] =	ssyncadd.s32 @!p0 $0xFFFFEC80  }
0x78: {  	_ =	sfence.sel $0x180000  }
0x79: {  	[bflag:$0x0] =	sbarrier.arrive $0xFFFF  }
0x7a: {  	p0 =	sne.s32 s1, $0x0;
	_ =	strace $0x90000050  }
0x7b: {  	s0 =	sadd.s32 @!p0 $0x100000, s0;
	[bflag:$0x2] =	sbarrier.arrive $0xFFFF  }
0x7c: {  	[sflag:s0] =	ssyncadd.tile.s32 @!p0 $0x1;
	_ =	shalt  }
.Lfunc_end2:
_tile_overlayer_lowered:
.L_overlay_start_2:
0x7d: {  	(tag) =	ssettag $0x2  }
0x7e: {  	s0 =	rddreg [dreg:$0x0];
	s2 =	stileid.u32  }
0x7f: {  	s1 =	rddreg [dreg:$0x1];
	p0 =	sne.s32 s2, $0x0  }
0x80: {  	s3 =	rddreg [dreg:$0x2];
	[bflag:$0x3] =	sbarrier.arrive $0xFFFF;
	s2 =	simm.s32 @!p0 $0x1C03  }
0x81: {  	[timem:s3], [sflag:s2] =	dma.local @!p0 [hbm:s0], s1  }
0x82: {  	s0 =	simm.s32 @!p0 $0x3  }
0x83: {  	_ =	swait.ge @!p0 [sflag:s0], s1  }
0x84: {  	s1 =	ssub.s32 @!p0 $0x0, s1;
	[sflag:s0] =	ssyncset.done @!p0 $0x0  }
0x85: {  	[sflag:s0] =	ssyncadd.s32 @!p0 s1  }
0x86: {  	[bflag:$0x3] =	sbarrier.arrive $0xFFFF  }
0x87: {  	_ =	shalt  }

</sc_bundles>
